<compile_context>
chip_gen: v7x
topology: tpu7x:2x2x1
jax: 0.10.2.dev20260603
libtpu: 0.0.44.dev20260713+nightly
codegen_flags: <defaults>
</compile_context>

<pallas_src>
import functools

import jax
import jax.numpy as jnp
from jax import lax
from jax.experimental import pallas as pl
from jax.experimental.pallas import tpu as pltpu
from jax.experimental.pallas import tpu_sc as plsc

N = 50000
M = 16
E = N * M
B = 256
AF = 64
NF = 41
OAF = 92
ED = 128
NCONV = 3
CW = 2 * AF

NB = 200
EBLK = NB * M
GRID = N // NB

NW = 32
CH = 448
PW = 12544
PAD_H = NW * PW
NCH = PW // CH
NCH2 = NCH // 2
EH = E // 2
GRIDH = GRID // 2


def _sc_gather(table, idx1d):
    mesh = plsc.VectorSubcoreMesh(core_axis_name="c", subcore_axis_name="s")

    @functools.partial(
        pl.kernel,
        out_type=jax.ShapeDtypeStruct((PAD_H, CW), jnp.float32),
        mesh=mesh,
        scratch_types=[
            pltpu.VMEM((CH,), jnp.int32),
            pltpu.VMEM((CH,), jnp.int32),
            pltpu.VMEM((CH, CW), jnp.float32),
            pltpu.VMEM((CH, CW), jnp.float32),
            pltpu.SemaphoreType.DMA,
            pltpu.SemaphoreType.DMA,
        ],
        compiler_params=pltpu.CompilerParams(use_tc_tiling_on_sc=False),
    )
    def k(table_hbm, idx_hbm, out_hbm, idx_a, idx_b, rows_a, rows_b,
          sem_a, sem_b):
        c = lax.axis_index("c")
        s = lax.axis_index("s")
        wid = s * 2 + c
        base = wid * PW

        pltpu.sync_copy(idx_hbm.at[pl.ds(base, CH)], idx_a)
        pltpu.make_async_copy(table_hbm.at[idx_a], rows_a, sem_a).start()

        def body(j2, carry):
            off = base + (2 * j2) * CH
            pltpu.sync_copy(idx_hbm.at[pl.ds(off + CH, CH)], idx_b)
            pltpu.make_async_copy(table_hbm.at[idx_b], rows_b, sem_b).start()
            pltpu.make_async_copy(table_hbm.at[idx_a], rows_a, sem_a).wait()
            pltpu.sync_copy(rows_a, out_hbm.at[pl.ds(off, CH)])

            @pl.when(j2 + 1 < NCH2)
            def _():
                pltpu.sync_copy(idx_hbm.at[pl.ds(off + 2 * CH, CH)], idx_a)
                pltpu.make_async_copy(table_hbm.at[idx_a], rows_a,
                                      sem_a).start()

            pltpu.make_async_copy(table_hbm.at[idx_b], rows_b, sem_b).wait()
            pltpu.sync_copy(rows_b, out_hbm.at[pl.ds(off + CH, CH)])
            return carry

        lax.fori_loop(0, NCH2, body, 0)

    return k(table, idx1d)


def _atom0_body(x_ref, w_ref, b_ref, wn_ref, o_ref, a_ref):
    atom = (
        jnp.dot(x_ref[...], w_ref[...], preferred_element_type=jnp.float32)
        + b_ref[...]
    )
    o_ref[...] = atom
    a_ref[...] = jnp.dot(atom, wn_ref[...], preferred_element_type=jnp.float32)


def _edge_g(atom_ref, gat_ref, fea_ref, ws_ref, we_ref, b_ref):
    s = (
        jnp.dot(atom_ref[...], ws_ref[...], preferred_element_type=jnp.float32)
        + b_ref[...]
    )
    g = jnp.broadcast_to(s[:, None, :], (NB, M, CW)).reshape(EBLK, CW)
    g = g + gat_ref[...]
    g = g + jnp.dot(fea_ref[...], we_ref[...], preferred_element_type=jnp.float32)
    return g


def _passA_body(atom_ref, gat_ref, fea_ref, ws_ref, we_ref, b_ref,
                stat_ref):
    i = pl.program_id(0)
    g = _edge_g(atom_ref, gat_ref, fea_ref, ws_ref, we_ref, b_ref)

    @pl.when(i == 0)
    def _():
        stat_ref[...] = jnp.zeros_like(stat_ref)

    stat_ref[0:1, :] += jnp.sum(g, axis=0)[None]
    stat_ref[1:2, :] += jnp.sum(g * g, axis=0)[None]


def _passB_body(atom_ref, gat_ref, fea_ref, ws_ref, we_ref, b_ref,
                a1_ref, c1_ref, *refs):
    ns_ref, stat_ref = refs[-2], refs[-1]
    i = pl.program_id(0)
    g = _edge_g(atom_ref, gat_ref, fea_ref, ws_ref, we_ref, b_ref)
    gh = g * a1_ref[...] + c1_ref[...]
    filt = jax.nn.sigmoid(gh[:, :AF])
    core = jax.nn.softplus(gh[:, AF:])
    p = (filt * core).reshape(NB, M, AF).sum(axis=1)
    ns_ref[...] = p

    @pl.when(i == 0)
    def _():
        stat_ref[...] = jnp.zeros_like(stat_ref)

    stat_ref[0:1, :] += jnp.sum(p, axis=0)[None]
    stat_ref[1:2, :] += jnp.sum(p * p, axis=0)[None]


def _passC_body(atom_ref, ns_ref, a2_ref, c2_ref, o_ref):
    o_ref[...] = jax.nn.softplus(
        atom_ref[...] + ns_ref[...] * a2_ref[...] + c2_ref[...]
    )


def _passCA_body(atom_ref, ns_ref, a2_ref, c2_ref, wn_ref, o_ref, a_ref):
    atom = jax.nn.softplus(
        atom_ref[...] + ns_ref[...] * a2_ref[...] + c2_ref[...]
    )
    o_ref[...] = atom
    a_ref[...] = jnp.dot(atom, wn_ref[...], preferred_element_type=jnp.float32)


def _pool_body(atom_ref, batch_ref, sum_ref, cnt_ref):
    i = pl.program_id(0)
    bb = batch_ref[0, 0, :]
    seg = lax.broadcasted_iota(jnp.int32, (NB, B), 1)
    onehot = (bb[:, None] == seg).astype(jnp.float32)

    @pl.when(i == 0)
    def _():
        sum_ref[...] = jnp.zeros_like(sum_ref)
        cnt_ref[...] = jnp.zeros_like(cnt_ref)

    sum_ref[...] += lax.dot_general(
        onehot, atom_ref[...], (((0,), (0,)), ((), ())),
        preferred_element_type=jnp.float32,
    )
    cnt_ref[0:1, :] += jnp.sum(onehot, axis=0)[None]


def _head_body(sum_ref, cnt_ref, wfc_ref, bfc_ref, wout_ref, bout_ref, o_ref):
    cnt = jnp.maximum(cnt_ref[0, :], 1.0)
    mean = sum_ref[...] / cnt[:, None]
    h = jax.nn.softplus(mean)
    h = jnp.dot(h, wfc_ref[...], preferred_element_type=jnp.float32) + bfc_ref[...]
    h = jax.nn.softplus(h)
    o_ref[...] = (
        jnp.dot(h, wout_ref[...], preferred_element_type=jnp.float32)
        + bout_ref[...]
    )


def _full(shape):
    return pl.BlockSpec(shape, lambda *a: tuple(0 for _ in shape))


def _atom0(x, w, b, wn):
    return pl.pallas_call(
        _atom0_body,
        grid=(GRID,),
        in_specs=[
            pl.BlockSpec((NB, OAF), lambda i: (i, 0)),
            _full((OAF, AF)),
            _full((1, AF)),
            _full((AF, CW)),
        ],
        out_specs=[
            pl.BlockSpec((NB, AF), lambda i: (i, 0)),
            pl.BlockSpec((NB, CW), lambda i: (i, 0)),
        ],
        out_shape=[
            jax.ShapeDtypeStruct((N, AF), jnp.float32),
            jax.ShapeDtypeStruct((N, CW), jnp.float32),
        ],
    )(x, w, b, wn)


def _half_edge_specs(off):
    return [
        pl.BlockSpec((NB, AF), lambda i: (i + off, 0)),
        pl.BlockSpec((EBLK, CW), lambda i: (i, 0)),
        pl.BlockSpec((EBLK, NF), lambda i: (i + off, 0)),
        _full((AF, CW)),
        _full((NF, CW)),
        _full((1, CW)),
    ]


def _passA(atom, gat, fea, ws, we, b, off):
    return pl.pallas_call(
        _passA_body,
        grid=(GRIDH,),
        in_specs=_half_edge_specs(off),
        out_specs=_full((8, CW)),
        out_shape=jax.ShapeDtypeStruct((8, CW), jnp.float32),
    )(atom, gat, fea, ws, we, b)


def _passB(atom, gat, fea, ws, we, b, a1, c1, off, ns_prev=None):
    ins = [atom, gat, fea, ws, we, b, a1, c1]
    in_specs = _half_edge_specs(off) + [_full((1, CW)), _full((1, CW))]
    aliases = {}
    if ns_prev is not None:
        ins.append(ns_prev)
        in_specs.append(pl.BlockSpec((NB, AF), lambda i: (i + off, 0)))
        aliases = {8: 0}
    return pl.pallas_call(
        _passB_body,
        grid=(GRIDH,),
        in_specs=in_specs,
        out_specs=[
            pl.BlockSpec((NB, AF), lambda i: (i + off, 0)),
            _full((8, AF)),
        ],
        out_shape=[
            jax.ShapeDtypeStruct((N, AF), jnp.float32),
            jax.ShapeDtypeStruct((8, AF), jnp.float32),
        ],
        input_output_aliases=aliases,
    )(*ins)


def _passC(atom, ns, a2, c2):
    return pl.pallas_call(
        _passC_body,
        grid=(GRID,),
        in_specs=[
            pl.BlockSpec((NB, AF), lambda i: (i, 0)),
            pl.BlockSpec((NB, AF), lambda i: (i, 0)),
            _full((1, AF)),
            _full((1, AF)),
        ],
        out_specs=pl.BlockSpec((NB, AF), lambda i: (i, 0)),
        out_shape=jax.ShapeDtypeStruct((N, AF), jnp.float32),
    )(atom, ns, a2, c2)


def _passCA(atom, ns, a2, c2, wn):
    return pl.pallas_call(
        _passCA_body,
        grid=(GRID,),
        in_specs=[
            pl.BlockSpec((NB, AF), lambda i: (i, 0)),
            pl.BlockSpec((NB, AF), lambda i: (i, 0)),
            _full((1, AF)),
            _full((1, AF)),
            _full((AF, CW)),
        ],
        out_specs=[
            pl.BlockSpec((NB, AF), lambda i: (i, 0)),
            pl.BlockSpec((NB, CW), lambda i: (i, 0)),
        ],
        out_shape=[
            jax.ShapeDtypeStruct((N, AF), jnp.float32),
            jax.ShapeDtypeStruct((N, CW), jnp.float32),
        ],
    )(atom, ns, a2, c2, wn)


def _pool(atom, batch3):
    return pl.pallas_call(
        _pool_body,
        grid=(GRID,),
        in_specs=[
            pl.BlockSpec((NB, AF), lambda i: (i, 0)),
            pl.BlockSpec((1, 1, NB), lambda i: (i, 0, 0)),
        ],
        out_specs=[_full((B, AF)), _full((8, B))],
        out_shape=[
            jax.ShapeDtypeStruct((B, AF), jnp.float32),
            jax.ShapeDtypeStruct((8, B), jnp.float32),
        ],
    )(atom, batch3)


def _head(sums, cnts, wfc, bfc, wout, bout):
    return pl.pallas_call(
        _head_body,
        in_specs=[
            _full((B, AF)),
            _full((8, B)),
            _full((AF, ED)),
            _full((1, ED)),
            _full((ED, 1)),
            _full((1, 1)),
        ],
        out_specs=_full((B, 1)),
        out_shape=jax.ShapeDtypeStruct((B, 1), jnp.float32),
    )(sums, cnts, wfc, bfc, wout, bout)


def kernel(x, edge_attr, edge_index, batch, W_in, b_in, convW, convb,
           bn1_g, bn1_b, bn2_g, bn2_b, W_fc, b_fc, W_out, b_out):
    idx = edge_index[1].astype(jnp.int32)
    idx_h0 = jnp.pad(idx[:EH], (0, PAD_H - EH))
    idx_h1 = jnp.pad(idx[EH:], (0, PAD_H - EH))

    atom, a_tbl = _atom0(x, W_in, b_in.reshape(1, AF), convW[0, AF:2 * AF])
    for i in range(NCONV):
        gat0 = _sc_gather(a_tbl, idx_h0)
        gat1 = _sc_gather(a_tbl, idx_h1)
        ws = convW[i, :AF]
        we = convW[i, 2 * AF:]
        bb = convb[i].reshape(1, CW)

        stat1 = (_passA(atom, gat0, edge_attr, ws, we, bb, 0)
                 + _passA(atom, gat1, edge_attr, ws, we, bb, GRIDH))
        m1 = stat1[0] / E
        v1 = stat1[1] / E - m1 * m1
        a1 = bn1_g[i] / jnp.sqrt(v1 + 1e-5)
        c1 = bn1_b[i] - m1 * a1

        ns, statb0 = _passB(atom, gat0, edge_attr, ws, we, bb,
                            a1.reshape(1, CW), c1.reshape(1, CW), 0)
        ns, statb1 = _passB(atom, gat1, edge_attr, ws, we, bb,
                            a1.reshape(1, CW), c1.reshape(1, CW), GRIDH,
                            ns_prev=ns)
        stat2 = statb0 + statb1
        m2 = stat2[0] / N
        v2 = stat2[1] / N - m2 * m2
        a2 = bn2_g[i] / jnp.sqrt(v2 + 1e-5)
        c2 = bn2_b[i] - m2 * a2

        if i + 1 < NCONV:
            atom, a_tbl = _passCA(atom, ns, a2.reshape(1, AF),
                                  c2.reshape(1, AF), convW[i + 1, AF:2 * AF])
        else:
            atom = _passC(atom, ns, a2.reshape(1, AF), c2.reshape(1, AF))

    batch3 = batch.astype(jnp.int32).reshape(GRID, 1, NB)
    sums, cnts = _pool(atom, batch3)
    return _head(sums, cnts, W_fc, b_fc.reshape(1, ED), W_out,
                 b_out.reshape(1, 1))

# --- scband reference (transcript-rebuilt; emitter-appended) ---
"""Pipeline reference for scband-cgcnn-original-19456201850982 (READ-ONLY COPY).

The authoritative reference and input builder live on the scoring server;
editing this copy changes nothing except your own understanding.
"""

import jax, jax.numpy as jnp
import numpy as np

N = 50000
M = 16
E = N * M
B = 256
AF = 64
NF = 41
OAF = 92
ED = 128
NCONV = 3


def setup_inputs(seed: int = 0) -> dict:
    key = jax.random.key(seed)
    ks = jax.random.split(key, 12)
    x = jax.random.normal(ks[0], (N, OAF), dtype=jnp.float32)
    edge_attr = jax.random.uniform(ks[1], (E, NF), dtype=jnp.float32)
    edge_index = jax.random.randint(ks[2], (2, E), 0, N)
    batch = jnp.sort(jax.random.randint(ks[3], (N,), 0, B))
    W_in = jax.random.normal(ks[4], (OAF, AF), dtype=jnp.float32) * 0.05
    b_in = jnp.zeros((AF,), dtype=jnp.float32)
    convW = jax.random.normal(ks[5], (NCONV, 2 * AF + NF, 2 * AF), dtype=jnp.float32) * 0.05
    convb = jnp.zeros((NCONV, 2 * AF), dtype=jnp.float32)
    bn1_g = jnp.ones((NCONV, 2 * AF), dtype=jnp.float32)
    bn1_b = jnp.zeros((NCONV, 2 * AF), dtype=jnp.float32)
    bn2_g = jnp.ones((NCONV, AF), dtype=jnp.float32)
    bn2_b = jnp.zeros((NCONV, AF), dtype=jnp.float32)
    W_fc = jax.random.normal(ks[6], (AF, ED), dtype=jnp.float32) * 0.05
    b_fc = jnp.zeros((ED,), dtype=jnp.float32)
    W_out = jax.random.normal(ks[7], (ED, 1), dtype=jnp.float32) * 0.05
    b_out = jnp.zeros((1,), dtype=jnp.float32)
    return {"x": x, "edge_attr": edge_attr, "edge_index": edge_index, "batch": batch,
            "W_in": W_in, "b_in": b_in, "convW": convW, "convb": convb,
            "bn1_g": bn1_g, "bn1_b": bn1_b, "bn2_g": bn2_g, "bn2_b": bn2_b,
            "W_fc": W_fc, "b_fc": b_fc, "W_out": W_out, "b_out": b_out}


def _bn(v, g, b):
    m = v.mean(axis=0)
    var = v.var(axis=0)
    return (v - m) / jnp.sqrt(var + 1e-5) * g + b


def reference(x, edge_attr, edge_index, batch, W_in, b_in, convW, convb, bn1_g, bn1_b, bn2_g, bn2_b, W_fc, b_fc, W_out, b_out):
    n = x.shape[0]
    nbr_fea = edge_attr.reshape(n, M, NF)
    nbr_idx = edge_index[1].reshape(n, M)
    atom = x @ W_in + b_in
    for i in range(NCONV):
        atom_nbr = atom[nbr_idx, :]
        self_fea = jnp.broadcast_to(atom[:, None, :], (n, M, AF))
        tot = jnp.concatenate([self_fea, atom_nbr, nbr_fea], axis=2)
        g = tot @ convW[i] + convb[i]
        g = _bn(g.reshape(-1, 2 * AF), bn1_g[i], bn1_b[i]).reshape(n, M, 2 * AF)
        nbr_filter = jax.nn.sigmoid(g[..., :AF])
        nbr_core = jax.nn.softplus(g[..., AF:])
        nbr_sumed = jnp.sum(nbr_filter * nbr_core, axis=1)
        nbr_sumed = _bn(nbr_sumed, bn2_g[i], bn2_b[i])
        atom = jax.nn.softplus(atom + nbr_sumed)
    sums = jax.ops.segment_sum(atom, batch, num_segments=B)
    cnts = jax.ops.segment_sum(jnp.ones((n,), dtype=atom.dtype), batch, num_segments=B)
    crys = sums / jnp.clip(cnts, 1.0)[:, None]
    crys = jax.nn.softplus(crys) @ W_fc + b_fc
    crys = jax.nn.softplus(crys)
    return crys @ W_out + b_out

if __name__ == "__main__":
    import jax
    _d = setup_inputs()
    print(jax.jit(kernel)(*tuple(_d.values())))

</pallas_src>

<mosaic_0001>
#map = affine_map<(d0, d1) -> (0, 0)>
#map1 = affine_map<(d0, d1) -> (0)>
module attributes {stable_mosaic.version = 14 : i64} {
  func.func @k(%arg0: i32, %arg1: i32, %arg2: memref<50000x128xf32, #tpu.memory_space<hbm>>, %arg3: memref<401408xi32, #tpu.memory_space<hbm>>, %arg4: memref<401408x128xf32, #tpu.memory_space<hbm>>, %arg5: memref<448xi32, #tpu.memory_space<vmem>>, %arg6: memref<448xi32, #tpu.memory_space<vmem>>, %arg7: memref<448x128xf32, #tpu.memory_space<vmem>>, %arg8: memref<448x128xf32, #tpu.memory_space<vmem>>, %arg9: memref<!tpu.dma_semaphore, #tpu.memory_space<semaphore_mem>>, %arg10: memref<!tpu.dma_semaphore, #tpu.memory_space<semaphore_mem>>) attributes {dimension_semantics = [#tpu.dimension_semantics<core_parallel>, #tpu.dimension_semantics<subcore_parallel>], iteration_bounds = array<i64: 2, 16>, scalar_prefetch = 0 : i64, scratch_operands = 6 : i64, tpu.core_type = #tpu.core_type<sc_vector_subcore>, window_params = [{transform_indices = #map}, {transform_indices = #map1}, {transform_indices = #map}]} {
    %mul3A = arith.constant 2 : i32
    %mul3A_0 = arith.muli %arg1, %mul3A : i32
    %add3A = arith.addi %mul3A_0, %arg0 : i32
    %mul3A_1 = arith.constant 12544 : i32
    %mul3A_2 = arith.muli %add3A, %mul3A_1 : i32
    "tpu.region"() ({
      %run_scoped3A = tpu.sem_alloc : memref<!tpu.dma_semaphore, #tpu.memory_space<semaphore_mem>>
      %dma_start3A_10 = tpu.memref_slice %arg3[%mul3A_2] : memref<401408xi32, #tpu.memory_space<hbm>> -> memref<448xi32, #tpu.memory_space<hbm>>
      %dma_start3A_11 = tpu.memref_slice %arg3[%mul3A_2] : memref<401408xi32, #tpu.memory_space<hbm>> -> memref<448xi32, #tpu.memory_space<hbm>>
      tpu.enqueue_dma source(%dma_start3A_11 : memref<448xi32, #tpu.memory_space<hbm>>) target(%arg5 : memref<448xi32, #tpu.memory_space<vmem>>) target_semaphore(%run_scoped3A : memref<!tpu.dma_semaphore, #tpu.memory_space<semaphore_mem>>)
      %dma_wait3A = tpu.memref_slice %arg3[%mul3A_2] : memref<401408xi32, #tpu.memory_space<hbm>> -> memref<448xi32, #tpu.memory_space<hbm>>
      %dma_wait3A_12 = tpu.memref_slice %arg3[%mul3A_2] : memref<401408xi32, #tpu.memory_space<hbm>> -> memref<448xi32, #tpu.memory_space<hbm>>
      tpu.wait_dma2 semaphore(%run_scoped3A : memref<!tpu.dma_semaphore, #tpu.memory_space<semaphore_mem>>) src(%dma_wait3A_12 : memref<448xi32, #tpu.memory_space<hbm>>) dst(%arg5 : memref<448xi32, #tpu.memory_space<vmem>>)
      tpu.yield
    }) : () -> ()
    %dma_start3A = arith.constant 0 : i32
    %dma_start3A_3 = arith.constant 0 : i32
    %dma_start3A_4 = tpu.memref_slice %arg2[%dma_start3A, %dma_start3A_3] : memref<50000x128xf32, #tpu.memory_space<hbm>> -> memref<50000x128xf32, #tpu.memory_space<hbm>>
    tpu.enqueue_indirect_dma source(%dma_start3A_4 : memref<50000x128xf32, #tpu.memory_space<hbm>>) target(%arg7 : memref<448x128xf32, #tpu.memory_space<vmem>>) offsets(%arg5 : memref<448xi32, #tpu.memory_space<vmem>>) semaphore(%arg9 : memref<!tpu.dma_semaphore, #tpu.memory_space<semaphore_mem>>)
    %scan3A = arith.constant 0 : i32
    %scan3A_5 = arith.constant 0 : i32
    %scan3A_6 = arith.constant 14 : i32
    %scan3A_7 = arith.addi %scan3A_5, %scan3A_6 : i32
    %scan3A_8 = arith.constant 1 : i32
    scf.for %scan3A_10 = %scan3A_5 to %scan3A_7 step %scan3A_8  : i32 {
      %mul3A_11 = arith.constant 2 : i32
      %mul3A_12 = arith.muli %mul3A_11, %scan3A_10 : i32
      %mul3A_13 = arith.constant 448 : i32
      %mul3A_14 = arith.muli %mul3A_12, %mul3A_13 : i32
      %add3A_15 = arith.addi %mul3A_2, %mul3A_14 : i32
      %add3A_16 = arith.constant 448 : i32
      %add3A_17 = arith.addi %add3A_15, %add3A_16 : i32
      "tpu.region"() ({
        %run_scoped3A = tpu.sem_alloc : memref<!tpu.dma_semaphore, #tpu.memory_space<semaphore_mem>>
        %dma_start3A_32 = tpu.memref_slice %arg3[%add3A_17] : memref<401408xi32, #tpu.memory_space<hbm>> -> memref<448xi32, #tpu.memory_space<hbm>>
        %dma_start3A_33 = tpu.memref_slice %arg3[%add3A_17] : memref<401408xi32, #tpu.memory_space<hbm>> -> memref<448xi32, #tpu.memory_space<hbm>>
        tpu.enqueue_dma source(%dma_start3A_33 : memref<448xi32, #tpu.memory_space<hbm>>) target(%arg6 : memref<448xi32, #tpu.memory_space<vmem>>) target_semaphore(%run_scoped3A : memref<!tpu.dma_semaphore, #tpu.memory_space<semaphore_mem>>)
        %dma_wait3A_34 = tpu.memref_slice %arg3[%add3A_17] : memref<401408xi32, #tpu.memory_space<hbm>> -> memref<448xi32, #tpu.memory_space<hbm>>
        %dma_wait3A_35 = tpu.memref_slice %arg3[%add3A_17] : memref<401408xi32, #tpu.memory_space<hbm>> -> memref<448xi32, #tpu.memory_space<hbm>>
        tpu.wait_dma2 semaphore(%run_scoped3A : memref<!tpu.dma_semaphore, #tpu.memory_space<semaphore_mem>>) src(%dma_wait3A_35 : memref<448xi32, #tpu.memory_space<hbm>>) dst(%arg6 : memref<448xi32, #tpu.memory_space<vmem>>)
        tpu.yield
      }) : () -> ()
      %dma_start3A_18 = arith.constant 0 : i32
      %dma_start3A_19 = arith.constant 0 : i32
      %dma_start3A_20 = tpu.memref_slice %arg2[%dma_start3A_18, %dma_start3A_19] : memref<50000x128xf32, #tpu.memory_space<hbm>> -> memref<50000x128xf32, #tpu.memory_space<hbm>>
      tpu.enqueue_indirect_dma source(%dma_start3A_20 : memref<50000x128xf32, #tpu.memory_space<hbm>>) target(%arg8 : memref<448x128xf32, #tpu.memory_space<vmem>>) offsets(%arg6 : memref<448xi32, #tpu.memory_space<vmem>>) semaphore(%arg10 : memref<!tpu.dma_semaphore, #tpu.memory_space<semaphore_mem>>)
      %dma_wait3A = arith.constant 0 : i32
      %dma_wait3A_21 = arith.constant 0 : i32
      %dma_wait3A_22 = tpu.memref_slice %arg2[%dma_wait3A, %dma_wait3A_21] : memref<50000x128xf32, #tpu.memory_space<hbm>> -> memref<50000x128xf32, #tpu.memory_space<hbm>>
      tpu.wait_indirect_dma semaphore(%arg9 : memref<!tpu.dma_semaphore, #tpu.memory_space<semaphore_mem>>) src(%dma_wait3A_22 : memref<50000x128xf32, #tpu.memory_space<hbm>>) dst(%arg7 : memref<448x128xf32, #tpu.memory_space<vmem>>)
      "tpu.region"() ({
        %run_scoped3A = tpu.sem_alloc : memref<!tpu.dma_semaphore, #tpu.memory_space<semaphore_mem>>
        %dma_start3A_32 = arith.constant 0 : i32
        %dma_start3A_33 = tpu.memref_slice %arg4[%add3A_15, %dma_start3A_32] : memref<401408x128xf32, #tpu.memory_space<hbm>> -> memref<448x128xf32, #tpu.memory_space<hbm>>
        %dma_start3A_34 = arith.constant 0 : i32
        %dma_start3A_35 = tpu.memref_slice %arg4[%add3A_15, %dma_start3A_34] : memref<401408x128xf32, #tpu.memory_space<hbm>> -> memref<448x128xf32, #tpu.memory_space<hbm>>
        tpu.enqueue_dma source(%arg7 : memref<448x128xf32, #tpu.memory_space<vmem>>) target(%dma_start3A_35 : memref<448x128xf32, #tpu.memory_space<hbm>>) target_semaphore(%run_scoped3A : memref<!tpu.dma_semaphore, #tpu.memory_space<semaphore_mem>>)
        %dma_wait3A_36 = arith.constant 0 : i32
        %dma_wait3A_37 = tpu.memref_slice %arg4[%add3A_15, %dma_wait3A_36] : memref<401408x128xf32, #tpu.memory_space<hbm>> -> memref<448x128xf32, #tpu.memory_space<hbm>>
        %dma_wait3A_38 = arith.constant 0 : i32
        %dma_wait3A_39 = tpu.memref_slice %arg4[%add3A_15, %dma_wait3A_38] : memref<401408x128xf32, #tpu.memory_space<hbm>> -> memref<448x128xf32, #tpu.memory_space<hbm>>
        tpu.wait_dma2 semaphore(%run_scoped3A : memref<!tpu.dma_semaphore, #tpu.memory_space<semaphore_mem>>) src(%arg7 : memref<448x128xf32, #tpu.memory_space<vmem>>) dst(%dma_wait3A_39 : memref<448x128xf32, #tpu.memory_space<hbm>>)
        tpu.yield
      }) : () -> ()
      %add3A_23 = arith.constant 1 : i32
      %add3A_24 = arith.addi %scan3A_10, %add3A_23 : i32
      %lt3A = arith.constant 14 : i32
      %lt3A_25 = arith.cmpi slt, %add3A_24, %lt3A : i32
      %convert_element_type3A = arith.extui %lt3A_25 : i1 to i32
      %cond3A = arith.constant 0 : i32
      %cond3A_26 = arith.cmpi ne, %convert_element_type3A, %cond3A : i32
      scf.if %cond3A_26 {
        %add3A_32 = arith.constant 896 : i32
        %add3A_33 = arith.addi %add3A_15, %add3A_32 : i32
        "tpu.region"() ({
          %run_scoped3A = tpu.sem_alloc : memref<!tpu.dma_semaphore, #tpu.memory_space<semaphore_mem>>
          %dma_start3A_37 = tpu.memref_slice %arg3[%add3A_33] : memref<401408xi32, #tpu.memory_space<hbm>> -> memref<448xi32, #tpu.memory_space<hbm>>
          %dma_start3A_38 = tpu.memref_slice %arg3[%add3A_33] : memref<401408xi32, #tpu.memory_space<hbm>> -> memref<448xi32, #tpu.memory_space<hbm>>
          tpu.enqueue_dma source(%dma_start3A_38 : memref<448xi32, #tpu.memory_space<hbm>>) target(%arg5 : memref<448xi32, #tpu.memory_space<vmem>>) target_semaphore(%run_scoped3A : memref<!tpu.dma_semaphore, #tpu.memory_space<semaphore_mem>>)
          %dma_wait3A_39 = tpu.memref_slice %arg3[%add3A_33] : memref<401408xi32, #tpu.memory_space<hbm>> -> memref<448xi32, #tpu.memory_space<hbm>>
          %dma_wait3A_40 = tpu.memref_slice %arg3[%add3A_33] : memref<401408xi32, #tpu.memory_space<hbm>> -> memref<448xi32, #tpu.memory_space<hbm>>
          tpu.wait_dma2 semaphore(%run_scoped3A : memref<!tpu.dma_semaphore, #tpu.memory_space<semaphore_mem>>) src(%dma_wait3A_40 : memref<448xi32, #tpu.memory_space<hbm>>) dst(%arg5 : memref<448xi32, #tpu.memory_space<vmem>>)
          tpu.yield
        }) : () -> ()
        %dma_start3A_34 = arith.constant 0 : i32
        %dma_start3A_35 = arith.constant 0 : i32
        %dma_start3A_36 = tpu.memref_slice %arg2[%dma_start3A_34, %dma_start3A_35] : memref<50000x128xf32, #tpu.memory_space<hbm>> -> memref<50000x128xf32, #tpu.memory_space<hbm>>
        tpu.enqueue_indirect_dma source(%dma_start3A_36 : memref<50000x128xf32, #tpu.memory_space<hbm>>) target(%arg7 : memref<448x128xf32, #tpu.memory_space<vmem>>) offsets(%arg5 : memref<448xi32, #tpu.memory_space<vmem>>) semaphore(%arg9 : memref<!tpu.dma_semaphore, #tpu.memory_space<semaphore_mem>>)
      } else {
      }
      %dma_wait3A_27 = arith.constant 0 : i32
      %dma_wait3A_28 = arith.constant 0 : i32
      %dma_wait3A_29 = tpu.memref_slice %arg2[%dma_wait3A_27, %dma_wait3A_28] : memref<50000x128xf32, #tpu.memory_space<hbm>> -> memref<50000x128xf32, #tpu.memory_space<hbm>>
      tpu.wait_indirect_dma semaphore(%arg10 : memref<!tpu.dma_semaphore, #tpu.memory_space<semaphore_mem>>) src(%dma_wait3A_29 : memref<50000x128xf32, #tpu.memory_space<hbm>>) dst(%arg8 : memref<448x128xf32, #tpu.memory_space<vmem>>)
      %add3A_30 = arith.constant 448 : i32
      %add3A_31 = arith.addi %add3A_15, %add3A_30 : i32
      "tpu.region"() ({
        %run_scoped3A = tpu.sem_alloc : memref<!tpu.dma_semaphore, #tpu.memory_space<semaphore_mem>>
        %dma_start3A_32 = arith.constant 0 : i32
        %dma_start3A_33 = tpu.memref_slice %arg4[%add3A_31, %dma_start3A_32] : memref<401408x128xf32, #tpu.memory_space<hbm>> -> memref<448x128xf32, #tpu.memory_space<hbm>>
        %dma_start3A_34 = arith.constant 0 : i32
        %dma_start3A_35 = tpu.memref_slice %arg4[%add3A_31, %dma_start3A_34] : memref<401408x128xf32, #tpu.memory_space<hbm>> -> memref<448x128xf32, #tpu.memory_space<hbm>>
        tpu.enqueue_dma source(%arg8 : memref<448x128xf32, #tpu.memory_space<vmem>>) target(%dma_start3A_35 : memref<448x128xf32, #tpu.memory_space<hbm>>) target_semaphore(%run_scoped3A : memref<!tpu.dma_semaphore, #tpu.memory_space<semaphore_mem>>)
        %dma_wait3A_36 = arith.constant 0 : i32
        %dma_wait3A_37 = tpu.memref_slice %arg4[%add3A_31, %dma_wait3A_36] : memref<401408x128xf32, #tpu.memory_space<hbm>> -> memref<448x128xf32, #tpu.memory_space<hbm>>
        %dma_wait3A_38 = arith.constant 0 : i32
        %dma_wait3A_39 = tpu.memref_slice %arg4[%add3A_31, %dma_wait3A_38] : memref<401408x128xf32, #tpu.memory_space<hbm>> -> memref<448x128xf32, #tpu.memory_space<hbm>>
        tpu.wait_dma2 semaphore(%run_scoped3A : memref<!tpu.dma_semaphore, #tpu.memory_space<semaphore_mem>>) src(%arg8 : memref<448x128xf32, #tpu.memory_space<vmem>>) dst(%dma_wait3A_39 : memref<448x128xf32, #tpu.memory_space<hbm>>)
        tpu.yield
      }) : () -> ()
    }
    %scan3A_9 = arith.constant 14 : i32
    return
  }
}

#map = affine_map<(d0, d1) -> (0, 0)>
#map1 = affine_map<(d0, d1) -> (0)>
module attributes {stable_mosaic.version = 14 : i64} {
  func.func @k(%arg0: i32, %arg1: i32, %arg2: memref<50000x128xf32, #tpu.memory_space<hbm>>, %arg3: memref<401408xi32, #tpu.memory_space<hbm>>, %arg4: memref<401408x128xf32, #tpu.memory_space<hbm>>, %arg5: memref<448xi32, #tpu.memory_space<vmem>>, %arg6: memref<448xi32, #tpu.memory_space<vmem>>, %arg7: memref<448x128xf32, #tpu.memory_space<vmem>>, %arg8: memref<448x128xf32, #tpu.memory_space<vmem>>, %arg9: memref<!tpu.dma_semaphore, #tpu.memory_space<semaphore_mem>>, %arg10: memref<!tpu.dma_semaphore, #tpu.memory_space<semaphore_mem>>) attributes {dimension_semantics = [#tpu.dimension_semantics<core_parallel>, #tpu.dimension_semantics<subcore_parallel>], iteration_bounds = array<i64: 2, 16>, scalar_prefetch = 0 : i64, scratch_operands = 6 : i64, tpu.core_type = #tpu.core_type<sc_vector_subcore>, window_params = [{transform_indices = #map}, {transform_indices = #map1}, {transform_indices = #map}]} {
    %mul3A = arith.constant 2 : i32
    %mul3A_0 = arith.muli %arg1, %mul3A : i32
    %add3A = arith.addi %mul3A_0, %arg0 : i32
    %mul3A_1 = arith.constant 12544 : i32
    %mul3A_2 = arith.muli %add3A, %mul3A_1 : i32
    "tpu.region"() ({
      %run_scoped3A = tpu.sem_alloc : memref<!tpu.dma_semaphore, #tpu.memory_space<semaphore_mem>>
      %dma_start3A_10 = tpu.memref_slice %arg3[%mul3A_2] : memref<401408xi32, #tpu.memory_space<hbm>> -> memref<448xi32, #tpu.memory_space<hbm>>
      %dma_start3A_11 = tpu.memref_slice %arg3[%mul3A_2] : memref<401408xi32, #tpu.memory_space<hbm>> -> memref<448xi32, #tpu.memory_space<hbm>>
      tpu.enqueue_dma source(%dma_start3A_11 : memref<448xi32, #tpu.memory_space<hbm>>) target(%arg5 : memref<448xi32, #tpu.memory_space<vmem>>) target_semaphore(%run_scoped3A : memref<!tpu.dma_semaphore, #tpu.memory_space<semaphore_mem>>)
      %dma_wait3A = tpu.memref_slice %arg3[%mul3A_2] : memref<401408xi32, #tpu.memory_space<hbm>> -> memref<448xi32, #tpu.memory_space<hbm>>
      %dma_wait3A_12 = tpu.memref_slice %arg3[%mul3A_2] : memref<401408xi32, #tpu.memory_space<hbm>> -> memref<448xi32, #tpu.memory_space<hbm>>
      tpu.wait_dma2 semaphore(%run_scoped3A : memref<!tpu.dma_semaphore, #tpu.memory_space<semaphore_mem>>) src(%dma_wait3A_12 : memref<448xi32, #tpu.memory_space<hbm>>) dst(%arg5 : memref<448xi32, #tpu.memory_space<vmem>>)
      tpu.yield
    }) : () -> ()
    %dma_start3A = arith.constant 0 : i32
    %dma_start3A_3 = arith.constant 0 : i32
    %dma_start3A_4 = tpu.memref_slice %arg2[%dma_start3A, %dma_start3A_3] : memref<50000x128xf32, #tpu.memory_space<hbm>> -> memref<50000x128xf32, #tpu.memory_space<hbm>>
    tpu.enqueue_indirect_dma source(%dma_start3A_4 : memref<50000x128xf32, #tpu.memory_space<hbm>>) target(%arg7 : memref<448x128xf32, #tpu.memory_space<vmem>>) offsets(%arg5 : memref<448xi32, #tpu.memory_space<vmem>>) semaphore(%arg9 : memref<!tpu.dma_semaphore, #tpu.memory_space<semaphore_mem>>)
    %scan3A = arith.constant 0 : i32
    %scan3A_5 = arith.constant 0 : i32
    %scan3A_6 = arith.constant 14 : i32
    %scan3A_7 = arith.addi %scan3A_5, %scan3A_6 : i32
    %scan3A_8 = arith.constant 1 : i32
    scf.for %scan3A_10 = %scan3A_5 to %scan3A_7 step %scan3A_8  : i32 {
      %mul3A_11 = arith.constant 2 : i32
      %mul3A_12 = arith.muli %mul3A_11, %scan3A_10 : i32
      %mul3A_13 = arith.constant 448 : i32
      %mul3A_14 = arith.muli %mul3A_12, %mul3A_13 : i32
      %add3A_15 = arith.addi %mul3A_2, %mul3A_14 : i32
      %add3A_16 = arith.constant 448 : i32
      %add3A_17 = arith.addi %add3A_15, %add3A_16 : i32
      "tpu.region"() ({
        %run_scoped3A = tpu.sem_alloc : memref<!tpu.dma_semaphore, #tpu.memory_space<semaphore_mem>>
        %dma_start3A_32 = tpu.memref_slice %arg3[%add3A_17] : memref<401408xi32, #tpu.memory_space<hbm>> -> memref<448xi32, #tpu.memory_space<hbm>>
        %dma_start3A_33 = tpu.memref_slice %arg3[%add3A_17] : memref<401408xi32, #tpu.memory_space<hbm>> -> memref<448xi32, #tpu.memory_space<hbm>>
        tpu.enqueue_dma source(%dma_start3A_33 : memref<448xi32, #tpu.memory_space<hbm>>) target(%arg6 : memref<448xi32, #tpu.memory_space<vmem>>) target_semaphore(%run_scoped3A : memref<!tpu.dma_semaphore, #tpu.memory_space<semaphore_mem>>)
        %dma_wait3A_34 = tpu.memref_slice %arg3[%add3A_17] : memref<401408xi32, #tpu.memory_space<hbm>> -> memref<448xi32, #tpu.memory_space<hbm>>
        %dma_wait3A_35 = tpu.memref_slice %arg3[%add3A_17] : memref<401408xi32, #tpu.memory_space<hbm>> -> memref<448xi32, #tpu.memory_space<hbm>>
        tpu.wait_dma2 semaphore(%run_scoped3A : memref<!tpu.dma_semaphore, #tpu.memory_space<semaphore_mem>>) src(%dma_wait3A_35 : memref<448xi32, #tpu.memory_space<hbm>>) dst(%arg6 : memref<448xi32, #tpu.memory_space<vmem>>)
        tpu.yield
      }) : () -> ()
      %dma_start3A_18 = arith.constant 0 : i32
      %dma_start3A_19 = arith.constant 0 : i32
      %dma_start3A_20 = tpu.memref_slice %arg2[%dma_start3A_18, %dma_start3A_19] : memref<50000x128xf32, #tpu.memory_space<hbm>> -> memref<50000x128xf32, #tpu.memory_space<hbm>>
      tpu.enqueue_indirect_dma source(%dma_start3A_20 : memref<50000x128xf32, #tpu.memory_space<hbm>>) target(%arg8 : memref<448x128xf32, #tpu.memory_space<vmem>>) offsets(%arg6 : memref<448xi32, #tpu.memory_space<vmem>>) semaphore(%arg10 : memref<!tpu.dma_semaphore, #tpu.memory_space<semaphore_mem>>)
      %dma_wait3A = arith.constant 0 : i32
      %dma_wait3A_21 = arith.constant 0 : i32
      %dma_wait3A_22 = tpu.memref_slice %arg2[%dma_wait3A, %dma_wait3A_21] : memref<50000x128xf32, #tpu.memory_space<hbm>> -> memref<50000x128xf32, #tpu.memory_space<hbm>>
      tpu.wait_indirect_dma semaphore(%arg9 : memref<!tpu.dma_semaphore, #tpu.memory_space<semaphore_mem>>) src(%dma_wait3A_22 : memref<50000x128xf32, #tpu.memory_space<hbm>>) dst(%arg7 : memref<448x128xf32, #tpu.memory_space<vmem>>)
      "tpu.region"() ({
        %run_scoped3A = tpu.sem_alloc : memref<!tpu.dma_semaphore, #tpu.memory_space<semaphore_mem>>
        %dma_start3A_32 = arith.constant 0 : i32
        %dma_start3A_33 = tpu.memref_slice %arg4[%add3A_15, %dma_start3A_32] : memref<401408x128xf32, #tpu.memory_space<hbm>> -> memref<448x128xf32, #tpu.memory_space<hbm>>
        %dma_start3A_34 = arith.constant 0 : i32
        %dma_start3A_35 = tpu.memref_slice %arg4[%add3A_15, %dma_start3A_34] : memref<401408x128xf32, #tpu.memory_space<hbm>> -> memref<448x128xf32, #tpu.memory_space<hbm>>
        tpu.enqueue_dma source(%arg7 : memref<448x128xf32, #tpu.memory_space<vmem>>) target(%dma_start3A_35 : memref<448x128xf32, #tpu.memory_space<hbm>>) target_semaphore(%run_scoped3A : memref<!tpu.dma_semaphore, #tpu.memory_space<semaphore_mem>>)
        %dma_wait3A_36 = arith.constant 0 : i32
        %dma_wait3A_37 = tpu.memref_slice %arg4[%add3A_15, %dma_wait3A_36] : memref<401408x128xf32, #tpu.memory_space<hbm>> -> memref<448x128xf32, #tpu.memory_space<hbm>>
        %dma_wait3A_38 = arith.constant 0 : i32
        %dma_wait3A_39 = tpu.memref_slice %arg4[%add3A_15, %dma_wait3A_38] : memref<401408x128xf32, #tpu.memory_space<hbm>> -> memref<448x128xf32, #tpu.memory_space<hbm>>
        tpu.wait_dma2 semaphore(%run_scoped3A : memref<!tpu.dma_semaphore, #tpu.memory_space<semaphore_mem>>) src(%arg7 : memref<448x128xf32, #tpu.memory_space<vmem>>) dst(%dma_wait3A_39 : memref<448x128xf32, #tpu.memory_space<hbm>>)
        tpu.yield
      }) : () -> ()
      %add3A_23 = arith.constant 1 : i32
      %add3A_24 = arith.addi %scan3A_10, %add3A_23 : i32
      %lt3A = arith.constant 14 : i32
      %lt3A_25 = arith.cmpi slt, %add3A_24, %lt3A : i32
      %convert_element_type3A = arith.extui %lt3A_25 : i1 to i32
      %cond3A = arith.constant 0 : i32
      %cond3A_26 = arith.cmpi ne, %convert_element_type3A, %cond3A : i32
      scf.if %cond3A_26 {
        %add3A_32 = arith.constant 896 : i32
        %add3A_33 = arith.addi %add3A_15, %add3A_32 : i32
        "tpu.region"() ({
          %run_scoped3A = tpu.sem_alloc : memref<!tpu.dma_semaphore, #tpu.memory_space<semaphore_mem>>
          %dma_start3A_37 = tpu.memref_slice %arg3[%add3A_33] : memref<401408xi32, #tpu.memory_space<hbm>> -> memref<448xi32, #tpu.memory_space<hbm>>
          %dma_start3A_38 = tpu.memref_slice %arg3[%add3A_33] : memref<401408xi32, #tpu.memory_space<hbm>> -> memref<448xi32, #tpu.memory_space<hbm>>
          tpu.enqueue_dma source(%dma_start3A_38 : memref<448xi32, #tpu.memory_space<hbm>>) target(%arg5 : memref<448xi32, #tpu.memory_space<vmem>>) target_semaphore(%run_scoped3A : memref<!tpu.dma_semaphore, #tpu.memory_space<semaphore_mem>>)
          %dma_wait3A_39 = tpu.memref_slice %arg3[%add3A_33] : memref<401408xi32, #tpu.memory_space<hbm>> -> memref<448xi32, #tpu.memory_space<hbm>>
          %dma_wait3A_40 = tpu.memref_slice %arg3[%add3A_33] : memref<401408xi32, #tpu.memory_space<hbm>> -> memref<448xi32, #tpu.memory_space<hbm>>
          tpu.wait_dma2 semaphore(%run_scoped3A : memref<!tpu.dma_semaphore, #tpu.memory_space<semaphore_mem>>) src(%dma_wait3A_40 : memref<448xi32, #tpu.memory_space<hbm>>) dst(%arg5 : memref<448xi32, #tpu.memory_space<vmem>>)
          tpu.yield
        }) : () -> ()
        %dma_start3A_34 = arith.constant 0 : i32
        %dma_start3A_35 = arith.constant 0 : i32
        %dma_start3A_36 = tpu.memref_slice %arg2[%dma_start3A_34, %dma_start3A_35] : memref<50000x128xf32, #tpu.memory_space<hbm>> -> memref<50000x128xf32, #tpu.memory_space<hbm>>
        tpu.enqueue_indirect_dma source(%dma_start3A_36 : memref<50000x128xf32, #tpu.memory_space<hbm>>) target(%arg7 : memref<448x128xf32, #tpu.memory_space<vmem>>) offsets(%arg5 : memref<448xi32, #tpu.memory_space<vmem>>) semaphore(%arg9 : memref<!tpu.dma_semaphore, #tpu.memory_space<semaphore_mem>>)
      } else {
      }
      %dma_wait3A_27 = arith.constant 0 : i32
      %dma_wait3A_28 = arith.constant 0 : i32
      %dma_wait3A_29 = tpu.memref_slice %arg2[%dma_wait3A_27, %dma_wait3A_28] : memref<50000x128xf32, #tpu.memory_space<hbm>> -> memref<50000x128xf32, #tpu.memory_space<hbm>>
      tpu.wait_indirect_dma semaphore(%arg10 : memref<!tpu.dma_semaphore, #tpu.memory_space<semaphore_mem>>) src(%dma_wait3A_29 : memref<50000x128xf32, #tpu.memory_space<hbm>>) dst(%arg8 : memref<448x128xf32, #tpu.memory_space<vmem>>)
      %add3A_30 = arith.constant 448 : i32
      %add3A_31 = arith.addi %add3A_15, %add3A_30 : i32
      "tpu.region"() ({
        %run_scoped3A = tpu.sem_alloc : memref<!tpu.dma_semaphore, #tpu.memory_space<semaphore_mem>>
        %dma_start3A_32 = arith.constant 0 : i32
        %dma_start3A_33 = tpu.memref_slice %arg4[%add3A_31, %dma_start3A_32] : memref<401408x128xf32, #tpu.memory_space<hbm>> -> memref<448x128xf32, #tpu.memory_space<hbm>>
        %dma_start3A_34 = arith.constant 0 : i32
        %dma_start3A_35 = tpu.memref_slice %arg4[%add3A_31, %dma_start3A_34] : memref<401408x128xf32, #tpu.memory_space<hbm>> -> memref<448x128xf32, #tpu.memory_space<hbm>>
        tpu.enqueue_dma source(%arg8 : memref<448x128xf32, #tpu.memory_space<vmem>>) target(%dma_start3A_35 : memref<448x128xf32, #tpu.memory_space<hbm>>) target_semaphore(%run_scoped3A : memref<!tpu.dma_semaphore, #tpu.memory_space<semaphore_mem>>)
        %dma_wait3A_36 = arith.constant 0 : i32
        %dma_wait3A_37 = tpu.memref_slice %arg4[%add3A_31, %dma_wait3A_36] : memref<401408x128xf32, #tpu.memory_space<hbm>> -> memref<448x128xf32, #tpu.memory_space<hbm>>
        %dma_wait3A_38 = arith.constant 0 : i32
        %dma_wait3A_39 = tpu.memref_slice %arg4[%add3A_31, %dma_wait3A_38] : memref<401408x128xf32, #tpu.memory_space<hbm>> -> memref<448x128xf32, #tpu.memory_space<hbm>>
        tpu.wait_dma2 semaphore(%run_scoped3A : memref<!tpu.dma_semaphore, #tpu.memory_space<semaphore_mem>>) src(%arg8 : memref<448x128xf32, #tpu.memory_space<vmem>>) dst(%dma_wait3A_39 : memref<448x128xf32, #tpu.memory_space<hbm>>)
        tpu.yield
      }) : () -> ()
    }
    %scan3A_9 = arith.constant 14 : i32
    return
  }
}

#map = affine_map<(d0, d1) -> (0, 0)>
#map1 = affine_map<(d0, d1) -> (0)>
module attributes {stable_mosaic.version = 14 : i64} {
  func.func @k(%arg0: i32, %arg1: i32, %arg2: memref<50000x128xf32, #tpu.memory_space<hbm>>, %arg3: memref<401408xi32, #tpu.memory_space<hbm>>, %arg4: memref<401408x128xf32, #tpu.memory_space<hbm>>, %arg5: memref<448xi32, #tpu.memory_space<vmem>>, %arg6: memref<448xi32, #tpu.memory_space<vmem>>, %arg7: memref<448x128xf32, #tpu.memory_space<vmem>>, %arg8: memref<448x128xf32, #tpu.memory_space<vmem>>, %arg9: memref<!tpu.dma_semaphore, #tpu.memory_space<semaphore_mem>>, %arg10: memref<!tpu.dma_semaphore, #tpu.memory_space<semaphore_mem>>) attributes {dimension_semantics = [#tpu.dimension_semantics<core_parallel>, #tpu.dimension_semantics<subcore_parallel>], iteration_bounds = array<i64: 2, 16>, scalar_prefetch = 0 : i64, scratch_operands = 6 : i64, tpu.core_type = #tpu.core_type<sc_vector_subcore>, window_params = [{transform_indices = #map}, {transform_indices = #map1}, {transform_indices = #map}]} {
    %mul3A = arith.constant 2 : i32
    %mul3A_0 = arith.muli %arg1, %mul3A : i32
    %add3A = arith.addi %mul3A_0, %arg0 : i32
    %mul3A_1 = arith.constant 12544 : i32
    %mul3A_2 = arith.muli %add3A, %mul3A_1 : i32
    "tpu.region"() ({
      %run_scoped3A = tpu.sem_alloc : memref<!tpu.dma_semaphore, #tpu.memory_space<semaphore_mem>>
      %dma_start3A_10 = tpu.memref_slice %arg3[%mul3A_2] : memref<401408xi32, #tpu.memory_space<hbm>> -> memref<448xi32, #tpu.memory_space<hbm>>
      %dma_start3A_11 = tpu.memref_slice %arg3[%mul3A_2] : memref<401408xi32, #tpu.memory_space<hbm>> -> memref<448xi32, #tpu.memory_space<hbm>>
      tpu.enqueue_dma source(%dma_start3A_11 : memref<448xi32, #tpu.memory_space<hbm>>) target(%arg5 : memref<448xi32, #tpu.memory_space<vmem>>) target_semaphore(%run_scoped3A : memref<!tpu.dma_semaphore, #tpu.memory_space<semaphore_mem>>)
      %dma_wait3A = tpu.memref_slice %arg3[%mul3A_2] : memref<401408xi32, #tpu.memory_space<hbm>> -> memref<448xi32, #tpu.memory_space<hbm>>
      %dma_wait3A_12 = tpu.memref_slice %arg3[%mul3A_2] : memref<401408xi32, #tpu.memory_space<hbm>> -> memref<448xi32, #tpu.memory_space<hbm>>
      tpu.wait_dma2 semaphore(%run_scoped3A : memref<!tpu.dma_semaphore, #tpu.memory_space<semaphore_mem>>) src(%dma_wait3A_12 : memref<448xi32, #tpu.memory_space<hbm>>) dst(%arg5 : memref<448xi32, #tpu.memory_space<vmem>>)
      tpu.yield
    }) : () -> ()
    %dma_start3A = arith.constant 0 : i32
    %dma_start3A_3 = arith.constant 0 : i32
    %dma_start3A_4 = tpu.memref_slice %arg2[%dma_start3A, %dma_start3A_3] : memref<50000x128xf32, #tpu.memory_space<hbm>> -> memref<50000x128xf32, #tpu.memory_space<hbm>>
    tpu.enqueue_indirect_dma source(%dma_start3A_4 : memref<50000x128xf32, #tpu.memory_space<hbm>>) target(%arg7 : memref<448x128xf32, #tpu.memory_space<vmem>>) offsets(%arg5 : memref<448xi32, #tpu.memory_space<vmem>>) semaphore(%arg9 : memref<!tpu.dma_semaphore, #tpu.memory_space<semaphore_mem>>)
    %scan3A = arith.constant 0 : i32
    %scan3A_5 = arith.constant 0 : i32
    %scan3A_6 = arith.constant 14 : i32
    %scan3A_7 = arith.addi %scan3A_5, %scan3A_6 : i32
    %scan3A_8 = arith.constant 1 : i32
    scf.for %scan3A_10 = %scan3A_5 to %scan3A_7 step %scan3A_8  : i32 {
      %mul3A_11 = arith.constant 2 : i32
      %mul3A_12 = arith.muli %mul3A_11, %scan3A_10 : i32
      %mul3A_13 = arith.constant 448 : i32
      %mul3A_14 = arith.muli %mul3A_12, %mul3A_13 : i32
      %add3A_15 = arith.addi %mul3A_2, %mul3A_14 : i32
      %add3A_16 = arith.constant 448 : i32
      %add3A_17 = arith.addi %add3A_15, %add3A_16 : i32
      "tpu.region"() ({
        %run_scoped3A = tpu.sem_alloc : memref<!tpu.dma_semaphore, #tpu.memory_space<semaphore_mem>>
        %dma_start3A_32 = tpu.memref_slice %arg3[%add3A_17] : memref<401408xi32, #tpu.memory_space<hbm>> -> memref<448xi32, #tpu.memory_space<hbm>>
        %dma_start3A_33 = tpu.memref_slice %arg3[%add3A_17] : memref<401408xi32, #tpu.memory_space<hbm>> -> memref<448xi32, #tpu.memory_space<hbm>>
        tpu.enqueue_dma source(%dma_start3A_33 : memref<448xi32, #tpu.memory_space<hbm>>) target(%arg6 : memref<448xi32, #tpu.memory_space<vmem>>) target_semaphore(%run_scoped3A : memref<!tpu.dma_semaphore, #tpu.memory_space<semaphore_mem>>)
        %dma_wait3A_34 = tpu.memref_slice %arg3[%add3A_17] : memref<401408xi32, #tpu.memory_space<hbm>> -> memref<448xi32, #tpu.memory_space<hbm>>
        %dma_wait3A_35 = tpu.memref_slice %arg3[%add3A_17] : memref<401408xi32, #tpu.memory_space<hbm>> -> memref<448xi32, #tpu.memory_space<hbm>>
        tpu.wait_dma2 semaphore(%run_scoped3A : memref<!tpu.dma_semaphore, #tpu.memory_space<semaphore_mem>>) src(%dma_wait3A_35 : memref<448xi32, #tpu.memory_space<hbm>>) dst(%arg6 : memref<448xi32, #tpu.memory_space<vmem>>)
        tpu.yield
      }) : () -> ()
      %dma_start3A_18 = arith.constant 0 : i32
      %dma_start3A_19 = arith.constant 0 : i32
      %dma_start3A_20 = tpu.memref_slice %arg2[%dma_start3A_18, %dma_start3A_19] : memref<50000x128xf32, #tpu.memory_space<hbm>> -> memref<50000x128xf32, #tpu.memory_space<hbm>>
      tpu.enqueue_indirect_dma source(%dma_start3A_20 : memref<50000x128xf32, #tpu.memory_space<hbm>>) target(%arg8 : memref<448x128xf32, #tpu.memory_space<vmem>>) offsets(%arg6 : memref<448xi32, #tpu.memory_space<vmem>>) semaphore(%arg10 : memref<!tpu.dma_semaphore, #tpu.memory_space<semaphore_mem>>)
      %dma_wait3A = arith.constant 0 : i32
      %dma_wait3A_21 = arith.constant 0 : i32
      %dma_wait3A_22 = tpu.memref_slice %arg2[%dma_wait3A, %dma_wait3A_21] : memref<50000x128xf32, #tpu.memory_space<hbm>> -> memref<50000x128xf32, #tpu.memory_space<hbm>>
      tpu.wait_indirect_dma semaphore(%arg9 : memref<!tpu.dma_semaphore, #tpu.memory_space<semaphore_mem>>) src(%dma_wait3A_22 : memref<50000x128xf32, #tpu.memory_space<hbm>>) dst(%arg7 : memref<448x128xf32, #tpu.memory_space<vmem>>)
      "tpu.region"() ({
        %run_scoped3A = tpu.sem_alloc : memref<!tpu.dma_semaphore, #tpu.memory_space<semaphore_mem>>
        %dma_start3A_32 = arith.constant 0 : i32
        %dma_start3A_33 = tpu.memref_slice %arg4[%add3A_15, %dma_start3A_32] : memref<401408x128xf32, #tpu.memory_space<hbm>> -> memref<448x128xf32, #tpu.memory_space<hbm>>
        %dma_start3A_34 = arith.constant 0 : i32
        %dma_start3A_35 = tpu.memref_slice %arg4[%add3A_15, %dma_start3A_34] : memref<401408x128xf32, #tpu.memory_space<hbm>> -> memref<448x128xf32, #tpu.memory_space<hbm>>
        tpu.enqueue_dma source(%arg7 : memref<448x128xf32, #tpu.memory_space<vmem>>) target(%dma_start3A_35 : memref<448x128xf32, #tpu.memory_space<hbm>>) target_semaphore(%run_scoped3A : memref<!tpu.dma_semaphore, #tpu.memory_space<semaphore_mem>>)
        %dma_wait3A_36 = arith.constant 0 : i32
        %dma_wait3A_37 = tpu.memref_slice %arg4[%add3A_15, %dma_wait3A_36] : memref<401408x128xf32, #tpu.memory_space<hbm>> -> memref<448x128xf32, #tpu.memory_space<hbm>>
        %dma_wait3A_38 = arith.constant 0 : i32
        %dma_wait3A_39 = tpu.memref_slice %arg4[%add3A_15, %dma_wait3A_38] : memref<401408x128xf32, #tpu.memory_space<hbm>> -> memref<448x128xf32, #tpu.memory_space<hbm>>
        tpu.wait_dma2 semaphore(%run_scoped3A : memref<!tpu.dma_semaphore, #tpu.memory_space<semaphore_mem>>) src(%arg7 : memref<448x128xf32, #tpu.memory_space<vmem>>) dst(%dma_wait3A_39 : memref<448x128xf32, #tpu.memory_space<hbm>>)
        tpu.yield
      }) : () -> ()
      %add3A_23 = arith.constant 1 : i32
      %add3A_24 = arith.addi %scan3A_10, %add3A_23 : i32
      %lt3A = arith.constant 14 : i32
      %lt3A_25 = arith.cmpi slt, %add3A_24, %lt3A : i32
      %convert_element_type3A = arith.extui %lt3A_25 : i1 to i32
      %cond3A = arith.constant 0 : i32
      %cond3A_26 = arith.cmpi ne, %convert_element_type3A, %cond3A : i32
      scf.if %cond3A_26 {
        %add3A_32 = arith.constant 896 : i32
        %add3A_33 = arith.addi %add3A_15, %add3A_32 : i32
        "tpu.region"() ({
          %run_scoped3A = tpu.sem_alloc : memref<!tpu.dma_semaphore, #tpu.memory_space<semaphore_mem>>
          %dma_start3A_37 = tpu.memref_slice %arg3[%add3A_33] : memref<401408xi32, #tpu.memory_space<hbm>> -> memref<448xi32, #tpu.memory_space<hbm>>
          %dma_start3A_38 = tpu.memref_slice %arg3[%add3A_33] : memref<401408xi32, #tpu.memory_space<hbm>> -> memref<448xi32, #tpu.memory_space<hbm>>
          tpu.enqueue_dma source(%dma_start3A_38 : memref<448xi32, #tpu.memory_space<hbm>>) target(%arg5 : memref<448xi32, #tpu.memory_space<vmem>>) target_semaphore(%run_scoped3A : memref<!tpu.dma_semaphore, #tpu.memory_space<semaphore_mem>>)
          %dma_wait3A_39 = tpu.memref_slice %arg3[%add3A_33] : memref<401408xi32, #tpu.memory_space<hbm>> -> memref<448xi32, #tpu.memory_space<hbm>>
          %dma_wait3A_40 = tpu.memref_slice %arg3[%add3A_33] : memref<401408xi32, #tpu.memory_space<hbm>> -> memref<448xi32, #tpu.memory_space<hbm>>
          tpu.wait_dma2 semaphore(%run_scoped3A : memref<!tpu.dma_semaphore, #tpu.memory_space<semaphore_mem>>) src(%dma_wait3A_40 : memref<448xi32, #tpu.memory_space<hbm>>) dst(%arg5 : memref<448xi32, #tpu.memory_space<vmem>>)
          tpu.yield
        }) : () -> ()
        %dma_start3A_34 = arith.constant 0 : i32
        %dma_start3A_35 = arith.constant 0 : i32
        %dma_start3A_36 = tpu.memref_slice %arg2[%dma_start3A_34, %dma_start3A_35] : memref<50000x128xf32, #tpu.memory_space<hbm>> -> memref<50000x128xf32, #tpu.memory_space<hbm>>
        tpu.enqueue_indirect_dma source(%dma_start3A_36 : memref<50000x128xf32, #tpu.memory_space<hbm>>) target(%arg7 : memref<448x128xf32, #tpu.memory_space<vmem>>) offsets(%arg5 : memref<448xi32, #tpu.memory_space<vmem>>) semaphore(%arg9 : memref<!tpu.dma_semaphore, #tpu.memory_space<semaphore_mem>>)
      } else {
      }
      %dma_wait3A_27 = arith.constant 0 : i32
      %dma_wait3A_28 = arith.constant 0 : i32
      %dma_wait3A_29 = tpu.memref_slice %arg2[%dma_wait3A_27, %dma_wait3A_28] : memref<50000x128xf32, #tpu.memory_space<hbm>> -> memref<50000x128xf32, #tpu.memory_space<hbm>>
      tpu.wait_indirect_dma semaphore(%arg10 : memref<!tpu.dma_semaphore, #tpu.memory_space<semaphore_mem>>) src(%dma_wait3A_29 : memref<50000x128xf32, #tpu.memory_space<hbm>>) dst(%arg8 : memref<448x128xf32, #tpu.memory_space<vmem>>)
      %add3A_30 = arith.constant 448 : i32
      %add3A_31 = arith.addi %add3A_15, %add3A_30 : i32
      "tpu.region"() ({
        %run_scoped3A = tpu.sem_alloc : memref<!tpu.dma_semaphore, #tpu.memory_space<semaphore_mem>>
        %dma_start3A_32 = arith.constant 0 : i32
        %dma_start3A_33 = tpu.memref_slice %arg4[%add3A_31, %dma_start3A_32] : memref<401408x128xf32, #tpu.memory_space<hbm>> -> memref<448x128xf32, #tpu.memory_space<hbm>>
        %dma_start3A_34 = arith.constant 0 : i32
        %dma_start3A_35 = tpu.memref_slice %arg4[%add3A_31, %dma_start3A_34] : memref<401408x128xf32, #tpu.memory_space<hbm>> -> memref<448x128xf32, #tpu.memory_space<hbm>>
        tpu.enqueue_dma source(%arg8 : memref<448x128xf32, #tpu.memory_space<vmem>>) target(%dma_start3A_35 : memref<448x128xf32, #tpu.memory_space<hbm>>) target_semaphore(%run_scoped3A : memref<!tpu.dma_semaphore, #tpu.memory_space<semaphore_mem>>)
        %dma_wait3A_36 = arith.constant 0 : i32
        %dma_wait3A_37 = tpu.memref_slice %arg4[%add3A_31, %dma_wait3A_36] : memref<401408x128xf32, #tpu.memory_space<hbm>> -> memref<448x128xf32, #tpu.memory_space<hbm>>
        %dma_wait3A_38 = arith.constant 0 : i32
        %dma_wait3A_39 = tpu.memref_slice %arg4[%add3A_31, %dma_wait3A_38] : memref<401408x128xf32, #tpu.memory_space<hbm>> -> memref<448x128xf32, #tpu.memory_space<hbm>>
        tpu.wait_dma2 semaphore(%run_scoped3A : memref<!tpu.dma_semaphore, #tpu.memory_space<semaphore_mem>>) src(%arg8 : memref<448x128xf32, #tpu.memory_space<vmem>>) dst(%dma_wait3A_39 : memref<448x128xf32, #tpu.memory_space<hbm>>)
        tpu.yield
      }) : () -> ()
    }
    %scan3A_9 = arith.constant 14 : i32
    return
  }
}

#map = affine_map<(d0, d1) -> (0, 0)>
#map1 = affine_map<(d0, d1) -> (0)>
module attributes {stable_mosaic.version = 14 : i64} {
  func.func @k(%arg0: i32, %arg1: i32, %arg2: memref<50000x128xf32, #tpu.memory_space<hbm>>, %arg3: memref<401408xi32, #tpu.memory_space<hbm>>, %arg4: memref<401408x128xf32, #tpu.memory_space<hbm>>, %arg5: memref<448xi32, #tpu.memory_space<vmem>>, %arg6: memref<448xi32, #tpu.memory_space<vmem>>, %arg7: memref<448x128xf32, #tpu.memory_space<vmem>>, %arg8: memref<448x128xf32, #tpu.memory_space<vmem>>, %arg9: memref<!tpu.dma_semaphore, #tpu.memory_space<semaphore_mem>>, %arg10: memref<!tpu.dma_semaphore, #tpu.memory_space<semaphore_mem>>) attributes {dimension_semantics = [#tpu.dimension_semantics<core_parallel>, #tpu.dimension_semantics<subcore_parallel>], iteration_bounds = array<i64: 2, 16>, scalar_prefetch = 0 : i64, scratch_operands = 6 : i64, tpu.core_type = #tpu.core_type<sc_vector_subcore>, window_params = [{transform_indices = #map}, {transform_indices = #map1}, {transform_indices = #map}]} {
    %mul3A = arith.constant 2 : i32
    %mul3A_0 = arith.muli %arg1, %mul3A : i32
    %add3A = arith.addi %mul3A_0, %arg0 : i32
    %mul3A_1 = arith.constant 12544 : i32
    %mul3A_2 = arith.muli %add3A, %mul3A_1 : i32
    "tpu.region"() ({
      %run_scoped3A = tpu.sem_alloc : memref<!tpu.dma_semaphore, #tpu.memory_space<semaphore_mem>>
      %dma_start3A_10 = tpu.memref_slice %arg3[%mul3A_2] : memref<401408xi32, #tpu.memory_space<hbm>> -> memref<448xi32, #tpu.memory_space<hbm>>
      %dma_start3A_11 = tpu.memref_slice %arg3[%mul3A_2] : memref<401408xi32, #tpu.memory_space<hbm>> -> memref<448xi32, #tpu.memory_space<hbm>>
      tpu.enqueue_dma source(%dma_start3A_11 : memref<448xi32, #tpu.memory_space<hbm>>) target(%arg5 : memref<448xi32, #tpu.memory_space<vmem>>) target_semaphore(%run_scoped3A : memref<!tpu.dma_semaphore, #tpu.memory_space<semaphore_mem>>)
      %dma_wait3A = tpu.memref_slice %arg3[%mul3A_2] : memref<401408xi32, #tpu.memory_space<hbm>> -> memref<448xi32, #tpu.memory_space<hbm>>
      %dma_wait3A_12 = tpu.memref_slice %arg3[%mul3A_2] : memref<401408xi32, #tpu.memory_space<hbm>> -> memref<448xi32, #tpu.memory_space<hbm>>
      tpu.wait_dma2 semaphore(%run_scoped3A : memref<!tpu.dma_semaphore, #tpu.memory_space<semaphore_mem>>) src(%dma_wait3A_12 : memref<448xi32, #tpu.memory_space<hbm>>) dst(%arg5 : memref<448xi32, #tpu.memory_space<vmem>>)
      tpu.yield
    }) : () -> ()
    %dma_start3A = arith.constant 0 : i32
    %dma_start3A_3 = arith.constant 0 : i32
    %dma_start3A_4 = tpu.memref_slice %arg2[%dma_start3A, %dma_start3A_3] : memref<50000x128xf32, #tpu.memory_space<hbm>> -> memref<50000x128xf32, #tpu.memory_space<hbm>>
    tpu.enqueue_indirect_dma source(%dma_start3A_4 : memref<50000x128xf32, #tpu.memory_space<hbm>>) target(%arg7 : memref<448x128xf32, #tpu.memory_space<vmem>>) offsets(%arg5 : memref<448xi32, #tpu.memory_space<vmem>>) semaphore(%arg9 : memref<!tpu.dma_semaphore, #tpu.memory_space<semaphore_mem>>)
    %scan3A = arith.constant 0 : i32
    %scan3A_5 = arith.constant 0 : i32
    %scan3A_6 = arith.constant 14 : i32
    %scan3A_7 = arith.addi %scan3A_5, %scan3A_6 : i32
    %scan3A_8 = arith.constant 1 : i32
    scf.for %scan3A_10 = %scan3A_5 to %scan3A_7 step %scan3A_8  : i32 {
      %mul3A_11 = arith.constant 2 : i32
      %mul3A_12 = arith.muli %mul3A_11, %scan3A_10 : i32
      %mul3A_13 = arith.constant 448 : i32
      %mul3A_14 = arith.muli %mul3A_12, %mul3A_13 : i32
      %add3A_15 = arith.addi %mul3A_2, %mul3A_14 : i32
      %add3A_16 = arith.constant 448 : i32
      %add3A_17 = arith.addi %add3A_15, %add3A_16 : i32
      "tpu.region"() ({
        %run_scoped3A = tpu.sem_alloc : memref<!tpu.dma_semaphore, #tpu.memory_space<semaphore_mem>>
        %dma_start3A_32 = tpu.memref_slice %arg3[%add3A_17] : memref<401408xi32, #tpu.memory_space<hbm>> -> memref<448xi32, #tpu.memory_space<hbm>>
        %dma_start3A_33 = tpu.memref_slice %arg3[%add3A_17] : memref<401408xi32, #tpu.memory_space<hbm>> -> memref<448xi32, #tpu.memory_space<hbm>>
        tpu.enqueue_dma source(%dma_start3A_33 : memref<448xi32, #tpu.memory_space<hbm>>) target(%arg6 : memref<448xi32, #tpu.memory_space<vmem>>) target_semaphore(%run_scoped3A : memref<!tpu.dma_semaphore, #tpu.memory_space<semaphore_mem>>)
        %dma_wait3A_34 = tpu.memref_slice %arg3[%add3A_17] : memref<401408xi32, #tpu.memory_space<hbm>> -> memref<448xi32, #tpu.memory_space<hbm>>
        %dma_wait3A_35 = tpu.memref_slice %arg3[%add3A_17] : memref<401408xi32, #tpu.memory_space<hbm>> -> memref<448xi32, #tpu.memory_space<hbm>>
        tpu.wait_dma2 semaphore(%run_scoped3A : memref<!tpu.dma_semaphore, #tpu.memory_space<semaphore_mem>>) src(%dma_wait3A_35 : memref<448xi32, #tpu.memory_space<hbm>>) dst(%arg6 : memref<448xi32, #tpu.memory_space<vmem>>)
        tpu.yield
      }) : () -> ()
      %dma_start3A_18 = arith.constant 0 : i32
      %dma_start3A_19 = arith.constant 0 : i32
      %dma_start3A_20 = tpu.memref_slice %arg2[%dma_start3A_18, %dma_start3A_19] : memref<50000x128xf32, #tpu.memory_space<hbm>> -> memref<50000x128xf32, #tpu.memory_space<hbm>>
      tpu.enqueue_indirect_dma source(%dma_start3A_20 : memref<50000x128xf32, #tpu.memory_space<hbm>>) target(%arg8 : memref<448x128xf32, #tpu.memory_space<vmem>>) offsets(%arg6 : memref<448xi32, #tpu.memory_space<vmem>>) semaphore(%arg10 : memref<!tpu.dma_semaphore, #tpu.memory_space<semaphore_mem>>)
      %dma_wait3A = arith.constant 0 : i32
      %dma_wait3A_21 = arith.constant 0 : i32
      %dma_wait3A_22 = tpu.memref_slice %arg2[%dma_wait3A, %dma_wait3A_21] : memref<50000x128xf32, #tpu.memory_space<hbm>> -> memref<50000x128xf32, #tpu.memory_space<hbm>>
      tpu.wait_indirect_dma semaphore(%arg9 : memref<!tpu.dma_semaphore, #tpu.memory_space<semaphore_mem>>) src(%dma_wait3A_22 : memref<50000x128xf32, #tpu.memory_space<hbm>>) dst(%arg7 : memref<448x128xf32, #tpu.memory_space<vmem>>)
      "tpu.region"() ({
        %run_scoped3A = tpu.sem_alloc : memref<!tpu.dma_semaphore, #tpu.memory_space<semaphore_mem>>
        %dma_start3A_32 = arith.constant 0 : i32
        %dma_start3A_33 = tpu.memref_slice %arg4[%add3A_15, %dma_start3A_32] : memref<401408x128xf32, #tpu.memory_space<hbm>> -> memref<448x128xf32, #tpu.memory_space<hbm>>
        %dma_start3A_34 = arith.constant 0 : i32
        %dma_start3A_35 = tpu.memref_slice %arg4[%add3A_15, %dma_start3A_34] : memref<401408x128xf32, #tpu.memory_space<hbm>> -> memref<448x128xf32, #tpu.memory_space<hbm>>
        tpu.enqueue_dma source(%arg7 : memref<448x128xf32, #tpu.memory_space<vmem>>) target(%dma_start3A_35 : memref<448x128xf32, #tpu.memory_space<hbm>>) target_semaphore(%run_scoped3A : memref<!tpu.dma_semaphore, #tpu.memory_space<semaphore_mem>>)
        %dma_wait3A_36 = arith.constant 0 : i32
        %dma_wait3A_37 = tpu.memref_slice %arg4[%add3A_15, %dma_wait3A_36] : memref<401408x128xf32, #tpu.memory_space<hbm>> -> memref<448x128xf32, #tpu.memory_space<hbm>>
        %dma_wait3A_38 = arith.constant 0 : i32
        %dma_wait3A_39 = tpu.memref_slice %arg4[%add3A_15, %dma_wait3A_38] : memref<401408x128xf32, #tpu.memory_space<hbm>> -> memref<448x128xf32, #tpu.memory_space<hbm>>
        tpu.wait_dma2 semaphore(%run_scoped3A : memref<!tpu.dma_semaphore, #tpu.memory_space<semaphore_mem>>) src(%arg7 : memref<448x128xf32, #tpu.memory_space<vmem>>) dst(%dma_wait3A_39 : memref<448x128xf32, #tpu.memory_space<hbm>>)
        tpu.yield
      }) : () -> ()
      %add3A_23 = arith.constant 1 : i32
      %add3A_24 = arith.addi %scan3A_10, %add3A_23 : i32
      %lt3A = arith.constant 14 : i32
      %lt3A_25 = arith.cmpi slt, %add3A_24, %lt3A : i32
      %convert_element_type3A = arith.extui %lt3A_25 : i1 to i32
      %cond3A = arith.constant 0 : i32
      %cond3A_26 = arith.cmpi ne, %convert_element_type3A, %cond3A : i32
      scf.if %cond3A_26 {
        %add3A_32 = arith.constant 896 : i32
        %add3A_33 = arith.addi %add3A_15, %add3A_32 : i32
        "tpu.region"() ({
          %run_scoped3A = tpu.sem_alloc : memref<!tpu.dma_semaphore, #tpu.memory_space<semaphore_mem>>
          %dma_start3A_37 = tpu.memref_slice %arg3[%add3A_33] : memref<401408xi32, #tpu.memory_space<hbm>> -> memref<448xi32, #tpu.memory_space<hbm>>
          %dma_start3A_38 = tpu.memref_slice %arg3[%add3A_33] : memref<401408xi32, #tpu.memory_space<hbm>> -> memref<448xi32, #tpu.memory_space<hbm>>
          tpu.enqueue_dma source(%dma_start3A_38 : memref<448xi32, #tpu.memory_space<hbm>>) target(%arg5 : memref<448xi32, #tpu.memory_space<vmem>>) target_semaphore(%run_scoped3A : memref<!tpu.dma_semaphore, #tpu.memory_space<semaphore_mem>>)
          %dma_wait3A_39 = tpu.memref_slice %arg3[%add3A_33] : memref<401408xi32, #tpu.memory_space<hbm>> -> memref<448xi32, #tpu.memory_space<hbm>>
          %dma_wait3A_40 = tpu.memref_slice %arg3[%add3A_33] : memref<401408xi32, #tpu.memory_space<hbm>> -> memref<448xi32, #tpu.memory_space<hbm>>
          tpu.wait_dma2 semaphore(%run_scoped3A : memref<!tpu.dma_semaphore, #tpu.memory_space<semaphore_mem>>) src(%dma_wait3A_40 : memref<448xi32, #tpu.memory_space<hbm>>) dst(%arg5 : memref<448xi32, #tpu.memory_space<vmem>>)
          tpu.yield
        }) : () -> ()
        %dma_start3A_34 = arith.constant 0 : i32
        %dma_start3A_35 = arith.constant 0 : i32
        %dma_start3A_36 = tpu.memref_slice %arg2[%dma_start3A_34, %dma_start3A_35] : memref<50000x128xf32, #tpu.memory_space<hbm>> -> memref<50000x128xf32, #tpu.memory_space<hbm>>
        tpu.enqueue_indirect_dma source(%dma_start3A_36 : memref<50000x128xf32, #tpu.memory_space<hbm>>) target(%arg7 : memref<448x128xf32, #tpu.memory_space<vmem>>) offsets(%arg5 : memref<448xi32, #tpu.memory_space<vmem>>) semaphore(%arg9 : memref<!tpu.dma_semaphore, #tpu.memory_space<semaphore_mem>>)
      } else {
      }
      %dma_wait3A_27 = arith.constant 0 : i32
      %dma_wait3A_28 = arith.constant 0 : i32
      %dma_wait3A_29 = tpu.memref_slice %arg2[%dma_wait3A_27, %dma_wait3A_28] : memref<50000x128xf32, #tpu.memory_space<hbm>> -> memref<50000x128xf32, #tpu.memory_space<hbm>>
      tpu.wait_indirect_dma semaphore(%arg10 : memref<!tpu.dma_semaphore, #tpu.memory_space<semaphore_mem>>) src(%dma_wait3A_29 : memref<50000x128xf32, #tpu.memory_space<hbm>>) dst(%arg8 : memref<448x128xf32, #tpu.memory_space<vmem>>)
      %add3A_30 = arith.constant 448 : i32
      %add3A_31 = arith.addi %add3A_15, %add3A_30 : i32
      "tpu.region"() ({
        %run_scoped3A = tpu.sem_alloc : memref<!tpu.dma_semaphore, #tpu.memory_space<semaphore_mem>>
        %dma_start3A_32 = arith.constant 0 : i32
        %dma_start3A_33 = tpu.memref_slice %arg4[%add3A_31, %dma_start3A_32] : memref<401408x128xf32, #tpu.memory_space<hbm>> -> memref<448x128xf32, #tpu.memory_space<hbm>>
        %dma_start3A_34 = arith.constant 0 : i32
        %dma_start3A_35 = tpu.memref_slice %arg4[%add3A_31, %dma_start3A_34] : memref<401408x128xf32, #tpu.memory_space<hbm>> -> memref<448x128xf32, #tpu.memory_space<hbm>>
        tpu.enqueue_dma source(%arg8 : memref<448x128xf32, #tpu.memory_space<vmem>>) target(%dma_start3A_35 : memref<448x128xf32, #tpu.memory_space<hbm>>) target_semaphore(%run_scoped3A : memref<!tpu.dma_semaphore, #tpu.memory_space<semaphore_mem>>)
        %dma_wait3A_36 = arith.constant 0 : i32
        %dma_wait3A_37 = tpu.memref_slice %arg4[%add3A_31, %dma_wait3A_36] : memref<401408x128xf32, #tpu.memory_space<hbm>> -> memref<448x128xf32, #tpu.memory_space<hbm>>
        %dma_wait3A_38 = arith.constant 0 : i32
        %dma_wait3A_39 = tpu.memref_slice %arg4[%add3A_31, %dma_wait3A_38] : memref<401408x128xf32, #tpu.memory_space<hbm>> -> memref<448x128xf32, #tpu.memory_space<hbm>>
        tpu.wait_dma2 semaphore(%run_scoped3A : memref<!tpu.dma_semaphore, #tpu.memory_space<semaphore_mem>>) src(%arg8 : memref<448x128xf32, #tpu.memory_space<vmem>>) dst(%dma_wait3A_39 : memref<448x128xf32, #tpu.memory_space<hbm>>)
        tpu.yield
      }) : () -> ()
    }
    %scan3A_9 = arith.constant 14 : i32
    return
  }
}

#map = affine_map<(d0, d1) -> (0, 0)>
#map1 = affine_map<(d0, d1) -> (0)>
module attributes {stable_mosaic.version = 14 : i64} {
  func.func @k(%arg0: i32, %arg1: i32, %arg2: memref<50000x128xf32, #tpu.memory_space<hbm>>, %arg3: memref<401408xi32, #tpu.memory_space<hbm>>, %arg4: memref<401408x128xf32, #tpu.memory_space<hbm>>, %arg5: memref<448xi32, #tpu.memory_space<vmem>>, %arg6: memref<448xi32, #tpu.memory_space<vmem>>, %arg7: memref<448x128xf32, #tpu.memory_space<vmem>>, %arg8: memref<448x128xf32, #tpu.memory_space<vmem>>, %arg9: memref<!tpu.dma_semaphore, #tpu.memory_space<semaphore_mem>>, %arg10: memref<!tpu.dma_semaphore, #tpu.memory_space<semaphore_mem>>) attributes {dimension_semantics = [#tpu.dimension_semantics<core_parallel>, #tpu.dimension_semantics<subcore_parallel>], iteration_bounds = array<i64: 2, 16>, scalar_prefetch = 0 : i64, scratch_operands = 6 : i64, tpu.core_type = #tpu.core_type<sc_vector_subcore>, window_params = [{transform_indices = #map}, {transform_indices = #map1}, {transform_indices = #map}]} {
    %mul3A = arith.constant 2 : i32
    %mul3A_0 = arith.muli %arg1, %mul3A : i32
    %add3A = arith.addi %mul3A_0, %arg0 : i32
    %mul3A_1 = arith.constant 12544 : i32
    %mul3A_2 = arith.muli %add3A, %mul3A_1 : i32
    "tpu.region"() ({
      %run_scoped3A = tpu.sem_alloc : memref<!tpu.dma_semaphore, #tpu.memory_space<semaphore_mem>>
      %dma_start3A_10 = tpu.memref_slice %arg3[%mul3A_2] : memref<401408xi32, #tpu.memory_space<hbm>> -> memref<448xi32, #tpu.memory_space<hbm>>
      %dma_start3A_11 = tpu.memref_slice %arg3[%mul3A_2] : memref<401408xi32, #tpu.memory_space<hbm>> -> memref<448xi32, #tpu.memory_space<hbm>>
      tpu.enqueue_dma source(%dma_start3A_11 : memref<448xi32, #tpu.memory_space<hbm>>) target(%arg5 : memref<448xi32, #tpu.memory_space<vmem>>) target_semaphore(%run_scoped3A : memref<!tpu.dma_semaphore, #tpu.memory_space<semaphore_mem>>)
      %dma_wait3A = tpu.memref_slice %arg3[%mul3A_2] : memref<401408xi32, #tpu.memory_space<hbm>> -> memref<448xi32, #tpu.memory_space<hbm>>
      %dma_wait3A_12 = tpu.memref_slice %arg3[%mul3A_2] : memref<401408xi32, #tpu.memory_space<hbm>> -> memref<448xi32, #tpu.memory_space<hbm>>
      tpu.wait_dma2 semaphore(%run_scoped3A : memref<!tpu.dma_semaphore, #tpu.memory_space<semaphore_mem>>) src(%dma_wait3A_12 : memref<448xi32, #tpu.memory_space<hbm>>) dst(%arg5 : memref<448xi32, #tpu.memory_space<vmem>>)
      tpu.yield
    }) : () -> ()
    %dma_start3A = arith.constant 0 : i32
    %dma_start3A_3 = arith.constant 0 : i32
    %dma_start3A_4 = tpu.memref_slice %arg2[%dma_start3A, %dma_start3A_3] : memref<50000x128xf32, #tpu.memory_space<hbm>> -> memref<50000x128xf32, #tpu.memory_space<hbm>>
    tpu.enqueue_indirect_dma source(%dma_start3A_4 : memref<50000x128xf32, #tpu.memory_space<hbm>>) target(%arg7 : memref<448x128xf32, #tpu.memory_space<vmem>>) offsets(%arg5 : memref<448xi32, #tpu.memory_space<vmem>>) semaphore(%arg9 : memref<!tpu.dma_semaphore, #tpu.memory_space<semaphore_mem>>)
    %scan3A = arith.constant 0 : i32
    %scan3A_5 = arith.constant 0 : i32
    %scan3A_6 = arith.constant 14 : i32
    %scan3A_7 = arith.addi %scan3A_5, %scan3A_6 : i32
    %scan3A_8 = arith.constant 1 : i32
    scf.for %scan3A_10 = %scan3A_5 to %scan3A_7 step %scan3A_8  : i32 {
      %mul3A_11 = arith.constant 2 : i32
      %mul3A_12 = arith.muli %mul3A_11, %scan3A_10 : i32
      %mul3A_13 = arith.constant 448 : i32
      %mul3A_14 = arith.muli %mul3A_12, %mul3A_13 : i32
      %add3A_15 = arith.addi %mul3A_2, %mul3A_14 : i32
      %add3A_16 = arith.constant 448 : i32
      %add3A_17 = arith.addi %add3A_15, %add3A_16 : i32
      "tpu.region"() ({
        %run_scoped3A = tpu.sem_alloc : memref<!tpu.dma_semaphore, #tpu.memory_space<semaphore_mem>>
        %dma_start3A_32 = tpu.memref_slice %arg3[%add3A_17] : memref<401408xi32, #tpu.memory_space<hbm>> -> memref<448xi32, #tpu.memory_space<hbm>>
        %dma_start3A_33 = tpu.memref_slice %arg3[%add3A_17] : memref<401408xi32, #tpu.memory_space<hbm>> -> memref<448xi32, #tpu.memory_space<hbm>>
        tpu.enqueue_dma source(%dma_start3A_33 : memref<448xi32, #tpu.memory_space<hbm>>) target(%arg6 : memref<448xi32, #tpu.memory_space<vmem>>) target_semaphore(%run_scoped3A : memref<!tpu.dma_semaphore, #tpu.memory_space<semaphore_mem>>)
        %dma_wait3A_34 = tpu.memref_slice %arg3[%add3A_17] : memref<401408xi32, #tpu.memory_space<hbm>> -> memref<448xi32, #tpu.memory_space<hbm>>
        %dma_wait3A_35 = tpu.memref_slice %arg3[%add3A_17] : memref<401408xi32, #tpu.memory_space<hbm>> -> memref<448xi32, #tpu.memory_space<hbm>>
        tpu.wait_dma2 semaphore(%run_scoped3A : memref<!tpu.dma_semaphore, #tpu.memory_space<semaphore_mem>>) src(%dma_wait3A_35 : memref<448xi32, #tpu.memory_space<hbm>>) dst(%arg6 : memref<448xi32, #tpu.memory_space<vmem>>)
        tpu.yield
      }) : () -> ()
      %dma_start3A_18 = arith.constant 0 : i32
      %dma_start3A_19 = arith.constant 0 : i32
      %dma_start3A_20 = tpu.memref_slice %arg2[%dma_start3A_18, %dma_start3A_19] : memref<50000x128xf32, #tpu.memory_space<hbm>> -> memref<50000x128xf32, #tpu.memory_space<hbm>>
      tpu.enqueue_indirect_dma source(%dma_start3A_20 : memref<50000x128xf32, #tpu.memory_space<hbm>>) target(%arg8 : memref<448x128xf32, #tpu.memory_space<vmem>>) offsets(%arg6 : memref<448xi32, #tpu.memory_space<vmem>>) semaphore(%arg10 : memref<!tpu.dma_semaphore, #tpu.memory_space<semaphore_mem>>)
      %dma_wait3A = arith.constant 0 : i32
      %dma_wait3A_21 = arith.constant 0 : i32
      %dma_wait3A_22 = tpu.memref_slice %arg2[%dma_wait3A, %dma_wait3A_21] : memref<50000x128xf32, #tpu.memory_space<hbm>> -> memref<50000x128xf32, #tpu.memory_space<hbm>>
      tpu.wait_indirect_dma semaphore(%arg9 : memref<!tpu.dma_semaphore, #tpu.memory_space<semaphore_mem>>) src(%dma_wait3A_22 : memref<50000x128xf32, #tpu.memory_space<hbm>>) dst(%arg7 : memref<448x128xf32, #tpu.memory_space<vmem>>)
      "tpu.region"() ({
        %run_scoped3A = tpu.sem_alloc : memref<!tpu.dma_semaphore, #tpu.memory_space<semaphore_mem>>
        %dma_start3A_32 = arith.constant 0 : i32
        %dma_start3A_33 = tpu.memref_slice %arg4[%add3A_15, %dma_start3A_32] : memref<401408x128xf32, #tpu.memory_space<hbm>> -> memref<448x128xf32, #tpu.memory_space<hbm>>
        %dma_start3A_34 = arith.constant 0 : i32
        %dma_start3A_35 = tpu.memref_slice %arg4[%add3A_15, %dma_start3A_34] : memref<401408x128xf32, #tpu.memory_space<hbm>> -> memref<448x128xf32, #tpu.memory_space<hbm>>
        tpu.enqueue_dma source(%arg7 : memref<448x128xf32, #tpu.memory_space<vmem>>) target(%dma_start3A_35 : memref<448x128xf32, #tpu.memory_space<hbm>>) target_semaphore(%run_scoped3A : memref<!tpu.dma_semaphore, #tpu.memory_space<semaphore_mem>>)
        %dma_wait3A_36 = arith.constant 0 : i32
        %dma_wait3A_37 = tpu.memref_slice %arg4[%add3A_15, %dma_wait3A_36] : memref<401408x128xf32, #tpu.memory_space<hbm>> -> memref<448x128xf32, #tpu.memory_space<hbm>>
        %dma_wait3A_38 = arith.constant 0 : i32
        %dma_wait3A_39 = tpu.memref_slice %arg4[%add3A_15, %dma_wait3A_38] : memref<401408x128xf32, #tpu.memory_space<hbm>> -> memref<448x128xf32, #tpu.memory_space<hbm>>
        tpu.wait_dma2 semaphore(%run_scoped3A : memref<!tpu.dma_semaphore, #tpu.memory_space<semaphore_mem>>) src(%arg7 : memref<448x128xf32, #tpu.memory_space<vmem>>) dst(%dma_wait3A_39 : memref<448x128xf32, #tpu.memory_space<hbm>>)
        tpu.yield
      }) : () -> ()
      %add3A_23 = arith.constant 1 : i32
      %add3A_24 = arith.addi %scan3A_10, %add3A_23 : i32
      %lt3A = arith.constant 14 : i32
      %lt3A_25 = arith.cmpi slt, %add3A_24, %lt3A : i32
      %convert_element_type3A = arith.extui %lt3A_25 : i1 to i32
      %cond3A = arith.constant 0 : i32
      %cond3A_26 = arith.cmpi ne, %convert_element_type3A, %cond3A : i32
      scf.if %cond3A_26 {
        %add3A_32 = arith.constant 896 : i32
        %add3A_33 = arith.addi %add3A_15, %add3A_32 : i32
        "tpu.region"() ({
          %run_scoped3A = tpu.sem_alloc : memref<!tpu.dma_semaphore, #tpu.memory_space<semaphore_mem>>
          %dma_start3A_37 = tpu.memref_slice %arg3[%add3A_33] : memref<401408xi32, #tpu.memory_space<hbm>> -> memref<448xi32, #tpu.memory_space<hbm>>
          %dma_start3A_38 = tpu.memref_slice %arg3[%add3A_33] : memref<401408xi32, #tpu.memory_space<hbm>> -> memref<448xi32, #tpu.memory_space<hbm>>
          tpu.enqueue_dma source(%dma_start3A_38 : memref<448xi32, #tpu.memory_space<hbm>>) target(%arg5 : memref<448xi32, #tpu.memory_space<vmem>>) target_semaphore(%run_scoped3A : memref<!tpu.dma_semaphore, #tpu.memory_space<semaphore_mem>>)
          %dma_wait3A_39 = tpu.memref_slice %arg3[%add3A_33] : memref<401408xi32, #tpu.memory_space<hbm>> -> memref<448xi32, #tpu.memory_space<hbm>>
          %dma_wait3A_40 = tpu.memref_slice %arg3[%add3A_33] : memref<401408xi32, #tpu.memory_space<hbm>> -> memref<448xi32, #tpu.memory_space<hbm>>
          tpu.wait_dma2 semaphore(%run_scoped3A : memref<!tpu.dma_semaphore, #tpu.memory_space<semaphore_mem>>) src(%dma_wait3A_40 : memref<448xi32, #tpu.memory_space<hbm>>) dst(%arg5 : memref<448xi32, #tpu.memory_space<vmem>>)
          tpu.yield
        }) : () -> ()
        %dma_start3A_34 = arith.constant 0 : i32
        %dma_start3A_35 = arith.constant 0 : i32
        %dma_start3A_36 = tpu.memref_slice %arg2[%dma_start3A_34, %dma_start3A_35] : memref<50000x128xf32, #tpu.memory_space<hbm>> -> memref<50000x128xf32, #tpu.memory_space<hbm>>
        tpu.enqueue_indirect_dma source(%dma_start3A_36 : memref<50000x128xf32, #tpu.memory_space<hbm>>) target(%arg7 : memref<448x128xf32, #tpu.memory_space<vmem>>) offsets(%arg5 : memref<448xi32, #tpu.memory_space<vmem>>) semaphore(%arg9 : memref<!tpu.dma_semaphore, #tpu.memory_space<semaphore_mem>>)
      } else {
      }
      %dma_wait3A_27 = arith.constant 0 : i32
      %dma_wait3A_28 = arith.constant 0 : i32
      %dma_wait3A_29 = tpu.memref_slice %arg2[%dma_wait3A_27, %dma_wait3A_28] : memref<50000x128xf32, #tpu.memory_space<hbm>> -> memref<50000x128xf32, #tpu.memory_space<hbm>>
      tpu.wait_indirect_dma semaphore(%arg10 : memref<!tpu.dma_semaphore, #tpu.memory_space<semaphore_mem>>) src(%dma_wait3A_29 : memref<50000x128xf32, #tpu.memory_space<hbm>>) dst(%arg8 : memref<448x128xf32, #tpu.memory_space<vmem>>)
      %add3A_30 = arith.constant 448 : i32
      %add3A_31 = arith.addi %add3A_15, %add3A_30 : i32
      "tpu.region"() ({
        %run_scoped3A = tpu.sem_alloc : memref<!tpu.dma_semaphore, #tpu.memory_space<semaphore_mem>>
        %dma_start3A_32 = arith.constant 0 : i32
        %dma_start3A_33 = tpu.memref_slice %arg4[%add3A_31, %dma_start3A_32] : memref<401408x128xf32, #tpu.memory_space<hbm>> -> memref<448x128xf32, #tpu.memory_space<hbm>>
        %dma_start3A_34 = arith.constant 0 : i32
        %dma_start3A_35 = tpu.memref_slice %arg4[%add3A_31, %dma_start3A_34] : memref<401408x128xf32, #tpu.memory_space<hbm>> -> memref<448x128xf32, #tpu.memory_space<hbm>>
        tpu.enqueue_dma source(%arg8 : memref<448x128xf32, #tpu.memory_space<vmem>>) target(%dma_start3A_35 : memref<448x128xf32, #tpu.memory_space<hbm>>) target_semaphore(%run_scoped3A : memref<!tpu.dma_semaphore, #tpu.memory_space<semaphore_mem>>)
        %dma_wait3A_36 = arith.constant 0 : i32
        %dma_wait3A_37 = tpu.memref_slice %arg4[%add3A_31, %dma_wait3A_36] : memref<401408x128xf32, #tpu.memory_space<hbm>> -> memref<448x128xf32, #tpu.memory_space<hbm>>
        %dma_wait3A_38 = arith.constant 0 : i32
        %dma_wait3A_39 = tpu.memref_slice %arg4[%add3A_31, %dma_wait3A_38] : memref<401408x128xf32, #tpu.memory_space<hbm>> -> memref<448x128xf32, #tpu.memory_space<hbm>>
        tpu.wait_dma2 semaphore(%run_scoped3A : memref<!tpu.dma_semaphore, #tpu.memory_space<semaphore_mem>>) src(%arg8 : memref<448x128xf32, #tpu.memory_space<vmem>>) dst(%dma_wait3A_39 : memref<448x128xf32, #tpu.memory_space<hbm>>)
        tpu.yield
      }) : () -> ()
    }
    %scan3A_9 = arith.constant 14 : i32
    return
  }
}

#map = affine_map<(d0, d1) -> (0, 0)>
#map1 = affine_map<(d0, d1) -> (0)>
module attributes {stable_mosaic.version = 14 : i64} {
  func.func @k(%arg0: i32, %arg1: i32, %arg2: memref<50000x128xf32, #tpu.memory_space<hbm>>, %arg3: memref<401408xi32, #tpu.memory_space<hbm>>, %arg4: memref<401408x128xf32, #tpu.memory_space<hbm>>, %arg5: memref<448xi32, #tpu.memory_space<vmem>>, %arg6: memref<448xi32, #tpu.memory_space<vmem>>, %arg7: memref<448x128xf32, #tpu.memory_space<vmem>>, %arg8: memref<448x128xf32, #tpu.memory_space<vmem>>, %arg9: memref<!tpu.dma_semaphore, #tpu.memory_space<semaphore_mem>>, %arg10: memref<!tpu.dma_semaphore, #tpu.memory_space<semaphore_mem>>) attributes {dimension_semantics = [#tpu.dimension_semantics<core_parallel>, #tpu.dimension_semantics<subcore_parallel>], iteration_bounds = array<i64: 2, 16>, scalar_prefetch = 0 : i64, scratch_operands = 6 : i64, tpu.core_type = #tpu.core_type<sc_vector_subcore>, window_params = [{transform_indices = #map}, {transform_indices = #map1}, {transform_indices = #map}]} {
    %mul3A = arith.constant 2 : i32
    %mul3A_0 = arith.muli %arg1, %mul3A : i32
    %add3A = arith.addi %mul3A_0, %arg0 : i32
    %mul3A_1 = arith.constant 12544 : i32
    %mul3A_2 = arith.muli %add3A, %mul3A_1 : i32
    "tpu.region"() ({
      %run_scoped3A = tpu.sem_alloc : memref<!tpu.dma_semaphore, #tpu.memory_space<semaphore_mem>>
      %dma_start3A_10 = tpu.memref_slice %arg3[%mul3A_2] : memref<401408xi32, #tpu.memory_space<hbm>> -> memref<448xi32, #tpu.memory_space<hbm>>
      %dma_start3A_11 = tpu.memref_slice %arg3[%mul3A_2] : memref<401408xi32, #tpu.memory_space<hbm>> -> memref<448xi32, #tpu.memory_space<hbm>>
      tpu.enqueue_dma source(%dma_start3A_11 : memref<448xi32, #tpu.memory_space<hbm>>) target(%arg5 : memref<448xi32, #tpu.memory_space<vmem>>) target_semaphore(%run_scoped3A : memref<!tpu.dma_semaphore, #tpu.memory_space<semaphore_mem>>)
      %dma_wait3A = tpu.memref_slice %arg3[%mul3A_2] : memref<401408xi32, #tpu.memory_space<hbm>> -> memref<448xi32, #tpu.memory_space<hbm>>
      %dma_wait3A_12 = tpu.memref_slice %arg3[%mul3A_2] : memref<401408xi32, #tpu.memory_space<hbm>> -> memref<448xi32, #tpu.memory_space<hbm>>
      tpu.wait_dma2 semaphore(%run_scoped3A : memref<!tpu.dma_semaphore, #tpu.memory_space<semaphore_mem>>) src(%dma_wait3A_12 : memref<448xi32, #tpu.memory_space<hbm>>) dst(%arg5 : memref<448xi32, #tpu.memory_space<vmem>>)
      tpu.yield
    }) : () -> ()
    %dma_start3A = arith.constant 0 : i32
    %dma_start3A_3 = arith.constant 0 : i32
    %dma_start3A_4 = tpu.memref_slice %arg2[%dma_start3A, %dma_start3A_3] : memref<50000x128xf32, #tpu.memory_space<hbm>> -> memref<50000x128xf32, #tpu.memory_space<hbm>>
    tpu.enqueue_indirect_dma source(%dma_start3A_4 : memref<50000x128xf32, #tpu.memory_space<hbm>>) target(%arg7 : memref<448x128xf32, #tpu.memory_space<vmem>>) offsets(%arg5 : memref<448xi32, #tpu.memory_space<vmem>>) semaphore(%arg9 : memref<!tpu.dma_semaphore, #tpu.memory_space<semaphore_mem>>)
    %scan3A = arith.constant 0 : i32
    %scan3A_5 = arith.constant 0 : i32
    %scan3A_6 = arith.constant 14 : i32
    %scan3A_7 = arith.addi %scan3A_5, %scan3A_6 : i32
    %scan3A_8 = arith.constant 1 : i32
    scf.for %scan3A_10 = %scan3A_5 to %scan3A_7 step %scan3A_8  : i32 {
      %mul3A_11 = arith.constant 2 : i32
      %mul3A_12 = arith.muli %mul3A_11, %scan3A_10 : i32
      %mul3A_13 = arith.constant 448 : i32
      %mul3A_14 = arith.muli %mul3A_12, %mul3A_13 : i32
      %add3A_15 = arith.addi %mul3A_2, %mul3A_14 : i32
      %add3A_16 = arith.constant 448 : i32
      %add3A_17 = arith.addi %add3A_15, %add3A_16 : i32
      "tpu.region"() ({
        %run_scoped3A = tpu.sem_alloc : memref<!tpu.dma_semaphore, #tpu.memory_space<semaphore_mem>>
        %dma_start3A_32 = tpu.memref_slice %arg3[%add3A_17] : memref<401408xi32, #tpu.memory_space<hbm>> -> memref<448xi32, #tpu.memory_space<hbm>>
        %dma_start3A_33 = tpu.memref_slice %arg3[%add3A_17] : memref<401408xi32, #tpu.memory_space<hbm>> -> memref<448xi32, #tpu.memory_space<hbm>>
        tpu.enqueue_dma source(%dma_start3A_33 : memref<448xi32, #tpu.memory_space<hbm>>) target(%arg6 : memref<448xi32, #tpu.memory_space<vmem>>) target_semaphore(%run_scoped3A : memref<!tpu.dma_semaphore, #tpu.memory_space<semaphore_mem>>)
        %dma_wait3A_34 = tpu.memref_slice %arg3[%add3A_17] : memref<401408xi32, #tpu.memory_space<hbm>> -> memref<448xi32, #tpu.memory_space<hbm>>
        %dma_wait3A_35 = tpu.memref_slice %arg3[%add3A_17] : memref<401408xi32, #tpu.memory_space<hbm>> -> memref<448xi32, #tpu.memory_space<hbm>>
        tpu.wait_dma2 semaphore(%run_scoped3A : memref<!tpu.dma_semaphore, #tpu.memory_space<semaphore_mem>>) src(%dma_wait3A_35 : memref<448xi32, #tpu.memory_space<hbm>>) dst(%arg6 : memref<448xi32, #tpu.memory_space<vmem>>)
        tpu.yield
      }) : () -> ()
      %dma_start3A_18 = arith.constant 0 : i32
      %dma_start3A_19 = arith.constant 0 : i32
      %dma_start3A_20 = tpu.memref_slice %arg2[%dma_start3A_18, %dma_start3A_19] : memref<50000x128xf32, #tpu.memory_space<hbm>> -> memref<50000x128xf32, #tpu.memory_space<hbm>>
      tpu.enqueue_indirect_dma source(%dma_start3A_20 : memref<50000x128xf32, #tpu.memory_space<hbm>>) target(%arg8 : memref<448x128xf32, #tpu.memory_space<vmem>>) offsets(%arg6 : memref<448xi32, #tpu.memory_space<vmem>>) semaphore(%arg10 : memref<!tpu.dma_semaphore, #tpu.memory_space<semaphore_mem>>)
      %dma_wait3A = arith.constant 0 : i32
      %dma_wait3A_21 = arith.constant 0 : i32
      %dma_wait3A_22 = tpu.memref_slice %arg2[%dma_wait3A, %dma_wait3A_21] : memref<50000x128xf32, #tpu.memory_space<hbm>> -> memref<50000x128xf32, #tpu.memory_space<hbm>>
      tpu.wait_indirect_dma semaphore(%arg9 : memref<!tpu.dma_semaphore, #tpu.memory_space<semaphore_mem>>) src(%dma_wait3A_22 : memref<50000x128xf32, #tpu.memory_space<hbm>>) dst(%arg7 : memref<448x128xf32, #tpu.memory_space<vmem>>)
      "tpu.region"() ({
        %run_scoped3A = tpu.sem_alloc : memref<!tpu.dma_semaphore, #tpu.memory_space<semaphore_mem>>
        %dma_start3A_32 = arith.constant 0 : i32
        %dma_start3A_33 = tpu.memref_slice %arg4[%add3A_15, %dma_start3A_32] : memref<401408x128xf32, #tpu.memory_space<hbm>> -> memref<448x128xf32, #tpu.memory_space<hbm>>
        %dma_start3A_34 = arith.constant 0 : i32
        %dma_start3A_35 = tpu.memref_slice %arg4[%add3A_15, %dma_start3A_34] : memref<401408x128xf32, #tpu.memory_space<hbm>> -> memref<448x128xf32, #tpu.memory_space<hbm>>
        tpu.enqueue_dma source(%arg7 : memref<448x128xf32, #tpu.memory_space<vmem>>) target(%dma_start3A_35 : memref<448x128xf32, #tpu.memory_space<hbm>>) target_semaphore(%run_scoped3A : memref<!tpu.dma_semaphore, #tpu.memory_space<semaphore_mem>>)
        %dma_wait3A_36 = arith.constant 0 : i32
        %dma_wait3A_37 = tpu.memref_slice %arg4[%add3A_15, %dma_wait3A_36] : memref<401408x128xf32, #tpu.memory_space<hbm>> -> memref<448x128xf32, #tpu.memory_space<hbm>>
        %dma_wait3A_38 = arith.constant 0 : i32
        %dma_wait3A_39 = tpu.memref_slice %arg4[%add3A_15, %dma_wait3A_38] : memref<401408x128xf32, #tpu.memory_space<hbm>> -> memref<448x128xf32, #tpu.memory_space<hbm>>
        tpu.wait_dma2 semaphore(%run_scoped3A : memref<!tpu.dma_semaphore, #tpu.memory_space<semaphore_mem>>) src(%arg7 : memref<448x128xf32, #tpu.memory_space<vmem>>) dst(%dma_wait3A_39 : memref<448x128xf32, #tpu.memory_space<hbm>>)
        tpu.yield
      }) : () -> ()
      %add3A_23 = arith.constant 1 : i32
      %add3A_24 = arith.addi %scan3A_10, %add3A_23 : i32
      %lt3A = arith.constant 14 : i32
      %lt3A_25 = arith.cmpi slt, %add3A_24, %lt3A : i32
      %convert_element_type3A = arith.extui %lt3A_25 : i1 to i32
      %cond3A = arith.constant 0 : i32
      %cond3A_26 = arith.cmpi ne, %convert_element_type3A, %cond3A : i32
      scf.if %cond3A_26 {
        %add3A_32 = arith.constant 896 : i32
        %add3A_33 = arith.addi %add3A_15, %add3A_32 : i32
        "tpu.region"() ({
          %run_scoped3A = tpu.sem_alloc : memref<!tpu.dma_semaphore, #tpu.memory_space<semaphore_mem>>
          %dma_start3A_37 = tpu.memref_slice %arg3[%add3A_33] : memref<401408xi32, #tpu.memory_space<hbm>> -> memref<448xi32, #tpu.memory_space<hbm>>
          %dma_start3A_38 = tpu.memref_slice %arg3[%add3A_33] : memref<401408xi32, #tpu.memory_space<hbm>> -> memref<448xi32, #tpu.memory_space<hbm>>
          tpu.enqueue_dma source(%dma_start3A_38 : memref<448xi32, #tpu.memory_space<hbm>>) target(%arg5 : memref<448xi32, #tpu.memory_space<vmem>>) target_semaphore(%run_scoped3A : memref<!tpu.dma_semaphore, #tpu.memory_space<semaphore_mem>>)
          %dma_wait3A_39 = tpu.memref_slice %arg3[%add3A_33] : memref<401408xi32, #tpu.memory_space<hbm>> -> memref<448xi32, #tpu.memory_space<hbm>>
          %dma_wait3A_40 = tpu.memref_slice %arg3[%add3A_33] : memref<401408xi32, #tpu.memory_space<hbm>> -> memref<448xi32, #tpu.memory_space<hbm>>
          tpu.wait_dma2 semaphore(%run_scoped3A : memref<!tpu.dma_semaphore, #tpu.memory_space<semaphore_mem>>) src(%dma_wait3A_40 : memref<448xi32, #tpu.memory_space<hbm>>) dst(%arg5 : memref<448xi32, #tpu.memory_space<vmem>>)
          tpu.yield
        }) : () -> ()
        %dma_start3A_34 = arith.constant 0 : i32
        %dma_start3A_35 = arith.constant 0 : i32
        %dma_start3A_36 = tpu.memref_slice %arg2[%dma_start3A_34, %dma_start3A_35] : memref<50000x128xf32, #tpu.memory_space<hbm>> -> memref<50000x128xf32, #tpu.memory_space<hbm>>
        tpu.enqueue_indirect_dma source(%dma_start3A_36 : memref<50000x128xf32, #tpu.memory_space<hbm>>) target(%arg7 : memref<448x128xf32, #tpu.memory_space<vmem>>) offsets(%arg5 : memref<448xi32, #tpu.memory_space<vmem>>) semaphore(%arg9 : memref<!tpu.dma_semaphore, #tpu.memory_space<semaphore_mem>>)
      } else {
      }
      %dma_wait3A_27 = arith.constant 0 : i32
      %dma_wait3A_28 = arith.constant 0 : i32
      %dma_wait3A_29 = tpu.memref_slice %arg2[%dma_wait3A_27, %dma_wait3A_28] : memref<50000x128xf32, #tpu.memory_space<hbm>> -> memref<50000x128xf32, #tpu.memory_space<hbm>>
      tpu.wait_indirect_dma semaphore(%arg10 : memref<!tpu.dma_semaphore, #tpu.memory_space<semaphore_mem>>) src(%dma_wait3A_29 : memref<50000x128xf32, #tpu.memory_space<hbm>>) dst(%arg8 : memref<448x128xf32, #tpu.memory_space<vmem>>)
      %add3A_30 = arith.constant 448 : i32
      %add3A_31 = arith.addi %add3A_15, %add3A_30 : i32
      "tpu.region"() ({
        %run_scoped3A = tpu.sem_alloc : memref<!tpu.dma_semaphore, #tpu.memory_space<semaphore_mem>>
        %dma_start3A_32 = arith.constant 0 : i32
        %dma_start3A_33 = tpu.memref_slice %arg4[%add3A_31, %dma_start3A_32] : memref<401408x128xf32, #tpu.memory_space<hbm>> -> memref<448x128xf32, #tpu.memory_space<hbm>>
        %dma_start3A_34 = arith.constant 0 : i32
        %dma_start3A_35 = tpu.memref_slice %arg4[%add3A_31, %dma_start3A_34] : memref<401408x128xf32, #tpu.memory_space<hbm>> -> memref<448x128xf32, #tpu.memory_space<hbm>>
        tpu.enqueue_dma source(%arg8 : memref<448x128xf32, #tpu.memory_space<vmem>>) target(%dma_start3A_35 : memref<448x128xf32, #tpu.memory_space<hbm>>) target_semaphore(%run_scoped3A : memref<!tpu.dma_semaphore, #tpu.memory_space<semaphore_mem>>)
        %dma_wait3A_36 = arith.constant 0 : i32
        %dma_wait3A_37 = tpu.memref_slice %arg4[%add3A_31, %dma_wait3A_36] : memref<401408x128xf32, #tpu.memory_space<hbm>> -> memref<448x128xf32, #tpu.memory_space<hbm>>
        %dma_wait3A_38 = arith.constant 0 : i32
        %dma_wait3A_39 = tpu.memref_slice %arg4[%add3A_31, %dma_wait3A_38] : memref<401408x128xf32, #tpu.memory_space<hbm>> -> memref<448x128xf32, #tpu.memory_space<hbm>>
        tpu.wait_dma2 semaphore(%run_scoped3A : memref<!tpu.dma_semaphore, #tpu.memory_space<semaphore_mem>>) src(%arg8 : memref<448x128xf32, #tpu.memory_space<vmem>>) dst(%dma_wait3A_39 : memref<448x128xf32, #tpu.memory_space<hbm>>)
        tpu.yield
      }) : () -> ()
    }
    %scan3A_9 = arith.constant 14 : i32
    return
  }
}

module attributes {stable_mosaic.version = 14 : i64} {
  func.func @_atom0_body(%arg0: i32, %arg1: memref<200x92xf32, #tpu.memory_space<vmem>>, %arg2: memref<92x64xf32, #tpu.memory_space<vmem>>, %arg3: memref<1x64xf32, #tpu.memory_space<vmem>>, %arg4: memref<64x128xf32, #tpu.memory_space<vmem>>, %arg5: memref<200x64xf32, #tpu.memory_space<vmem>>, %arg6: memref<200x128xf32, #tpu.memory_space<vmem>>) attributes {dimension_semantics = [#tpu.dimension_semantics<arbitrary>], iteration_bounds = array<i64: 250>, scalar_prefetch = 0 : i64, scratch_operands = 0 : i64, tpu.core_type = #tpu.core_type<tc>, window_params = [{transform_indices = @transform_0, window_bounds = array<i64: 200, 92>}, {pipeline_mode = #tpu.pipeline_mode<synchronous>, transform_indices = @transform_1, window_bounds = array<i64: 92, 64>}, {pipeline_mode = #tpu.pipeline_mode<synchronous>, transform_indices = @transform_2, window_bounds = array<i64: 1, 64>}, {pipeline_mode = #tpu.pipeline_mode<synchronous>, transform_indices = @transform_3, window_bounds = array<i64: 64, 128>}, {transform_indices = @transform_4, window_bounds = array<i64: 200, 64>}, {transform_indices = @transform_5, window_bounds = array<i64: 200, 128>}]} {
    %get3A = arith.constant 0 : index
    %get3A_0 = arith.constant 0 : index
    %get3A_1 = vector.load %arg1[%get3A, %get3A_0] : memref<200x92xf32, #tpu.memory_space<vmem>>, vector<200x92xf32>
    %get3A_2 = arith.constant 0 : index
    %get3A_3 = arith.constant 0 : index
    %get3A_4 = vector.load %arg2[%get3A_2, %get3A_3] : memref<92x64xf32, #tpu.memory_space<vmem>>, vector<92x64xf32>
    %dot_general3A = arith.constant dense<0.000000e+00> : vector<200x64xf32>
    %dot_general3A_5 = tpu.matmul %get3A_1, %get3A_4, %dot_general3A {dimension_numbers = #tpu.dot_dimension_numbers<[1], [0], [0], [1], [0, 0, 1, 1], [], []>, transpose_lhs_hint = false} : vector<200x92xf32>, vector<92x64xf32>, vector<200x64xf32> -> vector<200x64xf32>
    %get3A_6 = arith.constant 0 : index
    %get3A_7 = arith.constant 0 : index
    %get3A_8 = vector.load %arg3[%get3A_6, %get3A_7] : memref<1x64xf32, #tpu.memory_space<vmem>>, vector<1x64xf32>
    %add3A = vector.broadcast %get3A_8 : vector<1x64xf32> to vector<200x64xf32>
    %add3A_9 = arith.addf %dot_general3A_5, %add3A : vector<200x64xf32>
    %swap3A = arith.constant 0 : index
    %swap3A_10 = arith.constant 0 : index
    %swap3A_11 = vector.load %arg5[%swap3A, %swap3A_10] : memref<200x64xf32, #tpu.memory_space<vmem>>, vector<200x64xf32>
    tpu.vector_store %arg5[%swap3A, %swap3A_10], %add3A_9 {strides = array<i32>} : memref<200x64xf32, #tpu.memory_space<vmem>>, vector<200x64xf32>,
    %get3A_12 = arith.constant 0 : index
    %get3A_13 = arith.constant 0 : index
    %get3A_14 = vector.load %arg4[%get3A_12, %get3A_13] : memref<64x128xf32, #tpu.memory_space<vmem>>, vector<64x128xf32>
    %dot_general3A_15 = arith.constant dense<0.000000e+00> : vector<200x128xf32>
    %dot_general3A_16 = tpu.matmul %add3A_9, %get3A_14, %dot_general3A_15 {dimension_numbers = #tpu.dot_dimension_numbers<[1], [0], [0], [1], [0, 0, 1, 1], [], []>, transpose_lhs_hint = false} : vector<200x64xf32>, vector<64x128xf32>, vector<200x128xf32> -> vector<200x128xf32>
    %swap3A_17 = arith.constant 0 : index
    %swap3A_18 = arith.constant 0 : index
    %swap3A_19 = vector.load %arg6[%swap3A_17, %swap3A_18] : memref<200x128xf32, #tpu.memory_space<vmem>>, vector<200x128xf32>
    tpu.vector_store %arg6[%swap3A_17, %swap3A_18], %dot_general3A_16 {strides = array<i32>} : memref<200x128xf32, #tpu.memory_space<vmem>>, vector<200x128xf32>,
    return
  }
  func.func @transform_0(%arg0: i32) -> (i32, i32) {
    %c0_i32 = arith.constant 0 : i32
    %c0_i32_0 = arith.constant 0 : i32
    return %arg0, %c0_i32 : i32, i32
  }
  func.func @transform_1(%arg0: i32) -> (i32, i32) {
    %c0_i32 = arith.constant 0 : i32
    %c0_i32_0 = arith.constant 0 : i32
    %c0_i32_1 = arith.constant 0 : i32
    return %c0_i32, %c0_i32_0 : i32, i32
  }
  func.func @transform_2(%arg0: i32) -> (i32, i32) {
    %c0_i32 = arith.constant 0 : i32
    %c0_i32_0 = arith.constant 0 : i32
    %c0_i32_1 = arith.constant 0 : i32
    return %c0_i32, %c0_i32_0 : i32, i32
  }
  func.func @transform_3(%arg0: i32) -> (i32, i32) {
    %c0_i32 = arith.constant 0 : i32
    %c0_i32_0 = arith.constant 0 : i32
    %c0_i32_1 = arith.constant 0 : i32
    return %c0_i32, %c0_i32_0 : i32, i32
  }
  func.func @transform_4(%arg0: i32) -> (i32, i32) {
    %c0_i32 = arith.constant 0 : i32
    %c0_i32_0 = arith.constant 0 : i32
    return %arg0, %c0_i32 : i32, i32
  }
  func.func @transform_5(%arg0: i32) -> (i32, i32) {
    %c0_i32 = arith.constant 0 : i32
    %c0_i32_0 = arith.constant 0 : i32
    return %arg0, %c0_i32 : i32, i32
  }
}

module attributes {stable_mosaic.version = 14 : i64} {
  func.func @_passA_body(%arg0: i32, %arg1: memref<200x64xf32, #tpu.memory_space<vmem>>, %arg2: memref<3200x128xf32, #tpu.memory_space<vmem>>, %arg3: memref<3200x41xf32, #tpu.memory_space<vmem>>, %arg4: memref<64x128xf32, #tpu.memory_space<vmem>>, %arg5: memref<41x128xf32, #tpu.memory_space<vmem>>, %arg6: memref<1x128xf32, #tpu.memory_space<vmem>>, %arg7: memref<8x128xf32, #tpu.memory_space<vmem>>) attributes {dimension_semantics = [#tpu.dimension_semantics<arbitrary>], iteration_bounds = array<i64: 125>, scalar_prefetch = 0 : i64, scratch_operands = 0 : i64, tpu.core_type = #tpu.core_type<tc>, window_params = [{transform_indices = @transform_0, window_bounds = array<i64: 200, 64>}, {transform_indices = @transform_1, window_bounds = array<i64: 3200, 128>}, {transform_indices = @transform_2, window_bounds = array<i64: 3200, 41>}, {pipeline_mode = #tpu.pipeline_mode<synchronous>, transform_indices = @transform_3, window_bounds = array<i64: 64, 128>}, {pipeline_mode = #tpu.pipeline_mode<synchronous>, transform_indices = @transform_4, window_bounds = array<i64: 41, 128>}, {pipeline_mode = #tpu.pipeline_mode<synchronous>, transform_indices = @transform_5, window_bounds = array<i64: 1, 128>}, {pipeline_mode = #tpu.pipeline_mode<synchronous>, transform_indices = @transform_6, window_bounds = array<i64: 8, 128>}]} {
    %get3A = arith.constant 0 : index
    %get3A_0 = arith.constant 0 : index
    %get3A_1 = vector.load %arg1[%get3A, %get3A_0] : memref<200x64xf32, #tpu.memory_space<vmem>>, vector<200x64xf32>
    %get3A_2 = arith.constant 0 : index
    %get3A_3 = arith.constant 0 : index
    %get3A_4 = vector.load %arg4[%get3A_2, %get3A_3] : memref<64x128xf32, #tpu.memory_space<vmem>>, vector<64x128xf32>
    %dot_general3A = arith.constant dense<0.000000e+00> : vector<200x128xf32>
    %dot_general3A_5 = tpu.matmul %get3A_1, %get3A_4, %dot_general3A {dimension_numbers = #tpu.dot_dimension_numbers<[1], [0], [0], [1], [0, 0, 1, 1], [], []>, transpose_lhs_hint = false} : vector<200x64xf32>, vector<64x128xf32>, vector<200x128xf32> -> vector<200x128xf32>
    %get3A_6 = arith.constant 0 : index
    %get3A_7 = arith.constant 0 : index
    %get3A_8 = vector.load %arg6[%get3A_6, %get3A_7] : memref<1x128xf32, #tpu.memory_space<vmem>>, vector<1x128xf32>
    %add3A = vector.broadcast %get3A_8 : vector<1x128xf32> to vector<200x128xf32>
    %add3A_9 = arith.addf %dot_general3A_5, %add3A : vector<200x128xf32>
    %broadcast_in_dim3A = vector.shape_cast %add3A_9 : vector<200x128xf32> to vector<200x1x128xf32>
    %broadcast_in_dim3A_10 = vector.shape_cast %broadcast_in_dim3A : vector<200x1x128xf32> to vector<200x1x128xf32>
    %broadcast_in_dim3A_11 = vector.broadcast %broadcast_in_dim3A_10 : vector<200x1x128xf32> to vector<200x16x128xf32>
    %reshape3A = vector.shape_cast %broadcast_in_dim3A_11 : vector<200x16x128xf32> to vector<3200x128xf32>
    %get3A_12 = arith.constant 0 : index
    %get3A_13 = arith.constant 0 : index
    %get3A_14 = vector.load %arg2[%get3A_12, %get3A_13] : memref<3200x128xf32, #tpu.memory_space<vmem>>, vector<3200x128xf32>
    %add3A_15 = arith.addf %reshape3A, %get3A_14 : vector<3200x128xf32>
    %get3A_16 = arith.constant 0 : index
    %get3A_17 = arith.constant 0 : index
    %get3A_18 = vector.load %arg3[%get3A_16, %get3A_17] : memref<3200x41xf32, #tpu.memory_space<vmem>>, vector<3200x41xf32>
    %get3A_19 = arith.constant 0 : index
    %get3A_20 = arith.constant 0 : index
    %get3A_21 = vector.load %arg5[%get3A_19, %get3A_20] : memref<41x128xf32, #tpu.memory_space<vmem>>, vector<41x128xf32>
    %dot_general3A_22 = arith.constant dense<0.000000e+00> : vector<3200x128xf32>
    %dot_general3A_23 = tpu.matmul %get3A_18, %get3A_21, %dot_general3A_22 {dimension_numbers = #tpu.dot_dimension_numbers<[1], [0], [0], [1], [0, 0, 1, 1], [], []>, transpose_lhs_hint = false} : vector<3200x41xf32>, vector<41x128xf32>, vector<3200x128xf32> -> vector<3200x128xf32>
    %add3A_24 = arith.addf %add3A_15, %dot_general3A_23 : vector<3200x128xf32>
    %eq3A = arith.constant 0 : i32
    %eq3A_25 = arith.cmpi eq, %arg0, %eq3A : i32
    %convert_element_type3A = arith.extui %eq3A_25 : i1 to i32
    %cond3A = arith.constant 0 : i32
    %cond3A_26 = arith.cmpi ne, %convert_element_type3A, %cond3A : i32
    scf.if %cond3A_26 {
      %broadcast_in_dim3A_45 = arith.constant 0.000000e+00 : f32
      %broadcast_in_dim3A_46 = vector.broadcast %broadcast_in_dim3A_45 : f32 to vector<8x128xf32>
      %swap3A_47 = arith.constant 0 : index
      %swap3A_48 = arith.constant 0 : index
      %swap3A_49 = vector.load %arg7[%swap3A_47, %swap3A_48] : memref<8x128xf32, #tpu.memory_space<vmem>>, vector<8x128xf32>
      tpu.vector_store %arg7[%swap3A_47, %swap3A_48], %broadcast_in_dim3A_46 {strides = array<i32>} : memref<8x128xf32, #tpu.memory_space<vmem>>, vector<8x128xf32>,
    } else {
    }
    %get3A_27 = arith.constant 0 : index
    %get3A_28 = arith.constant 0 : index
    %get3A_29 = vector.load %arg7[%get3A_27, %get3A_28] : memref<8x128xf32, #tpu.memory_space<vmem>>, vector<1x128xf32>
    %reduce_sum3A = arith.constant dense<0.000000e+00> : vector<128xf32>
    %reduce_sum3A_30 = vector.multi_reduction <add>, %add3A_24, %reduce_sum3A [0] : vector<3200x128xf32> to vector<128xf32>
    %broadcast_in_dim3A_31 = vector.shape_cast %reduce_sum3A_30 : vector<128xf32> to vector<1x128xf32>
    %add3A_32 = arith.addf %get3A_29, %broadcast_in_dim3A_31 : vector<1x128xf32>
    %swap3A = arith.constant 0 : index
    %swap3A_33 = arith.constant 0 : index
    %swap3A_34 = vector.load %arg7[%swap3A, %swap3A_33] : memref<8x128xf32, #tpu.memory_space<vmem>>, vector<1x128xf32>
    tpu.vector_store %arg7[%swap3A, %swap3A_33], %add3A_32 {strides = array<i32>} : memref<8x128xf32, #tpu.memory_space<vmem>>, vector<1x128xf32>,
    %get3A_35 = arith.constant 1 : index
    %get3A_36 = arith.constant 0 : index
    %get3A_37 = vector.load %arg7[%get3A_35, %get3A_36] : memref<8x128xf32, #tpu.memory_space<vmem>>, vector<1x128xf32>
    %mul3A = arith.mulf %add3A_24, %add3A_24 : vector<3200x128xf32>
    %reduce_sum3A_38 = arith.constant dense<0.000000e+00> : vector<128xf32>
    %reduce_sum3A_39 = vector.multi_reduction <add>, %mul3A, %reduce_sum3A_38 [0] : vector<3200x128xf32> to vector<128xf32>
    %broadcast_in_dim3A_40 = vector.shape_cast %reduce_sum3A_39 : vector<128xf32> to vector<1x128xf32>
    %add3A_41 = arith.addf %get3A_37, %broadcast_in_dim3A_40 : vector<1x128xf32>
    %swap3A_42 = arith.constant 1 : index
    %swap3A_43 = arith.constant 0 : index
    %swap3A_44 = vector.load %arg7[%swap3A_42, %swap3A_43] : memref<8x128xf32, #tpu.memory_space<vmem>>, vector<1x128xf32>
    tpu.vector_store %arg7[%swap3A_42, %swap3A_43], %add3A_41 {strides = array<i32>} : memref<8x128xf32, #tpu.memory_space<vmem>>, vector<1x128xf32>,
    return
  }
  func.func @transform_0(%arg0: i32) -> (i32, i32) {
    %add3A = arith.constant 0 : i32
    %add3A_0 = arith.addi %arg0, %add3A : i32
    %c0_i32 = arith.constant 0 : i32
    %c0_i32_1 = arith.constant 0 : i32
    return %add3A_0, %c0_i32 : i32, i32
  }
  func.func @transform_1(%arg0: i32) -> (i32, i32) {
    %c0_i32 = arith.constant 0 : i32
    %c0_i32_0 = arith.constant 0 : i32
    return %arg0, %c0_i32 : i32, i32
  }
  func.func @transform_2(%arg0: i32) -> (i32, i32) {
    %add3A = arith.constant 0 : i32
    %add3A_0 = arith.addi %arg0, %add3A : i32
    %c0_i32 = arith.constant 0 : i32
    %c0_i32_1 = arith.constant 0 : i32
    return %add3A_0, %c0_i32 : i32, i32
  }
  func.func @transform_3(%arg0: i32) -> (i32, i32) {
    %c0_i32 = arith.constant 0 : i32
    %c0_i32_0 = arith.constant 0 : i32
    %c0_i32_1 = arith.constant 0 : i32
    return %c0_i32, %c0_i32_0 : i32, i32
  }
  func.func @transform_4(%arg0: i32) -> (i32, i32) {
    %c0_i32 = arith.constant 0 : i32
    %c0_i32_0 = arith.constant 0 : i32
    %c0_i32_1 = arith.constant 0 : i32
    return %c0_i32, %c0_i32_0 : i32, i32
  }
  func.func @transform_5(%arg0: i32) -> (i32, i32) {
    %c0_i32 = arith.constant 0 : i32
    %c0_i32_0 = arith.constant 0 : i32
    %c0_i32_1 = arith.constant 0 : i32
    return %c0_i32, %c0_i32_0 : i32, i32
  }
  func.func @transform_6(%arg0: i32) -> (i32, i32) {
    %c0_i32 = arith.constant 0 : i32
    %c0_i32_0 = arith.constant 0 : i32
    %c0_i32_1 = arith.constant 0 : i32
    return %c0_i32, %c0_i32_0 : i32, i32
  }
}

module attributes {stable_mosaic.version = 14 : i64} {
  func.func @_passA_body(%arg0: i32, %arg1: memref<200x64xf32, #tpu.memory_space<vmem>>, %arg2: memref<3200x128xf32, #tpu.memory_space<vmem>>, %arg3: memref<3200x41xf32, #tpu.memory_space<vmem>>, %arg4: memref<64x128xf32, #tpu.memory_space<vmem>>, %arg5: memref<41x128xf32, #tpu.memory_space<vmem>>, %arg6: memref<1x128xf32, #tpu.memory_space<vmem>>, %arg7: memref<8x128xf32, #tpu.memory_space<vmem>>) attributes {dimension_semantics = [#tpu.dimension_semantics<arbitrary>], iteration_bounds = array<i64: 125>, scalar_prefetch = 0 : i64, scratch_operands = 0 : i64, tpu.core_type = #tpu.core_type<tc>, window_params = [{transform_indices = @transform_0, window_bounds = array<i64: 200, 64>}, {transform_indices = @transform_1, window_bounds = array<i64: 3200, 128>}, {transform_indices = @transform_2, window_bounds = array<i64: 3200, 41>}, {pipeline_mode = #tpu.pipeline_mode<synchronous>, transform_indices = @transform_3, window_bounds = array<i64: 64, 128>}, {pipeline_mode = #tpu.pipeline_mode<synchronous>, transform_indices = @transform_4, window_bounds = array<i64: 41, 128>}, {pipeline_mode = #tpu.pipeline_mode<synchronous>, transform_indices = @transform_5, window_bounds = array<i64: 1, 128>}, {pipeline_mode = #tpu.pipeline_mode<synchronous>, transform_indices = @transform_6, window_bounds = array<i64: 8, 128>}]} {
    %get3A = arith.constant 0 : index
    %get3A_0 = arith.constant 0 : index
    %get3A_1 = vector.load %arg1[%get3A, %get3A_0] : memref<200x64xf32, #tpu.memory_space<vmem>>, vector<200x64xf32>
    %get3A_2 = arith.constant 0 : index
    %get3A_3 = arith.constant 0 : index
    %get3A_4 = vector.load %arg4[%get3A_2, %get3A_3] : memref<64x128xf32, #tpu.memory_space<vmem>>, vector<64x128xf32>
    %dot_general3A = arith.constant dense<0.000000e+00> : vector<200x128xf32>
    %dot_general3A_5 = tpu.matmul %get3A_1, %get3A_4, %dot_general3A {dimension_numbers = #tpu.dot_dimension_numbers<[1], [0], [0], [1], [0, 0, 1, 1], [], []>, transpose_lhs_hint = false} : vector<200x64xf32>, vector<64x128xf32>, vector<200x128xf32> -> vector<200x128xf32>
    %get3A_6 = arith.constant 0 : index
    %get3A_7 = arith.constant 0 : index
    %get3A_8 = vector.load %arg6[%get3A_6, %get3A_7] : memref<1x128xf32, #tpu.memory_space<vmem>>, vector<1x128xf32>
    %add3A = vector.broadcast %get3A_8 : vector<1x128xf32> to vector<200x128xf32>
    %add3A_9 = arith.addf %dot_general3A_5, %add3A : vector<200x128xf32>
    %broadcast_in_dim3A = vector.shape_cast %add3A_9 : vector<200x128xf32> to vector<200x1x128xf32>
    %broadcast_in_dim3A_10 = vector.shape_cast %broadcast_in_dim3A : vector<200x1x128xf32> to vector<200x1x128xf32>
    %broadcast_in_dim3A_11 = vector.broadcast %broadcast_in_dim3A_10 : vector<200x1x128xf32> to vector<200x16x128xf32>
    %reshape3A = vector.shape_cast %broadcast_in_dim3A_11 : vector<200x16x128xf32> to vector<3200x128xf32>
    %get3A_12 = arith.constant 0 : index
    %get3A_13 = arith.constant 0 : index
    %get3A_14 = vector.load %arg2[%get3A_12, %get3A_13] : memref<3200x128xf32, #tpu.memory_space<vmem>>, vector<3200x128xf32>
    %add3A_15 = arith.addf %reshape3A, %get3A_14 : vector<3200x128xf32>
    %get3A_16 = arith.constant 0 : index
    %get3A_17 = arith.constant 0 : index
    %get3A_18 = vector.load %arg3[%get3A_16, %get3A_17] : memref<3200x41xf32, #tpu.memory_space<vmem>>, vector<3200x41xf32>
    %get3A_19 = arith.constant 0 : index
    %get3A_20 = arith.constant 0 : index
    %get3A_21 = vector.load %arg5[%get3A_19, %get3A_20] : memref<41x128xf32, #tpu.memory_space<vmem>>, vector<41x128xf32>
    %dot_general3A_22 = arith.constant dense<0.000000e+00> : vector<3200x128xf32>
    %dot_general3A_23 = tpu.matmul %get3A_18, %get3A_21, %dot_general3A_22 {dimension_numbers = #tpu.dot_dimension_numbers<[1], [0], [0], [1], [0, 0, 1, 1], [], []>, transpose_lhs_hint = false} : vector<3200x41xf32>, vector<41x128xf32>, vector<3200x128xf32> -> vector<3200x128xf32>
    %add3A_24 = arith.addf %add3A_15, %dot_general3A_23 : vector<3200x128xf32>
    %eq3A = arith.constant 0 : i32
    %eq3A_25 = arith.cmpi eq, %arg0, %eq3A : i32
    %convert_element_type3A = arith.extui %eq3A_25 : i1 to i32
    %cond3A = arith.constant 0 : i32
    %cond3A_26 = arith.cmpi ne, %convert_element_type3A, %cond3A : i32
    scf.if %cond3A_26 {
      %broadcast_in_dim3A_45 = arith.constant 0.000000e+00 : f32
      %broadcast_in_dim3A_46 = vector.broadcast %broadcast_in_dim3A_45 : f32 to vector<8x128xf32>
      %swap3A_47 = arith.constant 0 : index
      %swap3A_48 = arith.constant 0 : index
      %swap3A_49 = vector.load %arg7[%swap3A_47, %swap3A_48] : memref<8x128xf32, #tpu.memory_space<vmem>>, vector<8x128xf32>
      tpu.vector_store %arg7[%swap3A_47, %swap3A_48], %broadcast_in_dim3A_46 {strides = array<i32>} : memref<8x128xf32, #tpu.memory_space<vmem>>, vector<8x128xf32>,
    } else {
    }
    %get3A_27 = arith.constant 0 : index
    %get3A_28 = arith.constant 0 : index
    %get3A_29 = vector.load %arg7[%get3A_27, %get3A_28] : memref<8x128xf32, #tpu.memory_space<vmem>>, vector<1x128xf32>
    %reduce_sum3A = arith.constant dense<0.000000e+00> : vector<128xf32>
    %reduce_sum3A_30 = vector.multi_reduction <add>, %add3A_24, %reduce_sum3A [0] : vector<3200x128xf32> to vector<128xf32>
    %broadcast_in_dim3A_31 = vector.shape_cast %reduce_sum3A_30 : vector<128xf32> to vector<1x128xf32>
    %add3A_32 = arith.addf %get3A_29, %broadcast_in_dim3A_31 : vector<1x128xf32>
    %swap3A = arith.constant 0 : index
    %swap3A_33 = arith.constant 0 : index
    %swap3A_34 = vector.load %arg7[%swap3A, %swap3A_33] : memref<8x128xf32, #tpu.memory_space<vmem>>, vector<1x128xf32>
    tpu.vector_store %arg7[%swap3A, %swap3A_33], %add3A_32 {strides = array<i32>} : memref<8x128xf32, #tpu.memory_space<vmem>>, vector<1x128xf32>,
    %get3A_35 = arith.constant 1 : index
    %get3A_36 = arith.constant 0 : index
    %get3A_37 = vector.load %arg7[%get3A_35, %get3A_36] : memref<8x128xf32, #tpu.memory_space<vmem>>, vector<1x128xf32>
    %mul3A = arith.mulf %add3A_24, %add3A_24 : vector<3200x128xf32>
    %reduce_sum3A_38 = arith.constant dense<0.000000e+00> : vector<128xf32>
    %reduce_sum3A_39 = vector.multi_reduction <add>, %mul3A, %reduce_sum3A_38 [0] : vector<3200x128xf32> to vector<128xf32>
    %broadcast_in_dim3A_40 = vector.shape_cast %reduce_sum3A_39 : vector<128xf32> to vector<1x128xf32>
    %add3A_41 = arith.addf %get3A_37, %broadcast_in_dim3A_40 : vector<1x128xf32>
    %swap3A_42 = arith.constant 1 : index
    %swap3A_43 = arith.constant 0 : index
    %swap3A_44 = vector.load %arg7[%swap3A_42, %swap3A_43] : memref<8x128xf32, #tpu.memory_space<vmem>>, vector<1x128xf32>
    tpu.vector_store %arg7[%swap3A_42, %swap3A_43], %add3A_41 {strides = array<i32>} : memref<8x128xf32, #tpu.memory_space<vmem>>, vector<1x128xf32>,
    return
  }
  func.func @transform_0(%arg0: i32) -> (i32, i32) {
    %add3A = arith.constant 125 : i32
    %add3A_0 = arith.addi %arg0, %add3A : i32
    %c0_i32 = arith.constant 0 : i32
    %c0_i32_1 = arith.constant 0 : i32
    return %add3A_0, %c0_i32 : i32, i32
  }
  func.func @transform_1(%arg0: i32) -> (i32, i32) {
    %c0_i32 = arith.constant 0 : i32
    %c0_i32_0 = arith.constant 0 : i32
    return %arg0, %c0_i32 : i32, i32
  }
  func.func @transform_2(%arg0: i32) -> (i32, i32) {
    %add3A = arith.constant 125 : i32
    %add3A_0 = arith.addi %arg0, %add3A : i32
    %c0_i32 = arith.constant 0 : i32
    %c0_i32_1 = arith.constant 0 : i32
    return %add3A_0, %c0_i32 : i32, i32
  }
  func.func @transform_3(%arg0: i32) -> (i32, i32) {
    %c0_i32 = arith.constant 0 : i32
    %c0_i32_0 = arith.constant 0 : i32
    %c0_i32_1 = arith.constant 0 : i32
    return %c0_i32, %c0_i32_0 : i32, i32
  }
  func.func @transform_4(%arg0: i32) -> (i32, i32) {
    %c0_i32 = arith.constant 0 : i32
    %c0_i32_0 = arith.constant 0 : i32
    %c0_i32_1 = arith.constant 0 : i32
    return %c0_i32, %c0_i32_0 : i32, i32
  }
  func.func @transform_5(%arg0: i32) -> (i32, i32) {
    %c0_i32 = arith.constant 0 : i32
    %c0_i32_0 = arith.constant 0 : i32
    %c0_i32_1 = arith.constant 0 : i32
    return %c0_i32, %c0_i32_0 : i32, i32
  }
  func.func @transform_6(%arg0: i32) -> (i32, i32) {
    %c0_i32 = arith.constant 0 : i32
    %c0_i32_0 = arith.constant 0 : i32
    %c0_i32_1 = arith.constant 0 : i32
    return %c0_i32, %c0_i32_0 : i32, i32
  }
}

module attributes {stable_mosaic.version = 14 : i64} {
  func.func @_passB_body(%arg0: i32, %arg1: memref<200x64xf32, #tpu.memory_space<vmem>>, %arg2: memref<3200x128xf32, #tpu.memory_space<vmem>>, %arg3: memref<3200x41xf32, #tpu.memory_space<vmem>>, %arg4: memref<64x128xf32, #tpu.memory_space<vmem>>, %arg5: memref<41x128xf32, #tpu.memory_space<vmem>>, %arg6: memref<1x128xf32, #tpu.memory_space<vmem>>, %arg7: memref<1x128xf32, #tpu.memory_space<vmem>>, %arg8: memref<1x128xf32, #tpu.memory_space<vmem>>, %arg9: memref<200x64xf32, #tpu.memory_space<vmem>>, %arg10: memref<8x64xf32, #tpu.memory_space<vmem>>) attributes {dimension_semantics = [#tpu.dimension_semantics<arbitrary>], iteration_bounds = array<i64: 125>, scalar_prefetch = 0 : i64, scratch_operands = 0 : i64, tpu.core_type = #tpu.core_type<tc>, window_params = [{transform_indices = @transform_0, window_bounds = array<i64: 200, 64>}, {transform_indices = @transform_1, window_bounds = array<i64: 3200, 128>}, {transform_indices = @transform_2, window_bounds = array<i64: 3200, 41>}, {pipeline_mode = #tpu.pipeline_mode<synchronous>, transform_indices = @transform_3, window_bounds = array<i64: 64, 128>}, {pipeline_mode = #tpu.pipeline_mode<synchronous>, transform_indices = @transform_4, window_bounds = array<i64: 41, 128>}, {pipeline_mode = #tpu.pipeline_mode<synchronous>, transform_indices = @transform_5, window_bounds = array<i64: 1, 128>}, {pipeline_mode = #tpu.pipeline_mode<synchronous>, transform_indices = @transform_6, window_bounds = array<i64: 1, 128>}, {pipeline_mode = #tpu.pipeline_mode<synchronous>, transform_indices = @transform_7, window_bounds = array<i64: 1, 128>}, {transform_indices = @transform_8, window_bounds = array<i64: 200, 64>}, {pipeline_mode = #tpu.pipeline_mode<synchronous>, transform_indices = @transform_9, window_bounds = array<i64: 8, 64>}]} {
    %get3A = arith.constant 0 : index
    %get3A_0 = arith.constant 0 : index
    %get3A_1 = vector.load %arg1[%get3A, %get3A_0] : memref<200x64xf32, #tpu.memory_space<vmem>>, vector<200x64xf32>
    %get3A_2 = arith.constant 0 : index
    %get3A_3 = arith.constant 0 : index
    %get3A_4 = vector.load %arg4[%get3A_2, %get3A_3] : memref<64x128xf32, #tpu.memory_space<vmem>>, vector<64x128xf32>
    %dot_general3A = arith.constant dense<0.000000e+00> : vector<200x128xf32>
    %dot_general3A_5 = tpu.matmul %get3A_1, %get3A_4, %dot_general3A {dimension_numbers = #tpu.dot_dimension_numbers<[1], [0], [0], [1], [0, 0, 1, 1], [], []>, transpose_lhs_hint = false} : vector<200x64xf32>, vector<64x128xf32>, vector<200x128xf32> -> vector<200x128xf32>
    %get3A_6 = arith.constant 0 : index
    %get3A_7 = arith.constant 0 : index
    %get3A_8 = vector.load %arg6[%get3A_6, %get3A_7] : memref<1x128xf32, #tpu.memory_space<vmem>>, vector<1x128xf32>
    %add3A = vector.broadcast %get3A_8 : vector<1x128xf32> to vector<200x128xf32>
    %add3A_9 = arith.addf %dot_general3A_5, %add3A : vector<200x128xf32>
    %broadcast_in_dim3A = vector.shape_cast %add3A_9 : vector<200x128xf32> to vector<200x1x128xf32>
    %broadcast_in_dim3A_10 = vector.shape_cast %broadcast_in_dim3A : vector<200x1x128xf32> to vector<200x1x128xf32>
    %broadcast_in_dim3A_11 = vector.broadcast %broadcast_in_dim3A_10 : vector<200x1x128xf32> to vector<200x16x128xf32>
    %reshape3A = vector.shape_cast %broadcast_in_dim3A_11 : vector<200x16x128xf32> to vector<3200x128xf32>
    %get3A_12 = arith.constant 0 : index
    %get3A_13 = arith.constant 0 : index
    %get3A_14 = vector.load %arg2[%get3A_12, %get3A_13] : memref<3200x128xf32, #tpu.memory_space<vmem>>, vector<3200x128xf32>
    %add3A_15 = arith.addf %reshape3A, %get3A_14 : vector<3200x128xf32>
    %get3A_16 = arith.constant 0 : index
    %get3A_17 = arith.constant 0 : index
    %get3A_18 = vector.load %arg3[%get3A_16, %get3A_17] : memref<3200x41xf32, #tpu.memory_space<vmem>>, vector<3200x41xf32>
    %get3A_19 = arith.constant 0 : index
    %get3A_20 = arith.constant 0 : index
    %get3A_21 = vector.load %arg5[%get3A_19, %get3A_20] : memref<41x128xf32, #tpu.memory_space<vmem>>, vector<41x128xf32>
    %dot_general3A_22 = arith.constant dense<0.000000e+00> : vector<3200x128xf32>
    %dot_general3A_23 = tpu.matmul %get3A_18, %get3A_21, %dot_general3A_22 {dimension_numbers = #tpu.dot_dimension_numbers<[1], [0], [0], [1], [0, 0, 1, 1], [], []>, transpose_lhs_hint = false} : vector<3200x41xf32>, vector<41x128xf32>, vector<3200x128xf32> -> vector<3200x128xf32>
    %add3A_24 = arith.addf %add3A_15, %dot_general3A_23 : vector<3200x128xf32>
    %get3A_25 = arith.constant 0 : index
    %get3A_26 = arith.constant 0 : index
    %get3A_27 = vector.load %arg7[%get3A_25, %get3A_26] : memref<1x128xf32, #tpu.memory_space<vmem>>, vector<1x128xf32>
    %mul3A = vector.broadcast %get3A_27 : vector<1x128xf32> to vector<3200x128xf32>
    %mul3A_28 = arith.mulf %add3A_24, %mul3A : vector<3200x128xf32>
    %get3A_29 = arith.constant 0 : index
    %get3A_30 = arith.constant 0 : index
    %get3A_31 = vector.load %arg8[%get3A_29, %get3A_30] : memref<1x128xf32, #tpu.memory_space<vmem>>, vector<1x128xf32>
    %add3A_32 = vector.broadcast %get3A_31 : vector<1x128xf32> to vector<3200x128xf32>
    %add3A_33 = arith.addf %mul3A_28, %add3A_32 : vector<3200x128xf32>
    %slice3A = vector.extract_strided_slice %add3A_33 {offsets = [0, 0], sizes = [3200, 64], strides = [1, 1]} : vector<3200x128xf32> to vector<3200x64xf32>
    %logistic3A = arith.negf %slice3A : vector<3200x64xf32>
    %logistic3A_34 = math.exp %logistic3A : vector<3200x64xf32>
    %logistic3A_35 = arith.constant 1.000000e+00 : f32
    %logistic3A_36 = vector.broadcast %logistic3A_35 : f32 to vector<3200x64xf32>
    %logistic3A_37 = arith.addf %logistic3A_36, %logistic3A_34 : vector<3200x64xf32>
    %logistic3A_38 = arith.divf %logistic3A_36, %logistic3A_37 : vector<3200x64xf32>
    %slice3A_39 = vector.extract_strided_slice %add3A_33 {offsets = [0, 64], sizes = [3200, 64], strides = [1, 1]} : vector<3200x128xf32> to vector<3200x64xf32>
    %custom_jvp_call3A = arith.constant 0.000000e+00 : f32
    %max3A = vector.broadcast %custom_jvp_call3A : f32 to vector<3200x64xf32>
    %max3A_40 = arith.maximumf %slice3A_39, %max3A : vector<3200x64xf32>
    %sub3A = vector.broadcast %custom_jvp_call3A : f32 to vector<3200x64xf32>
    %sub3A_41 = arith.subf %slice3A_39, %sub3A : vector<3200x64xf32>
    %ne3A = arith.cmpf one, %sub3A_41, %sub3A_41 : vector<3200x64xf32>
    %add3A_42 = vector.broadcast %custom_jvp_call3A : f32 to vector<3200x64xf32>
    %add3A_43 = arith.addf %slice3A_39, %add3A_42 : vector<3200x64xf32>
    %abs3A = math.absf %sub3A_41 : vector<3200x64xf32>
    %neg3A = arith.constant 0.000000e+00 : f32
    %neg3A_44 = vector.broadcast %neg3A : f32 to vector<3200x64xf32>
    %neg3A_45 = arith.subf %neg3A_44, %abs3A : vector<3200x64xf32>
    %exp3A = math.exp %neg3A_45 : vector<3200x64xf32>
    %log1p3A = math.log1p %exp3A : vector<3200x64xf32>
    %add3A_46 = arith.addf %max3A_40, %log1p3A : vector<3200x64xf32>
    %select_n3A = arith.select %ne3A, %add3A_43, %add3A_46 : vector<3200x64xi1>, vector<3200x64xf32>
    %mul3A_47 = arith.mulf %logistic3A_38, %select_n3A : vector<3200x64xf32>
    %reshape3A_48 = vector.shape_cast %mul3A_47 : vector<3200x64xf32> to vector<200x16x64xf32>
    %reduce_sum3A = arith.constant dense<0.000000e+00> : vector<200x64xf32>
    %reduce_sum3A_49 = vector.multi_reduction <add>, %reshape3A_48, %reduce_sum3A [1] : vector<200x16x64xf32> to vector<200x64xf32>
    %swap3A = arith.constant 0 : index
    %swap3A_50 = arith.constant 0 : index
    %swap3A_51 = vector.load %arg9[%swap3A, %swap3A_50] : memref<200x64xf32, #tpu.memory_space<vmem>>, vector<200x64xf32>
    tpu.vector_store %arg9[%swap3A, %swap3A_50], %reduce_sum3A_49 {strides = array<i32>} : memref<200x64xf32, #tpu.memory_space<vmem>>, vector<200x64xf32>,
    %eq3A = arith.constant 0 : i32
    %eq3A_52 = arith.cmpi eq, %arg0, %eq3A : i32
    %convert_element_type3A = arith.extui %eq3A_52 : i1 to i32
    %cond3A = arith.constant 0 : i32
    %cond3A_53 = arith.cmpi ne, %convert_element_type3A, %cond3A : i32
    scf.if %cond3A_53 {
      %broadcast_in_dim3A_75 = arith.constant 0.000000e+00 : f32
      %broadcast_in_dim3A_76 = vector.broadcast %broadcast_in_dim3A_75 : f32 to vector<8x64xf32>
      %swap3A_77 = arith.constant 0 : index
      %swap3A_78 = arith.constant 0 : index
      %swap3A_79 = vector.load %arg10[%swap3A_77, %swap3A_78] : memref<8x64xf32, #tpu.memory_space<vmem>>, vector<8x64xf32>
      tpu.vector_store %arg10[%swap3A_77, %swap3A_78], %broadcast_in_dim3A_76 {strides = array<i32>} : memref<8x64xf32, #tpu.memory_space<vmem>>, vector<8x64xf32>,
    } else {
    }
    %get3A_54 = arith.constant 0 : index
    %get3A_55 = arith.constant 0 : index
    %get3A_56 = vector.load %arg10[%get3A_54, %get3A_55] : memref<8x64xf32, #tpu.memory_space<vmem>>, vector<1x64xf32>
    %reduce_sum3A_57 = arith.constant dense<0.000000e+00> : vector<64xf32>
    %reduce_sum3A_58 = vector.multi_reduction <add>, %reduce_sum3A_49, %reduce_sum3A_57 [0] : vector<200x64xf32> to vector<64xf32>
    %broadcast_in_dim3A_59 = vector.shape_cast %reduce_sum3A_58 : vector<64xf32> to vector<1x64xf32>
    %add3A_60 = arith.addf %get3A_56, %broadcast_in_dim3A_59 : vector<1x64xf32>
    %swap3A_61 = arith.constant 0 : index
    %swap3A_62 = arith.constant 0 : index
    %swap3A_63 = vector.load %arg10[%swap3A_61, %swap3A_62] : memref<8x64xf32, #tpu.memory_space<vmem>>, vector<1x64xf32>
    tpu.vector_store %arg10[%swap3A_61, %swap3A_62], %add3A_60 {strides = array<i32>} : memref<8x64xf32, #tpu.memory_space<vmem>>, vector<1x64xf32>,
    %get3A_64 = arith.constant 1 : index
    %get3A_65 = arith.constant 0 : index
    %get3A_66 = vector.load %arg10[%get3A_64, %get3A_65] : memref<8x64xf32, #tpu.memory_space<vmem>>, vector<1x64xf32>
    %mul3A_67 = arith.mulf %reduce_sum3A_49, %reduce_sum3A_49 : vector<200x64xf32>
    %reduce_sum3A_68 = arith.constant dense<0.000000e+00> : vector<64xf32>
    %reduce_sum3A_69 = vector.multi_reduction <add>, %mul3A_67, %reduce_sum3A_68 [0] : vector<200x64xf32> to vector<64xf32>
    %broadcast_in_dim3A_70 = vector.shape_cast %reduce_sum3A_69 : vector<64xf32> to vector<1x64xf32>
    %add3A_71 = arith.addf %get3A_66, %broadcast_in_dim3A_70 : vector<1x64xf32>
    %swap3A_72 = arith.constant 1 : index
    %swap3A_73 = arith.constant 0 : index
    %swap3A_74 = vector.load %arg10[%swap3A_72, %swap3A_73] : memref<8x64xf32, #tpu.memory_space<vmem>>, vector<1x64xf32>
    tpu.vector_store %arg10[%swap3A_72, %swap3A_73], %add3A_71 {strides = array<i32>} : memref<8x64xf32, #tpu.memory_space<vmem>>, vector<1x64xf32>,
    return
  }
  func.func @transform_0(%arg0: i32) -> (i32, i32) {
    %add3A = arith.constant 0 : i32
    %add3A_0 = arith.addi %arg0, %add3A : i32
    %c0_i32 = arith.constant 0 : i32
    %c0_i32_1 = arith.constant 0 : i32
    return %add3A_0, %c0_i32 : i32, i32
  }
  func.func @transform_1(%arg0: i32) -> (i32, i32) {
    %c0_i32 = arith.constant 0 : i32
    %c0_i32_0 = arith.constant 0 : i32
    return %arg0, %c0_i32 : i32, i32
  }
  func.func @transform_2(%arg0: i32) -> (i32, i32) {
    %add3A = arith.constant 0 : i32
    %add3A_0 = arith.addi %arg0, %add3A : i32
    %c0_i32 = arith.constant 0 : i32
    %c0_i32_1 = arith.constant 0 : i32
    return %add3A_0, %c0_i32 : i32, i32
  }
  func.func @transform_3(%arg0: i32) -> (i32, i32) {
    %c0_i32 = arith.constant 0 : i32
    %c0_i32_0 = arith.constant 0 : i32
    %c0_i32_1 = arith.constant 0 : i32
    return %c0_i32, %c0_i32_0 : i32, i32
  }
  func.func @transform_4(%arg0: i32) -> (i32, i32) {
    %c0_i32 = arith.constant 0 : i32
    %c0_i32_0 = arith.constant 0 : i32
    %c0_i32_1 = arith.constant 0 : i32
    return %c0_i32, %c0_i32_0 : i32, i32
  }
  func.func @transform_5(%arg0: i32) -> (i32, i32) {
    %c0_i32 = arith.constant 0 : i32
    %c0_i32_0 = arith.constant 0 : i32
    %c0_i32_1 = arith.constant 0 : i32
    return %c0_i32, %c0_i32_0 : i32, i32
  }
  func.func @transform_6(%arg0: i32) -> (i32, i32) {
    %c0_i32 = arith.constant 0 : i32
    %c0_i32_0 = arith.constant 0 : i32
    %c0_i32_1 = arith.constant 0 : i32
    return %c0_i32, %c0_i32_0 : i32, i32
  }
  func.func @transform_7(%arg0: i32) -> (i32, i32) {
    %c0_i32 = arith.constant 0 : i32
    %c0_i32_0 = arith.constant 0 : i32
    %c0_i32_1 = arith.constant 0 : i32
    return %c0_i32, %c0_i32_0 : i32, i32
  }
  func.func @transform_8(%arg0: i32) -> (i32, i32) {
    %add3A = arith.constant 0 : i32
    %add3A_0 = arith.addi %arg0, %add3A : i32
    %c0_i32 = arith.constant 0 : i32
    %c0_i32_1 = arith.constant 0 : i32
    return %add3A_0, %c0_i32 : i32, i32
  }
  func.func @transform_9(%arg0: i32) -> (i32, i32) {
    %c0_i32 = arith.constant 0 : i32
    %c0_i32_0 = arith.constant 0 : i32
    %c0_i32_1 = arith.constant 0 : i32
    return %c0_i32, %c0_i32_0 : i32, i32
  }
}

module attributes {stable_mosaic.version = 14 : i64} {
  func.func @_passB_body(%arg0: i32, %arg1: memref<200x64xf32, #tpu.memory_space<vmem>>, %arg2: memref<3200x128xf32, #tpu.memory_space<vmem>>, %arg3: memref<3200x41xf32, #tpu.memory_space<vmem>>, %arg4: memref<64x128xf32, #tpu.memory_space<vmem>>, %arg5: memref<41x128xf32, #tpu.memory_space<vmem>>, %arg6: memref<1x128xf32, #tpu.memory_space<vmem>>, %arg7: memref<1x128xf32, #tpu.memory_space<vmem>>, %arg8: memref<1x128xf32, #tpu.memory_space<vmem>>, %arg9: memref<200x64xf32, #tpu.memory_space<vmem>>, %arg10: memref<200x64xf32, #tpu.memory_space<vmem>>, %arg11: memref<8x64xf32, #tpu.memory_space<vmem>>) attributes {dimension_semantics = [#tpu.dimension_semantics<arbitrary>], iteration_bounds = array<i64: 125>, scalar_prefetch = 0 : i64, scratch_operands = 0 : i64, tpu.core_type = #tpu.core_type<tc>, window_params = [{transform_indices = @transform_0, window_bounds = array<i64: 200, 64>}, {transform_indices = @transform_1, window_bounds = array<i64: 3200, 128>}, {transform_indices = @transform_2, window_bounds = array<i64: 3200, 41>}, {pipeline_mode = #tpu.pipeline_mode<synchronous>, transform_indices = @transform_3, window_bounds = array<i64: 64, 128>}, {pipeline_mode = #tpu.pipeline_mode<synchronous>, transform_indices = @transform_4, window_bounds = array<i64: 41, 128>}, {pipeline_mode = #tpu.pipeline_mode<synchronous>, transform_indices = @transform_5, window_bounds = array<i64: 1, 128>}, {pipeline_mode = #tpu.pipeline_mode<synchronous>, transform_indices = @transform_6, window_bounds = array<i64: 1, 128>}, {pipeline_mode = #tpu.pipeline_mode<synchronous>, transform_indices = @transform_7, window_bounds = array<i64: 1, 128>}, {transform_indices = @transform_8, window_bounds = array<i64: 200, 64>}, {transform_indices = @transform_9, window_bounds = array<i64: 200, 64>}, {pipeline_mode = #tpu.pipeline_mode<synchronous>, transform_indices = @transform_10, window_bounds = array<i64: 8, 64>}]} {
    %get3A = arith.constant 0 : index
    %get3A_0 = arith.constant 0 : index
    %get3A_1 = vector.load %arg1[%get3A, %get3A_0] : memref<200x64xf32, #tpu.memory_space<vmem>>, vector<200x64xf32>
    %get3A_2 = arith.constant 0 : index
    %get3A_3 = arith.constant 0 : index
    %get3A_4 = vector.load %arg4[%get3A_2, %get3A_3] : memref<64x128xf32, #tpu.memory_space<vmem>>, vector<64x128xf32>
    %dot_general3A = arith.constant dense<0.000000e+00> : vector<200x128xf32>
    %dot_general3A_5 = tpu.matmul %get3A_1, %get3A_4, %dot_general3A {dimension_numbers = #tpu.dot_dimension_numbers<[1], [0], [0], [1], [0, 0, 1, 1], [], []>, transpose_lhs_hint = false} : vector<200x64xf32>, vector<64x128xf32>, vector<200x128xf32> -> vector<200x128xf32>
    %get3A_6 = arith.constant 0 : index
    %get3A_7 = arith.constant 0 : index
    %get3A_8 = vector.load %arg6[%get3A_6, %get3A_7] : memref<1x128xf32, #tpu.memory_space<vmem>>, vector<1x128xf32>
    %add3A = vector.broadcast %get3A_8 : vector<1x128xf32> to vector<200x128xf32>
    %add3A_9 = arith.addf %dot_general3A_5, %add3A : vector<200x128xf32>
    %broadcast_in_dim3A = vector.shape_cast %add3A_9 : vector<200x128xf32> to vector<200x1x128xf32>
    %broadcast_in_dim3A_10 = vector.shape_cast %broadcast_in_dim3A : vector<200x1x128xf32> to vector<200x1x128xf32>
    %broadcast_in_dim3A_11 = vector.broadcast %broadcast_in_dim3A_10 : vector<200x1x128xf32> to vector<200x16x128xf32>
    %reshape3A = vector.shape_cast %broadcast_in_dim3A_11 : vector<200x16x128xf32> to vector<3200x128xf32>
    %get3A_12 = arith.constant 0 : index
    %get3A_13 = arith.constant 0 : index
    %get3A_14 = vector.load %arg2[%get3A_12, %get3A_13] : memref<3200x128xf32, #tpu.memory_space<vmem>>, vector<3200x128xf32>
    %add3A_15 = arith.addf %reshape3A, %get3A_14 : vector<3200x128xf32>
    %get3A_16 = arith.constant 0 : index
    %get3A_17 = arith.constant 0 : index
    %get3A_18 = vector.load %arg3[%get3A_16, %get3A_17] : memref<3200x41xf32, #tpu.memory_space<vmem>>, vector<3200x41xf32>
    %get3A_19 = arith.constant 0 : index
    %get3A_20 = arith.constant 0 : index
    %get3A_21 = vector.load %arg5[%get3A_19, %get3A_20] : memref<41x128xf32, #tpu.memory_space<vmem>>, vector<41x128xf32>
    %dot_general3A_22 = arith.constant dense<0.000000e+00> : vector<3200x128xf32>
    %dot_general3A_23 = tpu.matmul %get3A_18, %get3A_21, %dot_general3A_22 {dimension_numbers = #tpu.dot_dimension_numbers<[1], [0], [0], [1], [0, 0, 1, 1], [], []>, transpose_lhs_hint = false} : vector<3200x41xf32>, vector<41x128xf32>, vector<3200x128xf32> -> vector<3200x128xf32>
    %add3A_24 = arith.addf %add3A_15, %dot_general3A_23 : vector<3200x128xf32>
    %get3A_25 = arith.constant 0 : index
    %get3A_26 = arith.constant 0 : index
    %get3A_27 = vector.load %arg7[%get3A_25, %get3A_26] : memref<1x128xf32, #tpu.memory_space<vmem>>, vector<1x128xf32>
    %mul3A = vector.broadcast %get3A_27 : vector<1x128xf32> to vector<3200x128xf32>
    %mul3A_28 = arith.mulf %add3A_24, %mul3A : vector<3200x128xf32>
    %get3A_29 = arith.constant 0 : index
    %get3A_30 = arith.constant 0 : index
    %get3A_31 = vector.load %arg8[%get3A_29, %get3A_30] : memref<1x128xf32, #tpu.memory_space<vmem>>, vector<1x128xf32>
    %add3A_32 = vector.broadcast %get3A_31 : vector<1x128xf32> to vector<3200x128xf32>
    %add3A_33 = arith.addf %mul3A_28, %add3A_32 : vector<3200x128xf32>
    %slice3A = vector.extract_strided_slice %add3A_33 {offsets = [0, 0], sizes = [3200, 64], strides = [1, 1]} : vector<3200x128xf32> to vector<3200x64xf32>
    %logistic3A = arith.negf %slice3A : vector<3200x64xf32>
    %logistic3A_34 = math.exp %logistic3A : vector<3200x64xf32>
    %logistic3A_35 = arith.constant 1.000000e+00 : f32
    %logistic3A_36 = vector.broadcast %logistic3A_35 : f32 to vector<3200x64xf32>
    %logistic3A_37 = arith.addf %logistic3A_36, %logistic3A_34 : vector<3200x64xf32>
    %logistic3A_38 = arith.divf %logistic3A_36, %logistic3A_37 : vector<3200x64xf32>
    %slice3A_39 = vector.extract_strided_slice %add3A_33 {offsets = [0, 64], sizes = [3200, 64], strides = [1, 1]} : vector<3200x128xf32> to vector<3200x64xf32>
    %custom_jvp_call3A = arith.constant 0.000000e+00 : f32
    %max3A = vector.broadcast %custom_jvp_call3A : f32 to vector<3200x64xf32>
    %max3A_40 = arith.maximumf %slice3A_39, %max3A : vector<3200x64xf32>
    %sub3A = vector.broadcast %custom_jvp_call3A : f32 to vector<3200x64xf32>
    %sub3A_41 = arith.subf %slice3A_39, %sub3A : vector<3200x64xf32>
    %ne3A = arith.cmpf one, %sub3A_41, %sub3A_41 : vector<3200x64xf32>
    %add3A_42 = vector.broadcast %custom_jvp_call3A : f32 to vector<3200x64xf32>
    %add3A_43 = arith.addf %slice3A_39, %add3A_42 : vector<3200x64xf32>
    %abs3A = math.absf %sub3A_41 : vector<3200x64xf32>
    %neg3A = arith.constant 0.000000e+00 : f32
    %neg3A_44 = vector.broadcast %neg3A : f32 to vector<3200x64xf32>
    %neg3A_45 = arith.subf %neg3A_44, %abs3A : vector<3200x64xf32>
    %exp3A = math.exp %neg3A_45 : vector<3200x64xf32>
    %log1p3A = math.log1p %exp3A : vector<3200x64xf32>
    %add3A_46 = arith.addf %max3A_40, %log1p3A : vector<3200x64xf32>
    %select_n3A = arith.select %ne3A, %add3A_43, %add3A_46 : vector<3200x64xi1>, vector<3200x64xf32>
    %mul3A_47 = arith.mulf %logistic3A_38, %select_n3A : vector<3200x64xf32>
    %reshape3A_48 = vector.shape_cast %mul3A_47 : vector<3200x64xf32> to vector<200x16x64xf32>
    %reduce_sum3A = arith.constant dense<0.000000e+00> : vector<200x64xf32>
    %reduce_sum3A_49 = vector.multi_reduction <add>, %reshape3A_48, %reduce_sum3A [1] : vector<200x16x64xf32> to vector<200x64xf32>
    %swap3A = arith.constant 0 : index
    %swap3A_50 = arith.constant 0 : index
    %swap3A_51 = vector.load %arg10[%swap3A, %swap3A_50] : memref<200x64xf32, #tpu.memory_space<vmem>>, vector<200x64xf32>
    tpu.vector_store %arg10[%swap3A, %swap3A_50], %reduce_sum3A_49 {strides = array<i32>} : memref<200x64xf32, #tpu.memory_space<vmem>>, vector<200x64xf32>,
    %eq3A = arith.constant 0 : i32
    %eq3A_52 = arith.cmpi eq, %arg0, %eq3A : i32
    %convert_element_type3A = arith.extui %eq3A_52 : i1 to i32
    %cond3A = arith.constant 0 : i32
    %cond3A_53 = arith.cmpi ne, %convert_element_type3A, %cond3A : i32
    scf.if %cond3A_53 {
      %broadcast_in_dim3A_75 = arith.constant 0.000000e+00 : f32
      %broadcast_in_dim3A_76 = vector.broadcast %broadcast_in_dim3A_75 : f32 to vector<8x64xf32>
      %swap3A_77 = arith.constant 0 : index
      %swap3A_78 = arith.constant 0 : index
      %swap3A_79 = vector.load %arg11[%swap3A_77, %swap3A_78] : memref<8x64xf32, #tpu.memory_space<vmem>>, vector<8x64xf32>
      tpu.vector_store %arg11[%swap3A_77, %swap3A_78], %broadcast_in_dim3A_76 {strides = array<i32>} : memref<8x64xf32, #tpu.memory_space<vmem>>, vector<8x64xf32>,
    } else {
    }
    %get3A_54 = arith.constant 0 : index
    %get3A_55 = arith.constant 0 : index
    %get3A_56 = vector.load %arg11[%get3A_54, %get3A_55] : memref<8x64xf32, #tpu.memory_space<vmem>>, vector<1x64xf32>
    %reduce_sum3A_57 = arith.constant dense<0.000000e+00> : vector<64xf32>
    %reduce_sum3A_58 = vector.multi_reduction <add>, %reduce_sum3A_49, %reduce_sum3A_57 [0] : vector<200x64xf32> to vector<64xf32>
    %broadcast_in_dim3A_59 = vector.shape_cast %reduce_sum3A_58 : vector<64xf32> to vector<1x64xf32>
    %add3A_60 = arith.addf %get3A_56, %broadcast_in_dim3A_59 : vector<1x64xf32>
    %swap3A_61 = arith.constant 0 : index
    %swap3A_62 = arith.constant 0 : index
    %swap3A_63 = vector.load %arg11[%swap3A_61, %swap3A_62] : memref<8x64xf32, #tpu.memory_space<vmem>>, vector<1x64xf32>
    tpu.vector_store %arg11[%swap3A_61, %swap3A_62], %add3A_60 {strides = array<i32>} : memref<8x64xf32, #tpu.memory_space<vmem>>, vector<1x64xf32>,
    %get3A_64 = arith.constant 1 : index
    %get3A_65 = arith.constant 0 : index
    %get3A_66 = vector.load %arg11[%get3A_64, %get3A_65] : memref<8x64xf32, #tpu.memory_space<vmem>>, vector<1x64xf32>
    %mul3A_67 = arith.mulf %reduce_sum3A_49, %reduce_sum3A_49 : vector<200x64xf32>
    %reduce_sum3A_68 = arith.constant dense<0.000000e+00> : vector<64xf32>
    %reduce_sum3A_69 = vector.multi_reduction <add>, %mul3A_67, %reduce_sum3A_68 [0] : vector<200x64xf32> to vector<64xf32>
    %broadcast_in_dim3A_70 = vector.shape_cast %reduce_sum3A_69 : vector<64xf32> to vector<1x64xf32>
    %add3A_71 = arith.addf %get3A_66, %broadcast_in_dim3A_70 : vector<1x64xf32>
    %swap3A_72 = arith.constant 1 : index
    %swap3A_73 = arith.constant 0 : index
    %swap3A_74 = vector.load %arg11[%swap3A_72, %swap3A_73] : memref<8x64xf32, #tpu.memory_space<vmem>>, vector<1x64xf32>
    tpu.vector_store %arg11[%swap3A_72, %swap3A_73], %add3A_71 {strides = array<i32>} : memref<8x64xf32, #tpu.memory_space<vmem>>, vector<1x64xf32>,
    return
  }
  func.func @transform_0(%arg0: i32) -> (i32, i32) {
    %add3A = arith.constant 125 : i32
    %add3A_0 = arith.addi %arg0, %add3A : i32
    %c0_i32 = arith.constant 0 : i32
    %c0_i32_1 = arith.constant 0 : i32
    return %add3A_0, %c0_i32 : i32, i32
  }
  func.func @transform_1(%arg0: i32) -> (i32, i32) {
    %c0_i32 = arith.constant 0 : i32
    %c0_i32_0 = arith.constant 0 : i32
    return %arg0, %c0_i32 : i32, i32
  }
  func.func @transform_2(%arg0: i32) -> (i32, i32) {
    %add3A = arith.constant 125 : i32
    %add3A_0 = arith.addi %arg0, %add3A : i32
    %c0_i32 = arith.constant 0 : i32
    %c0_i32_1 = arith.constant 0 : i32
    return %add3A_0, %c0_i32 : i32, i32
  }
  func.func @transform_3(%arg0: i32) -> (i32, i32) {
    %c0_i32 = arith.constant 0 : i32
    %c0_i32_0 = arith.constant 0 : i32
    %c0_i32_1 = arith.constant 0 : i32
    return %c0_i32, %c0_i32_0 : i32, i32
  }
  func.func @transform_4(%arg0: i32) -> (i32, i32) {
    %c0_i32 = arith.constant 0 : i32
    %c0_i32_0 = arith.constant 0 : i32
    %c0_i32_1 = arith.constant 0 : i32
    return %c0_i32, %c0_i32_0 : i32, i32
  }
  func.func @transform_5(%arg0: i32) -> (i32, i32) {
    %c0_i32 = arith.constant 0 : i32
    %c0_i32_0 = arith.constant 0 : i32
    %c0_i32_1 = arith.constant 0 : i32
    return %c0_i32, %c0_i32_0 : i32, i32
  }
  func.func @transform_6(%arg0: i32) -> (i32, i32) {
    %c0_i32 = arith.constant 0 : i32
    %c0_i32_0 = arith.constant 0 : i32
    %c0_i32_1 = arith.constant 0 : i32
    return %c0_i32, %c0_i32_0 : i32, i32
  }
  func.func @transform_7(%arg0: i32) -> (i32, i32) {
    %c0_i32 = arith.constant 0 : i32
    %c0_i32_0 = arith.constant 0 : i32
    %c0_i32_1 = arith.constant 0 : i32
    return %c0_i32, %c0_i32_0 : i32, i32
  }
  func.func @transform_8(%arg0: i32) -> (i32, i32) {
    %add3A = arith.constant 125 : i32
    %add3A_0 = arith.addi %arg0, %add3A : i32
    %c0_i32 = arith.constant 0 : i32
    %c0_i32_1 = arith.constant 0 : i32
    return %add3A_0, %c0_i32 : i32, i32
  }
  func.func @transform_9(%arg0: i32) -> (i32, i32) {
    %add3A = arith.constant 125 : i32
    %add3A_0 = arith.addi %arg0, %add3A : i32
    %c0_i32 = arith.constant 0 : i32
    %c0_i32_1 = arith.constant 0 : i32
    return %add3A_0, %c0_i32 : i32, i32
  }
  func.func @transform_10(%arg0: i32) -> (i32, i32) {
    %c0_i32 = arith.constant 0 : i32
    %c0_i32_0 = arith.constant 0 : i32
    %c0_i32_1 = arith.constant 0 : i32
    return %c0_i32, %c0_i32_0 : i32, i32
  }
}

module attributes {stable_mosaic.version = 14 : i64} {
  func.func @_passCA_body(%arg0: i32, %arg1: memref<200x64xf32, #tpu.memory_space<vmem>>, %arg2: memref<200x64xf32, #tpu.memory_space<vmem>>, %arg3: memref<1x64xf32, #tpu.memory_space<vmem>>, %arg4: memref<1x64xf32, #tpu.memory_space<vmem>>, %arg5: memref<64x128xf32, #tpu.memory_space<vmem>>, %arg6: memref<200x64xf32, #tpu.memory_space<vmem>>, %arg7: memref<200x128xf32, #tpu.memory_space<vmem>>) attributes {dimension_semantics = [#tpu.dimension_semantics<arbitrary>], iteration_bounds = array<i64: 250>, scalar_prefetch = 0 : i64, scratch_operands = 0 : i64, tpu.core_type = #tpu.core_type<tc>, window_params = [{transform_indices = @transform_0, window_bounds = array<i64: 200, 64>}, {transform_indices = @transform_1, window_bounds = array<i64: 200, 64>}, {pipeline_mode = #tpu.pipeline_mode<synchronous>, transform_indices = @transform_2, window_bounds = array<i64: 1, 64>}, {pipeline_mode = #tpu.pipeline_mode<synchronous>, transform_indices = @transform_3, window_bounds = array<i64: 1, 64>}, {pipeline_mode = #tpu.pipeline_mode<synchronous>, transform_indices = @transform_4, window_bounds = array<i64: 64, 128>}, {transform_indices = @transform_5, window_bounds = array<i64: 200, 64>}, {transform_indices = @transform_6, window_bounds = array<i64: 200, 128>}]} {
    %get3A = arith.constant 0 : index
    %get3A_0 = arith.constant 0 : index
    %get3A_1 = vector.load %arg1[%get3A, %get3A_0] : memref<200x64xf32, #tpu.memory_space<vmem>>, vector<200x64xf32>
    %get3A_2 = arith.constant 0 : index
    %get3A_3 = arith.constant 0 : index
    %get3A_4 = vector.load %arg2[%get3A_2, %get3A_3] : memref<200x64xf32, #tpu.memory_space<vmem>>, vector<200x64xf32>
    %get3A_5 = arith.constant 0 : index
    %get3A_6 = arith.constant 0 : index
    %get3A_7 = vector.load %arg3[%get3A_5, %get3A_6] : memref<1x64xf32, #tpu.memory_space<vmem>>, vector<1x64xf32>
    %mul3A = vector.broadcast %get3A_7 : vector<1x64xf32> to vector<200x64xf32>
    %mul3A_8 = arith.mulf %get3A_4, %mul3A : vector<200x64xf32>
    %add3A = arith.addf %get3A_1, %mul3A_8 : vector<200x64xf32>
    %get3A_9 = arith.constant 0 : index
    %get3A_10 = arith.constant 0 : index
    %get3A_11 = vector.load %arg4[%get3A_9, %get3A_10] : memref<1x64xf32, #tpu.memory_space<vmem>>, vector<1x64xf32>
    %add3A_12 = vector.broadcast %get3A_11 : vector<1x64xf32> to vector<200x64xf32>
    %add3A_13 = arith.addf %add3A, %add3A_12 : vector<200x64xf32>
    %custom_jvp_call3A = arith.constant 0.000000e+00 : f32
    %max3A = vector.broadcast %custom_jvp_call3A : f32 to vector<200x64xf32>
    %max3A_14 = arith.maximumf %add3A_13, %max3A : vector<200x64xf32>
    %sub3A = vector.broadcast %custom_jvp_call3A : f32 to vector<200x64xf32>
    %sub3A_15 = arith.subf %add3A_13, %sub3A : vector<200x64xf32>
    %ne3A = arith.cmpf one, %sub3A_15, %sub3A_15 : vector<200x64xf32>
    %add3A_16 = vector.broadcast %custom_jvp_call3A : f32 to vector<200x64xf32>
    %add3A_17 = arith.addf %add3A_13, %add3A_16 : vector<200x64xf32>
    %abs3A = math.absf %sub3A_15 : vector<200x64xf32>
    %neg3A = arith.constant 0.000000e+00 : f32
    %neg3A_18 = vector.broadcast %neg3A : f32 to vector<200x64xf32>
    %neg3A_19 = arith.subf %neg3A_18, %abs3A : vector<200x64xf32>
    %exp3A = math.exp %neg3A_19 : vector<200x64xf32>
    %log1p3A = math.log1p %exp3A : vector<200x64xf32>
    %add3A_20 = arith.addf %max3A_14, %log1p3A : vector<200x64xf32>
    %select_n3A = arith.select %ne3A, %add3A_17, %add3A_20 : vector<200x64xi1>, vector<200x64xf32>
    %swap3A = arith.constant 0 : index
    %swap3A_21 = arith.constant 0 : index
    %swap3A_22 = vector.load %arg6[%swap3A, %swap3A_21] : memref<200x64xf32, #tpu.memory_space<vmem>>, vector<200x64xf32>
    tpu.vector_store %arg6[%swap3A, %swap3A_21], %select_n3A {strides = array<i32>} : memref<200x64xf32, #tpu.memory_space<vmem>>, vector<200x64xf32>,
    %get3A_23 = arith.constant 0 : index
    %get3A_24 = arith.constant 0 : index
    %get3A_25 = vector.load %arg5[%get3A_23, %get3A_24] : memref<64x128xf32, #tpu.memory_space<vmem>>, vector<64x128xf32>
    %dot_general3A = arith.constant dense<0.000000e+00> : vector<200x128xf32>
    %dot_general3A_26 = tpu.matmul %select_n3A, %get3A_25, %dot_general3A {dimension_numbers = #tpu.dot_dimension_numbers<[1], [0], [0], [1], [0, 0, 1, 1], [], []>, transpose_lhs_hint = false} : vector<200x64xf32>, vector<64x128xf32>, vector<200x128xf32> -> vector<200x128xf32>
    %swap3A_27 = arith.constant 0 : index
    %swap3A_28 = arith.constant 0 : index
    %swap3A_29 = vector.load %arg7[%swap3A_27, %swap3A_28] : memref<200x128xf32, #tpu.memory_space<vmem>>, vector<200x128xf32>
    tpu.vector_store %arg7[%swap3A_27, %swap3A_28], %dot_general3A_26 {strides = array<i32>} : memref<200x128xf32, #tpu.memory_space<vmem>>, vector<200x128xf32>,
    return
  }
  func.func @transform_0(%arg0: i32) -> (i32, i32) {
    %c0_i32 = arith.constant 0 : i32
    %c0_i32_0 = arith.constant 0 : i32
    return %arg0, %c0_i32 : i32, i32
  }
  func.func @transform_1(%arg0: i32) -> (i32, i32) {
    %c0_i32 = arith.constant 0 : i32
    %c0_i32_0 = arith.constant 0 : i32
    return %arg0, %c0_i32 : i32, i32
  }
  func.func @transform_2(%arg0: i32) -> (i32, i32) {
    %c0_i32 = arith.constant 0 : i32
    %c0_i32_0 = arith.constant 0 : i32
    %c0_i32_1 = arith.constant 0 : i32
    return %c0_i32, %c0_i32_0 : i32, i32
  }
  func.func @transform_3(%arg0: i32) -> (i32, i32) {
    %c0_i32 = arith.constant 0 : i32
    %c0_i32_0 = arith.constant 0 : i32
    %c0_i32_1 = arith.constant 0 : i32
    return %c0_i32, %c0_i32_0 : i32, i32
  }
  func.func @transform_4(%arg0: i32) -> (i32, i32) {
    %c0_i32 = arith.constant 0 : i32
    %c0_i32_0 = arith.constant 0 : i32
    %c0_i32_1 = arith.constant 0 : i32
    return %c0_i32, %c0_i32_0 : i32, i32
  }
  func.func @transform_5(%arg0: i32) -> (i32, i32) {
    %c0_i32 = arith.constant 0 : i32
    %c0_i32_0 = arith.constant 0 : i32
    return %arg0, %c0_i32 : i32, i32
  }
  func.func @transform_6(%arg0: i32) -> (i32, i32) {
    %c0_i32 = arith.constant 0 : i32
    %c0_i32_0 = arith.constant 0 : i32
    return %arg0, %c0_i32 : i32, i32
  }
}

module attributes {stable_mosaic.version = 14 : i64} {
  func.func @_passC_body(%arg0: i32, %arg1: memref<200x64xf32, #tpu.memory_space<vmem>>, %arg2: memref<200x64xf32, #tpu.memory_space<vmem>>, %arg3: memref<1x64xf32, #tpu.memory_space<vmem>>, %arg4: memref<1x64xf32, #tpu.memory_space<vmem>>, %arg5: memref<200x64xf32, #tpu.memory_space<vmem>>) attributes {dimension_semantics = [#tpu.dimension_semantics<arbitrary>], iteration_bounds = array<i64: 250>, scalar_prefetch = 0 : i64, scratch_operands = 0 : i64, tpu.core_type = #tpu.core_type<tc>, window_params = [{transform_indices = @transform_0, window_bounds = array<i64: 200, 64>}, {transform_indices = @transform_1, window_bounds = array<i64: 200, 64>}, {pipeline_mode = #tpu.pipeline_mode<synchronous>, transform_indices = @transform_2, window_bounds = array<i64: 1, 64>}, {pipeline_mode = #tpu.pipeline_mode<synchronous>, transform_indices = @transform_3, window_bounds = array<i64: 1, 64>}, {transform_indices = @transform_4, window_bounds = array<i64: 200, 64>}]} {
    %get3A = arith.constant 0 : index
    %get3A_0 = arith.constant 0 : index
    %get3A_1 = vector.load %arg1[%get3A, %get3A_0] : memref<200x64xf32, #tpu.memory_space<vmem>>, vector<200x64xf32>
    %get3A_2 = arith.constant 0 : index
    %get3A_3 = arith.constant 0 : index
    %get3A_4 = vector.load %arg2[%get3A_2, %get3A_3] : memref<200x64xf32, #tpu.memory_space<vmem>>, vector<200x64xf32>
    %get3A_5 = arith.constant 0 : index
    %get3A_6 = arith.constant 0 : index
    %get3A_7 = vector.load %arg3[%get3A_5, %get3A_6] : memref<1x64xf32, #tpu.memory_space<vmem>>, vector<1x64xf32>
    %mul3A = vector.broadcast %get3A_7 : vector<1x64xf32> to vector<200x64xf32>
    %mul3A_8 = arith.mulf %get3A_4, %mul3A : vector<200x64xf32>
    %add3A = arith.addf %get3A_1, %mul3A_8 : vector<200x64xf32>
    %get3A_9 = arith.constant 0 : index
    %get3A_10 = arith.constant 0 : index
    %get3A_11 = vector.load %arg4[%get3A_9, %get3A_10] : memref<1x64xf32, #tpu.memory_space<vmem>>, vector<1x64xf32>
    %add3A_12 = vector.broadcast %get3A_11 : vector<1x64xf32> to vector<200x64xf32>
    %add3A_13 = arith.addf %add3A, %add3A_12 : vector<200x64xf32>
    %custom_jvp_call3A = arith.constant 0.000000e+00 : f32
    %max3A = vector.broadcast %custom_jvp_call3A : f32 to vector<200x64xf32>
    %max3A_14 = arith.maximumf %add3A_13, %max3A : vector<200x64xf32>
    %sub3A = vector.broadcast %custom_jvp_call3A : f32 to vector<200x64xf32>
    %sub3A_15 = arith.subf %add3A_13, %sub3A : vector<200x64xf32>
    %ne3A = arith.cmpf one, %sub3A_15, %sub3A_15 : vector<200x64xf32>
    %add3A_16 = vector.broadcast %custom_jvp_call3A : f32 to vector<200x64xf32>
    %add3A_17 = arith.addf %add3A_13, %add3A_16 : vector<200x64xf32>
    %abs3A = math.absf %sub3A_15 : vector<200x64xf32>
    %neg3A = arith.constant 0.000000e+00 : f32
    %neg3A_18 = vector.broadcast %neg3A : f32 to vector<200x64xf32>
    %neg3A_19 = arith.subf %neg3A_18, %abs3A : vector<200x64xf32>
    %exp3A = math.exp %neg3A_19 : vector<200x64xf32>
    %log1p3A = math.log1p %exp3A : vector<200x64xf32>
    %add3A_20 = arith.addf %max3A_14, %log1p3A : vector<200x64xf32>
    %select_n3A = arith.select %ne3A, %add3A_17, %add3A_20 : vector<200x64xi1>, vector<200x64xf32>
    %swap3A = arith.constant 0 : index
    %swap3A_21 = arith.constant 0 : index
    %swap3A_22 = vector.load %arg5[%swap3A, %swap3A_21] : memref<200x64xf32, #tpu.memory_space<vmem>>, vector<200x64xf32>
    tpu.vector_store %arg5[%swap3A, %swap3A_21], %select_n3A {strides = array<i32>} : memref<200x64xf32, #tpu.memory_space<vmem>>, vector<200x64xf32>,
    return
  }
  func.func @transform_0(%arg0: i32) -> (i32, i32) {
    %c0_i32 = arith.constant 0 : i32
    %c0_i32_0 = arith.constant 0 : i32
    return %arg0, %c0_i32 : i32, i32
  }
  func.func @transform_1(%arg0: i32) -> (i32, i32) {
    %c0_i32 = arith.constant 0 : i32
    %c0_i32_0 = arith.constant 0 : i32
    return %arg0, %c0_i32 : i32, i32
  }
  func.func @transform_2(%arg0: i32) -> (i32, i32) {
    %c0_i32 = arith.constant 0 : i32
    %c0_i32_0 = arith.constant 0 : i32
    %c0_i32_1 = arith.constant 0 : i32
    return %c0_i32, %c0_i32_0 : i32, i32
  }
  func.func @transform_3(%arg0: i32) -> (i32, i32) {
    %c0_i32 = arith.constant 0 : i32
    %c0_i32_0 = arith.constant 0 : i32
    %c0_i32_1 = arith.constant 0 : i32
    return %c0_i32, %c0_i32_0 : i32, i32
  }
  func.func @transform_4(%arg0: i32) -> (i32, i32) {
    %c0_i32 = arith.constant 0 : i32
    %c0_i32_0 = arith.constant 0 : i32
    return %arg0, %c0_i32 : i32, i32
  }
}

module attributes {stable_mosaic.version = 14 : i64} {
  func.func @_pool_body(%arg0: i32, %arg1: memref<200x64xf32, #tpu.memory_space<vmem>>, %arg2: memref<1x1x200xi32, #tpu.memory_space<vmem>>, %arg3: memref<256x64xf32, #tpu.memory_space<vmem>>, %arg4: memref<8x256xf32, #tpu.memory_space<vmem>>) attributes {dimension_semantics = [#tpu.dimension_semantics<arbitrary>], iteration_bounds = array<i64: 250>, scalar_prefetch = 0 : i64, scratch_operands = 0 : i64, tpu.core_type = #tpu.core_type<tc>, window_params = [{transform_indices = @transform_0, window_bounds = array<i64: 200, 64>}, {transform_indices = @transform_1, window_bounds = array<i64: 1, 1, 200>}, {pipeline_mode = #tpu.pipeline_mode<synchronous>, transform_indices = @transform_2, window_bounds = array<i64: 256, 64>}, {pipeline_mode = #tpu.pipeline_mode<synchronous>, transform_indices = @transform_3, window_bounds = array<i64: 8, 256>}]} {
    %get3A = arith.constant 0 : index
    %get3A_0 = arith.constant 0 : index
    %get3A_1 = arith.constant 0 : index
    %get3A_2 = vector.load %arg2[%get3A, %get3A_0, %get3A_1] : memref<1x1x200xi32, #tpu.memory_space<vmem>>, vector<1x1x200xi32>
    %get3A_3 = vector.shape_cast %get3A_2 : vector<1x1x200xi32> to vector<200xi32>
    %iota3A = tpu.iota {dimensions = array<i32: 1>} : vector<200x256xi32>
    %broadcast_in_dim3A = vector.shape_cast %get3A_3 : vector<200xi32> to vector<200x1xi32>
    %eq3A = vector.broadcast %broadcast_in_dim3A : vector<200x1xi32> to vector<200x256xi32>
    %eq3A_4 = arith.cmpi eq, %eq3A, %iota3A : vector<200x256xi32>
    %convert_element_type3A = arith.extui %eq3A_4 : vector<200x256xi1> to vector<200x256xi32>
    %convert_element_type3A_5 = arith.sitofp %convert_element_type3A : vector<200x256xi32> to vector<200x256xf32>
    %eq3A_6 = arith.constant 0 : i32
    %eq3A_7 = arith.cmpi eq, %arg0, %eq3A_6 : i32
    %convert_element_type3A_8 = arith.extui %eq3A_7 : i1 to i32
    %cond3A = arith.constant 0 : i32
    %cond3A_9 = arith.cmpi ne, %convert_element_type3A_8, %cond3A : i32
    scf.if %cond3A_9 {
      %broadcast_in_dim3A_28 = arith.constant 0.000000e+00 : f32
      %broadcast_in_dim3A_29 = vector.broadcast %broadcast_in_dim3A_28 : f32 to vector<256x64xf32>
      %swap3A_30 = arith.constant 0 : index
      %swap3A_31 = arith.constant 0 : index
      %swap3A_32 = vector.load %arg3[%swap3A_30, %swap3A_31] : memref<256x64xf32, #tpu.memory_space<vmem>>, vector<256x64xf32>
      tpu.vector_store %arg3[%swap3A_30, %swap3A_31], %broadcast_in_dim3A_29 {strides = array<i32>} : memref<256x64xf32, #tpu.memory_space<vmem>>, vector<256x64xf32>,
      %broadcast_in_dim3A_33 = arith.constant 0.000000e+00 : f32
      %broadcast_in_dim3A_34 = vector.broadcast %broadcast_in_dim3A_33 : f32 to vector<8x256xf32>
      %swap3A_35 = arith.constant 0 : index
      %swap3A_36 = arith.constant 0 : index
      %swap3A_37 = vector.load %arg4[%swap3A_35, %swap3A_36] : memref<8x256xf32, #tpu.memory_space<vmem>>, vector<8x256xf32>
      tpu.vector_store %arg4[%swap3A_35, %swap3A_36], %broadcast_in_dim3A_34 {strides = array<i32>} : memref<8x256xf32, #tpu.memory_space<vmem>>, vector<8x256xf32>,
    } else {
    }
    %get3A_10 = arith.constant 0 : index
    %get3A_11 = arith.constant 0 : index
    %get3A_12 = vector.load %arg3[%get3A_10, %get3A_11] : memref<256x64xf32, #tpu.memory_space<vmem>>, vector<256x64xf32>
    %get3A_13 = arith.constant 0 : index
    %get3A_14 = arith.constant 0 : index
    %get3A_15 = vector.load %arg1[%get3A_13, %get3A_14] : memref<200x64xf32, #tpu.memory_space<vmem>>, vector<200x64xf32>
    %dot_general3A = arith.constant dense<0.000000e+00> : vector<256x64xf32>
    %dot_general3A_16 = tpu.matmul %convert_element_type3A_5, %get3A_15, %dot_general3A {dimension_numbers = #tpu.dot_dimension_numbers<[0], [0], [1], [1], [0, 1, 1, 1], [], []>, transpose_lhs_hint = false} : vector<200x256xf32>, vector<200x64xf32>, vector<256x64xf32> -> vector<256x64xf32>
    %add3A = arith.addf %get3A_12, %dot_general3A_16 : vector<256x64xf32>
    %swap3A = arith.constant 0 : index
    %swap3A_17 = arith.constant 0 : index
    %swap3A_18 = vector.load %arg3[%swap3A, %swap3A_17] : memref<256x64xf32, #tpu.memory_space<vmem>>, vector<256x64xf32>
    tpu.vector_store %arg3[%swap3A, %swap3A_17], %add3A {strides = array<i32>} : memref<256x64xf32, #tpu.memory_space<vmem>>, vector<256x64xf32>,
    %get3A_19 = arith.constant 0 : index
    %get3A_20 = arith.constant 0 : index
    %get3A_21 = vector.load %arg4[%get3A_19, %get3A_20] : memref<8x256xf32, #tpu.memory_space<vmem>>, vector<1x256xf32>
    %reduce_sum3A = arith.constant dense<0.000000e+00> : vector<256xf32>
    %reduce_sum3A_22 = vector.multi_reduction <add>, %convert_element_type3A_5, %reduce_sum3A [0] : vector<200x256xf32> to vector<256xf32>
    %broadcast_in_dim3A_23 = vector.shape_cast %reduce_sum3A_22 : vector<256xf32> to vector<1x256xf32>
    %add3A_24 = arith.addf %get3A_21, %broadcast_in_dim3A_23 : vector<1x256xf32>
    %swap3A_25 = arith.constant 0 : index
    %swap3A_26 = arith.constant 0 : index
    %swap3A_27 = vector.load %arg4[%swap3A_25, %swap3A_26] : memref<8x256xf32, #tpu.memory_space<vmem>>, vector<1x256xf32>
    tpu.vector_store %arg4[%swap3A_25, %swap3A_26], %add3A_24 {strides = array<i32>} : memref<8x256xf32, #tpu.memory_space<vmem>>, vector<1x256xf32>,
    return
  }
  func.func @transform_0(%arg0: i32) -> (i32, i32) {
    %c0_i32 = arith.constant 0 : i32
    %c0_i32_0 = arith.constant 0 : i32
    return %arg0, %c0_i32 : i32, i32
  }
  func.func @transform_1(%arg0: i32) -> (i32, i32, i32) {
    %c0_i32 = arith.constant 0 : i32
    %c0_i32_0 = arith.constant 0 : i32
    %c0_i32_1 = arith.constant 0 : i32
    return %arg0, %c0_i32, %c0_i32_0 : i32, i32, i32
  }
  func.func @transform_2(%arg0: i32) -> (i32, i32) {
    %c0_i32 = arith.constant 0 : i32
    %c0_i32_0 = arith.constant 0 : i32
    %c0_i32_1 = arith.constant 0 : i32
    return %c0_i32, %c0_i32_0 : i32, i32
  }
  func.func @transform_3(%arg0: i32) -> (i32, i32) {
    %c0_i32 = arith.constant 0 : i32
    %c0_i32_0 = arith.constant 0 : i32
    %c0_i32_1 = arith.constant 0 : i32
    return %c0_i32, %c0_i32_0 : i32, i32
  }
}

module attributes {stable_mosaic.version = 14 : i64} {
  func.func @_head_body(%arg0: memref<256x64xf32, #tpu.memory_space<vmem>>, %arg1: memref<8x256xf32, #tpu.memory_space<vmem>>, %arg2: memref<64x128xf32, #tpu.memory_space<vmem>>, %arg3: memref<1x128xf32, #tpu.memory_space<vmem>>, %arg4: memref<128x1xf32, #tpu.memory_space<vmem>>, %arg5: memref<1x1xf32, #tpu.memory_space<vmem>>, %arg6: memref<256x1xf32, #tpu.memory_space<vmem>>) attributes {dimension_semantics = [], scalar_prefetch = 0 : i64, scratch_operands = 0 : i64, tpu.core_type = #tpu.core_type<tc>} {
    %get3A = arith.constant 0 : index
    %get3A_0 = arith.constant 0 : index
    %get3A_1 = vector.load %arg1[%get3A, %get3A_0] : memref<8x256xf32, #tpu.memory_space<vmem>>, vector<1x256xf32>
    %get3A_2 = vector.shape_cast %get3A_1 : vector<1x256xf32> to vector<256xf32>
    %max3A = arith.constant 1.000000e+00 : f32
    %max3A_3 = vector.broadcast %max3A : f32 to vector<256xf32>
    %max3A_4 = arith.maximumf %get3A_2, %max3A_3 : vector<256xf32>
    %get3A_5 = arith.constant 0 : index
    %get3A_6 = arith.constant 0 : index
    %get3A_7 = vector.load %arg0[%get3A_5, %get3A_6] : memref<256x64xf32, #tpu.memory_space<vmem>>, vector<256x64xf32>
    %broadcast_in_dim3A = vector.shape_cast %max3A_4 : vector<256xf32> to vector<256x1xf32>
    %div3A = vector.broadcast %broadcast_in_dim3A : vector<256x1xf32> to vector<256x64xf32>
    %div3A_8 = arith.divf %get3A_7, %div3A : vector<256x64xf32>
    %custom_jvp_call3A = arith.constant 0.000000e+00 : f32
    %max3A_9 = vector.broadcast %custom_jvp_call3A : f32 to vector<256x64xf32>
    %max3A_10 = arith.maximumf %div3A_8, %max3A_9 : vector<256x64xf32>
    %sub3A = vector.broadcast %custom_jvp_call3A : f32 to vector<256x64xf32>
    %sub3A_11 = arith.subf %div3A_8, %sub3A : vector<256x64xf32>
    %ne3A = arith.cmpf one, %sub3A_11, %sub3A_11 : vector<256x64xf32>
    %add3A = vector.broadcast %custom_jvp_call3A : f32 to vector<256x64xf32>
    %add3A_12 = arith.addf %div3A_8, %add3A : vector<256x64xf32>
    %abs3A = math.absf %sub3A_11 : vector<256x64xf32>
    %neg3A = arith.constant 0.000000e+00 : f32
    %neg3A_13 = vector.broadcast %neg3A : f32 to vector<256x64xf32>
    %neg3A_14 = arith.subf %neg3A_13, %abs3A : vector<256x64xf32>
    %exp3A = math.exp %neg3A_14 : vector<256x64xf32>
    %log1p3A = math.log1p %exp3A : vector<256x64xf32>
    %add3A_15 = arith.addf %max3A_10, %log1p3A : vector<256x64xf32>
    %select_n3A = arith.select %ne3A, %add3A_12, %add3A_15 : vector<256x64xi1>, vector<256x64xf32>
    %get3A_16 = arith.constant 0 : index
    %get3A_17 = arith.constant 0 : index
    %get3A_18 = vector.load %arg2[%get3A_16, %get3A_17] : memref<64x128xf32, #tpu.memory_space<vmem>>, vector<64x128xf32>
    %dot_general3A = arith.constant dense<0.000000e+00> : vector<256x128xf32>
    %dot_general3A_19 = tpu.matmul %select_n3A, %get3A_18, %dot_general3A {dimension_numbers = #tpu.dot_dimension_numbers<[1], [0], [0], [1], [0, 0, 1, 1], [], []>, transpose_lhs_hint = false} : vector<256x64xf32>, vector<64x128xf32>, vector<256x128xf32> -> vector<256x128xf32>
    %get3A_20 = arith.constant 0 : index
    %get3A_21 = arith.constant 0 : index
    %get3A_22 = vector.load %arg3[%get3A_20, %get3A_21] : memref<1x128xf32, #tpu.memory_space<vmem>>, vector<1x128xf32>
    %add3A_23 = vector.broadcast %get3A_22 : vector<1x128xf32> to vector<256x128xf32>
    %add3A_24 = arith.addf %dot_general3A_19, %add3A_23 : vector<256x128xf32>
    %custom_jvp_call3A_25 = arith.constant 0.000000e+00 : f32
    %max3A_26 = vector.broadcast %custom_jvp_call3A_25 : f32 to vector<256x128xf32>
    %max3A_27 = arith.maximumf %add3A_24, %max3A_26 : vector<256x128xf32>
    %sub3A_28 = vector.broadcast %custom_jvp_call3A_25 : f32 to vector<256x128xf32>
    %sub3A_29 = arith.subf %add3A_24, %sub3A_28 : vector<256x128xf32>
    %ne3A_30 = arith.cmpf one, %sub3A_29, %sub3A_29 : vector<256x128xf32>
    %add3A_31 = vector.broadcast %custom_jvp_call3A_25 : f32 to vector<256x128xf32>
    %add3A_32 = arith.addf %add3A_24, %add3A_31 : vector<256x128xf32>
    %abs3A_33 = math.absf %sub3A_29 : vector<256x128xf32>
    %neg3A_34 = arith.constant 0.000000e+00 : f32
    %neg3A_35 = vector.broadcast %neg3A_34 : f32 to vector<256x128xf32>
    %neg3A_36 = arith.subf %neg3A_35, %abs3A_33 : vector<256x128xf32>
    %exp3A_37 = math.exp %neg3A_36 : vector<256x128xf32>
    %log1p3A_38 = math.log1p %exp3A_37 : vector<256x128xf32>
    %add3A_39 = arith.addf %max3A_27, %log1p3A_38 : vector<256x128xf32>
    %select_n3A_40 = arith.select %ne3A_30, %add3A_32, %add3A_39 : vector<256x128xi1>, vector<256x128xf32>
    %get3A_41 = arith.constant 0 : index
    %get3A_42 = arith.constant 0 : index
    %get3A_43 = vector.load %arg4[%get3A_41, %get3A_42] : memref<128x1xf32, #tpu.memory_space<vmem>>, vector<128x1xf32>
    %dot_general3A_44 = arith.constant dense<0.000000e+00> : vector<256x1xf32>
    %dot_general3A_45 = tpu.matmul %select_n3A_40, %get3A_43, %dot_general3A_44 {dimension_numbers = #tpu.dot_dimension_numbers<[1], [0], [0], [1], [0, 0, 1, 1], [], []>, transpose_lhs_hint = false} : vector<256x128xf32>, vector<128x1xf32>, vector<256x1xf32> -> vector<256x1xf32>
    %get3A_46 = arith.constant 0 : index
    %get3A_47 = arith.constant 0 : index
    %get3A_48 = vector.load %arg5[%get3A_46, %get3A_47] : memref<1x1xf32, #tpu.memory_space<vmem>>, vector<1x1xf32>
    %add3A_49 = vector.broadcast %get3A_48 : vector<1x1xf32> to vector<256x1xf32>
    %add3A_50 = arith.addf %dot_general3A_45, %add3A_49 : vector<256x1xf32>
    %swap3A = arith.constant 0 : index
    %swap3A_51 = arith.constant 0 : index
    %swap3A_52 = vector.load %arg6[%swap3A, %swap3A_51] : memref<256x1xf32, #tpu.memory_space<vmem>>, vector<256x1xf32>
    tpu.vector_store %arg6[%swap3A, %swap3A_51], %add3A_50 {strides = array<i32>} : memref<256x1xf32, #tpu.memory_space<vmem>>, vector<256x1xf32>,
    return
  }
}

</mosaic_0001>

<sc_bundles>
// kernel: kernel.26.cloned.1.call-start
scs
__scs_entry_jumppad:
0x0: {  	(pc) =	sbr.rel $0x88, $3  }
0x1: {  	(tag) =	ssettag $0x0;
	lr =	simm.s32 $0x1  }
0x2: {  	[smem:$0x3F91] =	sst lr;
	_ =	strace $0xD0000000  }
0x3: {  	_ = 	snop  }
0x4: {  	_ = 	snop  }
0x5: {  	_ = 	snop  }
0x6: {  	_ = 	snop  }
0x7: {  	_ = 	snop  }
__scs_overlays_trampoline_lowered:
0x8: {  	[smem:$0x3FA0] =	sst s0  }
0x9: {  	[smem:$0x3FA1] =	sst s1  }
0xa: {  	[smem:$0x3FA2] =	sst s2  }
0xb: {  	[smem:$0x3FA3] =	sst s3  }
0xc: {  	[smem:$0x3FA4] =	sst s4  }
0xd: {  	[smem:$0x3FA5] =	sst s5  }
0xe: {  	[smem:$0x3FA6] =	sst s6  }
0xf: {  	[smem:$0x3FA7] =	sst s7  }
0x10: {  	[smem:$0x3FA8] =	sst s8  }
0x11: {  	[smem:$0x3FA9] =	sst s9;
	s0 =	simm.s32 @!p0 $0x0  }
0x12: {  	s1 =	sld [smem:$0x3F8F];
	s0 =	simm.s32 @p0 $0x1  }
0x13: {  	[smem:$0x3FAA] =	sst s0;
	s0 =	simm.s32 @!p1 $0x0  }
0x14: {  	s2 =	sld [smem:$0x3F8E];
	s0 =	simm.s32 @p1 $0x1  }
0x15: {  	[smem:$0x3FAB] =	sst s0;
	s0 =	simm.s32 @!p2 $0x0  }
0x16: {  	s3 =	sld [smem:$0x3FDB];
	s0 =	simm.s32 @p2 $0x1  }
0x17: {  	s4 =	simm.s32 $0x1BF5;
	[smem:$0x3FAD] =	sst s0  }
0x18: {  	s0 =	sld [smem:$0x3F90];
	_ =	swait.ge [sflag:s4], $0x0  }
0x19: {  	s7 =	sld [smem:$0x3F91]  }
0x1a: {  	s8 =	sadd.s32 $0xFFFFE003, lr  }
0x1b: {  	s9 =	sadd.s32 $0xFFFFFEF7, lr;
	s5 =	simm.s32 $0xFFFFFFFF;
	p2 =	slt.u32 s8, $0xFFFFF086  }
0x1c: {  	p1 =	slt.u32 s9, $0xF7A;
	s5 =	simm.s32 @!p2 $0x0  }
0x1d: {  	s5 =	simm.s32 @p1 $0x1;
	p0 =	seq.s32 s7, s2  }
0x1e: {  	s7 =	smul.u32 @!p0 $0xF7A, s2;
	p2 =	seq.s32 @!p0 s5, $0x0  }
0x1f: {  	s9 =	smul.u32 $0xF7A, s1;
	s8 =	simm.s32 @!p0 $0x1BF5;
	p2 =	por !p2, p0  }
0x20: {  	[sflag:s8] =	ssyncset.s32 @!p0 $0xFFFFF086;
	s6 =	sadd.s32 @!p0 s3, s7;
	s7 =	simm.s32 @!p0 $0x108  }
0x21: {  	s3 =	sadd.s32 s3, s9;
	s6 =	sadd.s32 @!p0 $0x88, s6;
	s7 =	simm.s32 @p2 $0x1082  }
0x22: {  	[simem:s7], [sflag:s8] =	dma.local @!p0 [hbm:s6], $0xF7A  }
0x23: {  	s9 =	sor.u32 $0xD0000000, s2;
	s6 =	simm.s32 $0x108;
	_ =	swait.ge @!p0 [sflag:s8], $0x0  }
0x24: {  	s3 =	sadd.s32 $0x88, s3;
	s6 =	simm.s32 @!p1 $0x1082;
	[sflag:s4] =	ssyncset.s32 $0xFFFFF086  }
0x25: {  	[simem:s6], [sflag:s4] =	dma.local [hbm:s3], $0xF7A  }
0x26: {  	[smem:$0x3F91] =	sst s1;
	(tag) =	ssettag s2;
	_ =	strace s9  }
0x27: {  	s1 =	sld [smem:$0x3FA1]  }
0x28: {  	s2 =	sld [smem:$0x3FA2]  }
0x29: {  	s4 =	sld [smem:$0x3FA4]  }
0x2a: {  	p0 =	seq.s32 s5, $0x0;
	s5 =	sld [smem:$0x3FA5]  }
0x2b: {  	s6 =	sld [smem:$0x3FA6]  }
0x2c: {  	s7 =	sld [smem:$0x3FA7]  }
0x2d: {  	s3 =	simm.s32 $0x108;
	s8 =	sld [smem:$0x3FA8]  }
0x2e: {  	s3 =	simm.s32 @!p0 $0x1082;
	s9 =	sld [smem:$0x3FA9]  }
0x2f: {  	lr =	sadd.s32 s0, s3;
	s0 =	sld [smem:$0x3FA0]  }
0x30: {  	s3 =	sld [smem:$0x3FA3]  }
0x31: {  	[smem:$0x3FAC] =	sst s10  }
0x32: {  	s10 =	sld [smem:$0x3FAA];
	_ =	sdelay $0x3  }
0x33: {  	p0 =	seq.s32 s10, $0x1;
	s10 =	sld [smem:$0x3FAC];
	_ =	sdelay $0x3  }
0x34: {  	[smem:$0x3FAC] =	sst s10  }
0x35: {  	s10 =	sld [smem:$0x3FAB];
	_ =	sdelay $0x3  }
0x36: {  	p1 =	seq.s32 s10, $0x1;
	s10 =	sld [smem:$0x3FAC];
	_ =	sdelay $0x3  }
0x37: {  	[smem:$0x3FAC] =	sst s10  }
0x38: {  	s10 =	sld [smem:$0x3FAD]  }
0x39: {  	_ = 	snop;
	(pc) =	sbr.ind lr, $3  }
0x3a: {  	_ = 	snop  }
0x3b: {  	_ = 	snop  }
0x3c: {  	p2 =	seq.s32 s10, $0x1;
	s10 =	sld [smem:$0x3FAC]  }
0x3d: {  	_ =	shalt  }
0x3e: {  	_ =	shalt  }
0x3f: {  	_ =	shalt  }
0x40: {  	_ =	shalt  }
0x41: {  	_ =	shalt  }
0x42: {  	_ =	shalt  }
0x43: {  	_ =	shalt  }
0x44: {  	_ =	shalt  }
0x45: {  	_ =	shalt  }
0x46: {  	_ =	shalt  }
0x47: {  	_ =	shalt  }
0x48: {  	_ =	shalt  }
0x49: {  	_ =	shalt  }
0x4a: {  	_ =	shalt  }
0x4b: {  	_ =	shalt  }
0x4c: {  	_ =	shalt  }
0x4d: {  	_ =	shalt  }
0x4e: {  	_ =	shalt  }
0x4f: {  	_ =	shalt  }
0x50: {  	_ =	shalt  }
0x51: {  	_ =	shalt  }
0x52: {  	_ =	shalt  }
0x53: {  	_ =	shalt  }
0x54: {  	_ =	shalt  }
0x55: {  	_ =	shalt  }
0x56: {  	_ =	shalt  }
0x57: {  	_ =	shalt  }
0x58: {  	_ =	shalt  }
0x59: {  	_ =	shalt  }
0x5a: {  	_ =	shalt  }
0x5b: {  	_ =	shalt  }
0x5c: {  	_ =	shalt  }
0x5d: {  	_ =	shalt  }
0x5e: {  	_ =	shalt  }
0x5f: {  	_ =	shalt  }
0x60: {  	_ =	shalt  }
0x61: {  	_ =	shalt  }
0x62: {  	_ =	shalt  }
0x63: {  	_ =	shalt  }
0x64: {  	_ =	shalt  }
0x65: {  	_ =	shalt  }
0x66: {  	_ =	shalt  }
0x67: {  	_ =	shalt  }
0x68: {  	_ =	shalt  }
0x69: {  	_ =	shalt  }
0x6a: {  	_ =	shalt  }
0x6b: {  	_ =	shalt  }
0x6c: {  	_ =	shalt  }
0x6d: {  	_ =	shalt  }
0x6e: {  	_ =	shalt  }
0x6f: {  	_ =	shalt  }
0x70: {  	_ =	shalt  }
0x71: {  	_ =	shalt  }
0x72: {  	_ =	shalt  }
0x73: {  	_ =	shalt  }
0x74: {  	_ =	shalt  }
0x75: {  	_ =	shalt  }
0x76: {  	_ =	shalt  }
0x77: {  	_ =	shalt  }
0x78: {  	_ =	shalt  }
0x79: {  	_ =	shalt  }
0x7a: {  	_ =	shalt  }
0x7b: {  	_ =	shalt  }
0x7c: {  	_ =	shalt  }
0x7d: {  	_ =	shalt  }
0x7e: {  	_ =	shalt  }
0x7f: {  	_ =	shalt  }
0x80: {  	_ =	shalt  }
0x81: {  	_ =	shalt  }
0x82: {  	_ =	shalt  }
0x83: {  	_ =	shalt  }
0x84: {  	_ =	shalt  }
0x85: {  	_ =	shalt  }
0x86: {  	_ =	shalt  }
0x87: {  	_ =	shalt  }
.Lfunc_end0:
.L_simem_size_0:
called_computation_lowered:
.L_overlay_start_0:
0x88: {  	s2 =	sld [smem:$0x3FD9]  }
0x89: {  	s3 =	sld [smem:$0x3FFE];
	_ =	sdelay $0x1  }
0x8a: {  	s1 =	srdreg.scid  }
0x8b: {  	s0 =	sand.u32 $0x1, s1  }
0x8c: {  	s16 =	sshll.u32 s0, $0xA;
	s2 =	sadd.s32 s3, s2  }
0x8d: {  	s2 =	sadd.s32 s2, s16  }
0x8e: {  	[smem:$0x3FB8] =	sst s2  }
0x8f: {  	_ = 	snop  }
0x90: {  	(tm) =	ssettm $0x1  }
0x91: {  	s17 =	sld [smem:$0x3FFB];
	_ =	sdelay $0x3  }
0x92: {  	_ =	strace s17  }
0x93: {  	s2 =	sld [smem:$0x3FFC];
	_ =	sdelay $0x3  }
0x94: {  	_ =	strace s2  }
0x95: {  	s2 =	sld [smem:$0x3FFD];
	_ =	sdelay $0x3  }
0x96: {  	_ =	strace s2  }
0x97: {  	_ =	strace $0x8FFFFFFF  }
0x98: {  	s18 =	sld [smem:$0x3FDB];
	_ =	sdelay $0x1  }
0x99: {  	s19 =	simm.s32 $_scs_section_size  }
0x9a: {  	s4 =	simm.s32 $_size__tile_overlayer_lowered;
	s5 =	simm.s32 $_tile_overlayer_lowered  }
0x9b: {  	s22 =	simm.s32 $0x1BFF;
	s21 =	sshll.u32 s5, $0x1;
	s2 =	sadd.s32 s19, s18  }
0x9c: {  	s6 =	simm.s32 $0x0;
	s20 =	sshll.u32 s4, $0x1;
	s4 =	sadd.s32 s21, s2  }
0x9d: {  	[timem:s6], [sflag:s22] =	dma.local [hbm:s4], s20  }
0x9e: {  	_ =	swait.ge [sflag:s22], s20  }
0x9f: {  	s3 =	ssub.s32 $0x0, s20;
	[sflag:s22] =	ssyncset.done $0x0  }
0xa0: {  	[sflag:s22] =	ssyncadd.s32 s3;
	_ =	sdelay $0x1  }
0xa1: {  	s23 =	simm.s32 $0x1B8B  }
0xa2: {  	_ =	swait.ge [sflag:s23], $0x1  }
0xa3: {  	[sflag:s23] =	ssyncset.done $0x0  }
0xa4: {  	s25 =	simm.s32 $0x1B8E;
	s24 =	sld [smem:$0x3FFE];
	[sflag:s23] =	ssyncadd.s32 $0xFFFFFFFF  }
0xa5: {  	s26 =	simm.s32 $execute0_lowered;
	[smem:$0x3FD2] =	sst s25  }
0xa6: {  	s4 =	sshll.u32 s26, $0x1;
	_ =	strace $0x80000046;
	[dreg:$0x1] =	wrdreg $0xFFFFFFFF  }
0xa7: {  	s28 =	simm.s32 $_size_execute0_lowered;
	s2 =	sadd.s32 s2, s4;
	[dreg:$0x0] =	wrdreg $0x0  }
0xa8: {  	s4 =	sshll.u32 s28, $0x1;
	[dreg:$0x2] =	wrdreg s2  }
0xa9: {  	[dreg:$0x3] =	wrdreg s4  }
0xaa: {  	[dreg:$0x4] =	wrdreg $0xC0  }
0xab: {  	_ =	task [dreg:s6], $0x5FFFF  }
0xac: {  	[dreg:$0x1] =	wrdreg $0xFFFFFFFF  }
0xad: {  	[dreg:$0x0] =	wrdreg $0x60  }
0xae: {  	[dreg:$0x2] =	wrdreg s24  }
0xaf: {  	[dreg:$0x3] =	wrdreg $0x9  }
0xb0: {  	_ =	task.clear_ibuf [dreg:s6], $0x4FFFF;
	_ =	strace $0x90000046  }
0xb1: {  	s29 =	simm.s32 $0x9;
	_ =	strace $0x80000048  }
0xb2: {  	_ =	swait.ge [sflag:s29], $0x1  }
0xb3: {  	[sflag:s29] =	ssyncadd.s32 $0xFFFFFFFF  }
0xb4: {  	_ =	strace $0x90000048  }
0xb5: {  	_ =	sfence  }
0xb6: {  	s30 =	sld [smem:$0x0];
	_ =	sdelay $0x2  }
0xb7: {  	s31 =	sshll.u32 s1, $0xD;
	s1 =	sshrl.u32 s1, $0x2  }
0xb8: {  	s3 =	sand.u32 $0x4000, s31;
	s1 =	sadd.s32 s1, s30  }
0xb9: {  	s0 =	sor.u32 s3, s0;
	s1 =	sshll.u32 s1, $0x11  }
0xba: {  	s0 =	sor.u32 s1, s0  }
0xbb: {  	s0 =	sadd.s32 $0x8F2B, s0  }
0xbc: {  	[sflag:s0] =	ssyncadd.remote.s32 $0x1  }
0xbd: {  	_ =	sfence.sel $0xFFFF  }
0xbe: {  	[dreg:$0x0] =	wrdreg $0xFFFFFFFF;
	(pc) =	sbr.abs _section_cstart, $3  }
0xbf: {  	[dreg:$0x1] =	wrdreg $0xFFFFFFFF  }
0xc0: {  	_ =	task.clear_ibuf [dreg:s6], $0x2FFFF;
	_ =	strace $0x9FFFFFFF  }
0xc1: {  	(tm) =	ssettm $0x7FFFFFFF  }
tec
execute0_lowered:
.L_overlay_start_1:
0x0: {  	(tag) =	ssettag $0x1  }
0x1: {  	s5 =	rddreg [dreg:$0x0]  }
0x2: {  	s0 =	rddreg [dreg:$0x1];
	s3 =	srdreg.scid  }
0x3: {  	s1 =	stileid.u32;
	s2 =	simm.s32 $0x0;
	s16 =	simm.s32 $0x380  }
0x4: {  	s17 =	simm.s32 $0xE380;
	s18 =	simm.s32 $0x1;
	s19 =	simm.s32 $0x2  }
0x5: {  	s20 =	simm.s32 $0x0;
	s9 =	sand.u32 $0x1, s3;
	s25 =	smul.u32 $0x62000, s1  }
0x6: {  	s22 =	sshll.u32 s1, $0x1;
	[smem:$0x7FF] =	sst s2;
	s14 =	smul.u32 $0x6200, s1  }
0x7: {  	s3 =	sadd.s32 $0xD7E00, s5;
	s4 =	sadd.s32 $0xCBA00, s5;
	s28 =	smul.u32 $0x3100, s9  }
0x8: {  	s6 =	sor.u32 s9, s22;
	s23 =	ssub.s32 $0x2, s9;
	s15 =	smul.u32 $0x31000, s9  }
0x9: {  	s12 =	sadd.s32 $0x25EA00, s5;
	s7 =	smul.u32 $0x3100, s6;
	s8 =	sshrl.u32 s23, $0x1  }
0xa: {  	_ =	strace $0x80000047;
	s11 =	smul.u32 $0x31000, s6;
	s24 =	ssub.s32 s23, s8  }
0xb: {  	s10 =	sshrl.u32 s7, $0x3;
	s6 =	smax.u32 s24, $0x1;
	s13 =	sadd.s32 $0x2F40, s7  }
0xc: {  	s26 =	sadd.s32 s12, s11;
	s11 =	sadd.s32 s28, s14;
	s14 =	simm.s32 $0x3  }
0xd: {  	s5 =	sadd.s32 s4, s10;
	s7 =	sshrl.u32 s13, $0x3;
	s8 =	sadd.s32 $0x2D800, s26  }
0xe: {  	s29 =	sshll.u32 s13, $0x4;
	s10 =	sadd.s32 s25, s12;
	s30 =	sadd.s32 $0x1C0, s11  }
0xf: {  	s11 =	sadd.s32 $0x380, s11;
	s7 =	sadd.s32 s4, s7;
	s9 =	sadd.s32 s12, s29  }
0x10: {  	s10 =	sadd.s32 s15, s10;
	s31 =	sshll.u32 s30, $0x4;
	s13 =	sshrl.u32 s30, $0x3  }
0x11: {  	s15 =	simm.s32 $0x1C0;
	s12 =	sadd.s32 s31, s12;
	s13 =	sadd.s32 s13, s4  }
.LBB2_1:
0x12: {  	[tilespmem:s2], [sflag:$0x3] =	stream.linear.gather [hbm4b:s5+s2], $0x1C0, $0x38;
	[tilespmem:$0x1C380] =	vst v63  }
0x13: {  	_ =	swait.ge [sflag:s14], $0x1C0  }
0x14: {  	[sflag:s14] =	ssyncset.done $0x0  }
0x15: {  	[sflag:s14] =	ssyncadd.s32 $0xFFFFFE40  }
0x16: {  	[tilespmem:s16], [sflag:$0x1] =	stream.indirect.gather [hbm4b:s3+s15], $0x80, s2, s15, $0xb8;
	[tilespmem:$0x1C380] =	vst v63  }
0x17: {  	_ = 	snop  }
0x18: {  	[tilespmem:s15], [sflag:$0x3] =	stream.linear.gather [hbm4b:s13+s2], $0x1C0, $0x38;
	[tilespmem:$0x1C380] =	vst v63  }
0x19: {  	_ =	swait.ge [sflag:s14], $0x1C0  }
0x1a: {  	[sflag:s14] =	ssyncset.done $0x0  }
0x1b: {  	[sflag:s14] =	ssyncadd.s32 $0xFFFFFE40  }
0x1c: {  	[tilespmem:s17], [sflag:$0x2] =	stream.indirect.gather [hbm4b:s3+s15], $0x80, s15, s15, $0xb8;
	[tilespmem:$0x1C380] =	vst v63  }
0x1d: {  	_ =	swait.ge [sflag:s18], $0xE000  }
0x1e: {  	[sflag:s18] =	ssyncset.done $0x0  }
0x1f: {  	s21 =	sadd.s32 $0x0, s10;
	[sflag:s18] =	ssyncadd.s32 $0xFFFF2000  }
0x20: {  	[hbm4b:s21+s2] =	stream.linear.scatter [tilespmem:s16], [sflag:$0x3], $0xE000, $0x38;
	[tilespmem:$0x1C380] =	vst v63  }
0x21: {  	_ =	swait.ge [sflag:s14], $0xE000  }
0x22: {  	s30 =	sshrl.u32 s11, $0x3;
	[sflag:s14] =	ssyncset.done $0x0  }
0x23: {  	s21 =	sadd.s32 s4, s30;
	[sflag:s14] =	ssyncadd.s32 $0xFFFF2000  }
0x24: {  	[tilespmem:s2], [sflag:$0x3] =	stream.linear.gather [hbm4b:s21+s2], $0x1C0, $0x38;
	[tilespmem:$0x1C380] =	vst v63  }
0x25: {  	_ =	swait.ge [sflag:s14], $0x1C0  }
0x26: {  	[sflag:s14] =	ssyncset.done $0x0  }
0x27: {  	[sflag:s14] =	ssyncadd.s32 $0xFFFFFE40  }
0x28: {  	[tilespmem:s16], [sflag:$0x1] =	stream.indirect.gather [hbm4b:s3+s15], $0x80, s2, s15, $0xb8;
	[tilespmem:$0x1C380] =	vst v63  }
0x29: {  	_ =	swait.ge [sflag:s19], $0xE000  }
0x2a: {  	[sflag:s19] =	ssyncset.done $0x0  }
0x2b: {  	s31 =	sadd.s32 $0x0, s12;
	[sflag:s19] =	ssyncadd.s32 $0xFFFF2000  }
0x2c: {  	[hbm4b:s31+s2] =	stream.linear.scatter [tilespmem:s17], [sflag:$0x3], $0xE000, $0x38;
	[tilespmem:$0x1C380] =	vst v63  }
0x2d: {  	s22 =	smov.u32 s11;
	_ =	swait.ge [sflag:s14], $0xE000  }
0x2e: {  	s23 =	smov.u32 s13;
	s21 =	simm.s32 $0x3800;
	[sflag:s14] =	ssyncset.done $0x0  }
.LBB2_2:
0x2f: {  	[sflag:s14] =	ssyncadd.s32 $0xFFFF2000  }
0x30: {  	s22 =	sadd.s32 $0x380, s22;
	s23 =	sadd.s32 $0x70, s23;
	s24 =	smov.u32 s21  }
0x31: {  	[tilespmem:s15], [sflag:$0x3] =	stream.linear.gather [hbm4b:s23+s2], $0x1C0, $0x38;
	[tilespmem:$0x1C380] =	vst v63  }
0x32: {  	p0 =	sne.s32 s21, $0x2A000;
	s21 =	sadd.s32 $0x3800, s21;
	_ =	swait.ge [sflag:s14], $0x1C0  }
0x33: {  	[sflag:s14] =	ssyncset.done $0x0  }
0x34: {  	[sflag:s14] =	ssyncadd.s32 $0xFFFFFE40  }
0x35: {  	[tilespmem:s17], [sflag:$0x2] =	stream.indirect.gather [hbm4b:s3+s15], $0x80, s15, s15, $0xb8;
	[tilespmem:$0x1C380] =	vst v63  }
0x36: {  	_ =	swait.ge [sflag:s18], $0xE000  }
0x37: {  	[sflag:s18] =	ssyncset.done $0x0  }
0x38: {  	s25 =	sadd.s32 s24, s10;
	[sflag:s18] =	ssyncadd.s32 $0xFFFF2000  }
0x39: {  	[hbm4b:s25+s2] =	stream.linear.scatter [tilespmem:s16], [sflag:$0x3], $0xE000, $0x38;
	[tilespmem:$0x1C380] =	vst v63  }
0x3a: {  	_ =	swait.ge [sflag:s14], $0xE000  }
0x3b: {  	s25 =	sshrl.u32 s22, $0x3;
	[sflag:s14] =	ssyncset.done $0x0  }
0x3c: {  	s25 =	sadd.s32 s4, s25;
	[sflag:s14] =	ssyncadd.s32 $0xFFFF2000  }
0x3d: {  	[tilespmem:s2], [sflag:$0x3] =	stream.linear.gather [hbm4b:s25+s2], $0x1C0, $0x38;
	[tilespmem:$0x1C380] =	vst v63  }
0x3e: {  	_ =	swait.ge [sflag:s14], $0x1C0  }
0x3f: {  	[sflag:s14] =	ssyncset.done $0x0  }
0x40: {  	[sflag:s14] =	ssyncadd.s32 $0xFFFFFE40  }
0x41: {  	[tilespmem:s16], [sflag:$0x1] =	stream.indirect.gather [hbm4b:s3+s15], $0x80, s2, s15, $0xb8;
	[tilespmem:$0x1C380] =	vst v63  }
0x42: {  	_ =	swait.ge [sflag:s19], $0xE000  }
.Ltmp0:
0x43: {  	[sflag:s19] =	ssyncset.done $0x0;
	(pc) =	sbr.rel @p0 .LBB2_2-.Ltmp0, $4  }
0x44: {  	s24 =	sadd.s32 s24, s12;
	[sflag:s19] =	ssyncadd.s32 $0xFFFF2000  }
0x45: {  	[hbm4b:s24+s2] =	stream.linear.scatter [tilespmem:s17], [sflag:$0x3], $0xE000, $0x38;
	[tilespmem:$0x1C380] =	vst v63  }
0x46: {  	_ =	swait.ge [sflag:s14], $0xE000  }
0x47: {  	[sflag:s14] =	ssyncset.done $0x0  }
0x48: {  	[sflag:s14] =	ssyncadd.s32 $0xFFFF2000  }
0x49: {  	[tilespmem:s15], [sflag:$0x3] =	stream.linear.gather [hbm4b:s7+s2], $0x1C0, $0x38;
	[tilespmem:$0x1C380] =	vst v63  }
0x4a: {  	_ =	swait.ge [sflag:s14], $0x1C0  }
0x4b: {  	[sflag:s14] =	ssyncset.done $0x0  }
0x4c: {  	[sflag:s14] =	ssyncadd.s32 $0xFFFFFE40  }
0x4d: {  	[tilespmem:s17], [sflag:$0x2] =	stream.indirect.gather [hbm4b:s3+s15], $0x80, s15, s15, $0xb8;
	[tilespmem:$0x1C380] =	vst v63  }
0x4e: {  	_ =	swait.ge [sflag:s18], $0xE000  }
0x4f: {  	[sflag:s18] =	ssyncset.done $0x0  }
0x50: {  	[sflag:s18] =	ssyncadd.s32 $0xFFFF2000  }
0x51: {  	[hbm4b:s8+s2] =	stream.linear.scatter [tilespmem:s16], [sflag:$0x3], $0xE000, $0x38;
	[tilespmem:$0x1C380] =	vst v63  }
0x52: {  	_ =	swait.ge [sflag:s14], $0xE000  }
0x53: {  	[sflag:s14] =	ssyncset.done $0x0  }
0x54: {  	[sflag:s14] =	ssyncadd.s32 $0xFFFF2000  }
0x55: {  	s20 =	sadd.s32 $0x1, s20;
	_ =	swait.ge [sflag:s19], $0xE000  }
0x56: {  	p0 =	sne.s32 s20, s6;
	[sflag:s19] =	ssyncset.done $0x0  }
.Ltmp1:
0x57: {  	[sflag:s19] =	ssyncadd.s32 $0xFFFF2000;
	(pc) =	sbr.rel @p0 .LBB2_1-.Ltmp1, $4  }
0x58: {  	[hbm4b:s9+s2] =	stream.linear.scatter [tilespmem:s17], [sflag:$0x3], $0xE000, $0x38;
	[tilespmem:$0x1C380] =	vst v63  }
0x59: {  	_ =	swait.ge [sflag:s14], $0xE000  }
0x5a: {  	[sflag:s14] =	ssyncset.done $0x0  }
0x5b: {  	[sflag:s14] =	ssyncadd.s32 $0xFFFF2000  }
0x5c: {  	_ =	sfence.sel $0x180000  }
0x5d: {  	[bflag:$0x0] =	sbarrier.arrive $0xFFFF  }
0x5e: {  	p0 =	sne.s32 s1, $0x0;
	_ =	strace $0x90000047  }
0x5f: {  	s0 =	sadd.s32 @!p0 $0x100000, s0;
	[bflag:$0x2] =	sbarrier.arrive $0xFFFF  }
0x60: {  	[sflag:s0] =	ssyncadd.tile.s32 @!p0 $0x1;
	_ =	shalt  }
.Lfunc_end2:
_tile_overlayer_lowered:
.L_overlay_start_2:
0x61: {  	(tag) =	ssettag $0x2  }
0x62: {  	s0 =	rddreg [dreg:$0x0];
	s2 =	stileid.u32  }
0x63: {  	s1 =	rddreg [dreg:$0x1];
	p0 =	sne.s32 s2, $0x0  }
0x64: {  	s3 =	rddreg [dreg:$0x2];
	[bflag:$0x3] =	sbarrier.arrive $0xFFFF;
	s2 =	simm.s32 @!p0 $0x1C03  }
0x65: {  	[timem:s3], [sflag:s2] =	dma.local @!p0 [hbm:s0], s1  }
0x66: {  	s0 =	simm.s32 @!p0 $0x3  }
0x67: {  	_ =	swait.ge @!p0 [sflag:s0], s1  }
0x68: {  	s1 =	ssub.s32 @!p0 $0x0, s1;
	[sflag:s0] =	ssyncset.done @!p0 $0x0  }
0x69: {  	[sflag:s0] =	ssyncadd.s32 @!p0 s1  }
0x6a: {  	[bflag:$0x3] =	sbarrier.arrive $0xFFFF  }
0x6b: {  	_ =	shalt  }

// kernel: kernel.29.cloned.1.call-start
scs
__scs_entry_jumppad:
0x0: {  	(pc) =	sbr.rel $0x88, $3  }
0x1: {  	(tag) =	ssettag $0x0;
	lr =	simm.s32 $0x1  }
0x2: {  	[smem:$0x3F91] =	sst lr;
	_ =	strace $0xD0000000  }
0x3: {  	_ = 	snop  }
0x4: {  	_ = 	snop  }
0x5: {  	_ = 	snop  }
0x6: {  	_ = 	snop  }
0x7: {  	_ = 	snop  }
__scs_overlays_trampoline_lowered:
0x8: {  	[smem:$0x3FA0] =	sst s0  }
0x9: {  	[smem:$0x3FA1] =	sst s1  }
0xa: {  	[smem:$0x3FA2] =	sst s2  }
0xb: {  	[smem:$0x3FA3] =	sst s3  }
0xc: {  	[smem:$0x3FA4] =	sst s4  }
0xd: {  	[smem:$0x3FA5] =	sst s5  }
0xe: {  	[smem:$0x3FA6] =	sst s6  }
0xf: {  	[smem:$0x3FA7] =	sst s7  }
0x10: {  	[smem:$0x3FA8] =	sst s8  }
0x11: {  	[smem:$0x3FA9] =	sst s9;
	s0 =	simm.s32 @!p0 $0x0  }
0x12: {  	s1 =	sld [smem:$0x3F8F];
	s0 =	simm.s32 @p0 $0x1  }
0x13: {  	[smem:$0x3FAA] =	sst s0;
	s0 =	simm.s32 @!p1 $0x0  }
0x14: {  	s2 =	sld [smem:$0x3F8E];
	s0 =	simm.s32 @p1 $0x1  }
0x15: {  	[smem:$0x3FAB] =	sst s0;
	s0 =	simm.s32 @!p2 $0x0  }
0x16: {  	s3 =	sld [smem:$0x3FDB];
	s0 =	simm.s32 @p2 $0x1  }
0x17: {  	s4 =	simm.s32 $0x1BF5;
	[smem:$0x3FAD] =	sst s0  }
0x18: {  	s0 =	sld [smem:$0x3F90];
	_ =	swait.ge [sflag:s4], $0x0  }
0x19: {  	s7 =	sld [smem:$0x3F91]  }
0x1a: {  	s8 =	sadd.s32 $0xFFFFE003, lr  }
0x1b: {  	s9 =	sadd.s32 $0xFFFFFEF7, lr;
	s5 =	simm.s32 $0xFFFFFFFF;
	p2 =	slt.u32 s8, $0xFFFFF086  }
0x1c: {  	p1 =	slt.u32 s9, $0xF7A;
	s5 =	simm.s32 @!p2 $0x0  }
0x1d: {  	s5 =	simm.s32 @p1 $0x1;
	p0 =	seq.s32 s7, s2  }
0x1e: {  	s7 =	smul.u32 @!p0 $0xF7A, s2;
	p2 =	seq.s32 @!p0 s5, $0x0  }
0x1f: {  	s9 =	smul.u32 $0xF7A, s1;
	s8 =	simm.s32 @!p0 $0x1BF5;
	p2 =	por !p2, p0  }
0x20: {  	[sflag:s8] =	ssyncset.s32 @!p0 $0xFFFFF086;
	s6 =	sadd.s32 @!p0 s3, s7;
	s7 =	simm.s32 @!p0 $0x108  }
0x21: {  	s3 =	sadd.s32 s3, s9;
	s6 =	sadd.s32 @!p0 $0x88, s6;
	s7 =	simm.s32 @p2 $0x1082  }
0x22: {  	[simem:s7], [sflag:s8] =	dma.local @!p0 [hbm:s6], $0xF7A  }
0x23: {  	s9 =	sor.u32 $0xD0000000, s2;
	s6 =	simm.s32 $0x108;
	_ =	swait.ge @!p0 [sflag:s8], $0x0  }
0x24: {  	s3 =	sadd.s32 $0x88, s3;
	s6 =	simm.s32 @!p1 $0x1082;
	[sflag:s4] =	ssyncset.s32 $0xFFFFF086  }
0x25: {  	[simem:s6], [sflag:s4] =	dma.local [hbm:s3], $0xF7A  }
0x26: {  	[smem:$0x3F91] =	sst s1;
	(tag) =	ssettag s2;
	_ =	strace s9  }
0x27: {  	s1 =	sld [smem:$0x3FA1]  }
0x28: {  	s2 =	sld [smem:$0x3FA2]  }
0x29: {  	s4 =	sld [smem:$0x3FA4]  }
0x2a: {  	p0 =	seq.s32 s5, $0x0;
	s5 =	sld [smem:$0x3FA5]  }
0x2b: {  	s6 =	sld [smem:$0x3FA6]  }
0x2c: {  	s7 =	sld [smem:$0x3FA7]  }
0x2d: {  	s3 =	simm.s32 $0x108;
	s8 =	sld [smem:$0x3FA8]  }
0x2e: {  	s3 =	simm.s32 @!p0 $0x1082;
	s9 =	sld [smem:$0x3FA9]  }
0x2f: {  	lr =	sadd.s32 s0, s3;
	s0 =	sld [smem:$0x3FA0]  }
0x30: {  	s3 =	sld [smem:$0x3FA3]  }
0x31: {  	[smem:$0x3FAC] =	sst s10  }
0x32: {  	s10 =	sld [smem:$0x3FAA];
	_ =	sdelay $0x3  }
0x33: {  	p0 =	seq.s32 s10, $0x1;
	s10 =	sld [smem:$0x3FAC];
	_ =	sdelay $0x3  }
0x34: {  	[smem:$0x3FAC] =	sst s10  }
0x35: {  	s10 =	sld [smem:$0x3FAB];
	_ =	sdelay $0x3  }
0x36: {  	p1 =	seq.s32 s10, $0x1;
	s10 =	sld [smem:$0x3FAC];
	_ =	sdelay $0x3  }
0x37: {  	[smem:$0x3FAC] =	sst s10  }
0x38: {  	s10 =	sld [smem:$0x3FAD]  }
0x39: {  	_ = 	snop;
	(pc) =	sbr.ind lr, $3  }
0x3a: {  	_ = 	snop  }
0x3b: {  	_ = 	snop  }
0x3c: {  	p2 =	seq.s32 s10, $0x1;
	s10 =	sld [smem:$0x3FAC]  }
0x3d: {  	_ =	shalt  }
0x3e: {  	_ =	shalt  }
0x3f: {  	_ =	shalt  }
0x40: {  	_ =	shalt  }
0x41: {  	_ =	shalt  }
0x42: {  	_ =	shalt  }
0x43: {  	_ =	shalt  }
0x44: {  	_ =	shalt  }
0x45: {  	_ =	shalt  }
0x46: {  	_ =	shalt  }
0x47: {  	_ =	shalt  }
0x48: {  	_ =	shalt  }
0x49: {  	_ =	shalt  }
0x4a: {  	_ =	shalt  }
0x4b: {  	_ =	shalt  }
0x4c: {  	_ =	shalt  }
0x4d: {  	_ =	shalt  }
0x4e: {  	_ =	shalt  }
0x4f: {  	_ =	shalt  }
0x50: {  	_ =	shalt  }
0x51: {  	_ =	shalt  }
0x52: {  	_ =	shalt  }
0x53: {  	_ =	shalt  }
0x54: {  	_ =	shalt  }
0x55: {  	_ =	shalt  }
0x56: {  	_ =	shalt  }
0x57: {  	_ =	shalt  }
0x58: {  	_ =	shalt  }
0x59: {  	_ =	shalt  }
0x5a: {  	_ =	shalt  }
0x5b: {  	_ =	shalt  }
0x5c: {  	_ =	shalt  }
0x5d: {  	_ =	shalt  }
0x5e: {  	_ =	shalt  }
0x5f: {  	_ =	shalt  }
0x60: {  	_ =	shalt  }
0x61: {  	_ =	shalt  }
0x62: {  	_ =	shalt  }
0x63: {  	_ =	shalt  }
0x64: {  	_ =	shalt  }
0x65: {  	_ =	shalt  }
0x66: {  	_ =	shalt  }
0x67: {  	_ =	shalt  }
0x68: {  	_ =	shalt  }
0x69: {  	_ =	shalt  }
0x6a: {  	_ =	shalt  }
0x6b: {  	_ =	shalt  }
0x6c: {  	_ =	shalt  }
0x6d: {  	_ =	shalt  }
0x6e: {  	_ =	shalt  }
0x6f: {  	_ =	shalt  }
0x70: {  	_ =	shalt  }
0x71: {  	_ =	shalt  }
0x72: {  	_ =	shalt  }
0x73: {  	_ =	shalt  }
0x74: {  	_ =	shalt  }
0x75: {  	_ =	shalt  }
0x76: {  	_ =	shalt  }
0x77: {  	_ =	shalt  }
0x78: {  	_ =	shalt  }
0x79: {  	_ =	shalt  }
0x7a: {  	_ =	shalt  }
0x7b: {  	_ =	shalt  }
0x7c: {  	_ =	shalt  }
0x7d: {  	_ =	shalt  }
0x7e: {  	_ =	shalt  }
0x7f: {  	_ =	shalt  }
0x80: {  	_ =	shalt  }
0x81: {  	_ =	shalt  }
0x82: {  	_ =	shalt  }
0x83: {  	_ =	shalt  }
0x84: {  	_ =	shalt  }
0x85: {  	_ =	shalt  }
0x86: {  	_ =	shalt  }
0x87: {  	_ =	shalt  }
.Lfunc_end0:
.L_simem_size_0:
called_computation.1_lowered:
.L_overlay_start_0:
0x88: {  	s2 =	sld [smem:$0x3FD9]  }
0x89: {  	s3 =	sld [smem:$0x3FFE];
	_ =	sdelay $0x1  }
0x8a: {  	s1 =	srdreg.scid  }
0x8b: {  	s0 =	sand.u32 $0x1, s1  }
0x8c: {  	s17 =	sshll.u32 s0, $0xA;
	s2 =	sadd.s32 s3, s2  }
0x8d: {  	s2 =	sadd.s32 s2, s17  }
0x8e: {  	[smem:$0x3FB8] =	sst s2  }
0x8f: {  	_ = 	snop  }
0x90: {  	(tm) =	ssettm $0x1  }
0x91: {  	s18 =	sld [smem:$0x3FFB];
	_ =	sdelay $0x3  }
0x92: {  	_ =	strace s18  }
0x93: {  	s2 =	sld [smem:$0x3FFC];
	_ =	sdelay $0x3  }
0x94: {  	_ =	strace s2  }
0x95: {  	s2 =	sld [smem:$0x3FFD];
	_ =	sdelay $0x3  }
0x96: {  	_ =	strace s2  }
0x97: {  	_ =	strace $0x8FFFFFFF  }
0x98: {  	s19 =	sld [smem:$0x3FDB];
	_ =	sdelay $0x1  }
0x99: {  	s20 =	simm.s32 $_scs_section_size  }
0x9a: {  	s4 =	simm.s32 $_size__tile_overlayer_lowered;
	s5 =	simm.s32 $_tile_overlayer_lowered  }
0x9b: {  	s6 =	simm.s32 $0x1BFF;
	s21 =	sshll.u32 s5, $0x1;
	s3 =	sadd.s32 s20, s19  }
0x9c: {  	s22 =	simm.s32 $0x0;
	s4 =	sshll.u32 s4, $0x1;
	s5 =	sadd.s32 s21, s3  }
0x9d: {  	[timem:s22], [sflag:s6] =	dma.local [hbm:s5], s4  }
0x9e: {  	_ =	swait.ge [sflag:s6], s4  }
0x9f: {  	s4 =	ssub.s32 $0x0, s4;
	[sflag:s6] =	ssyncset.done $0x0  }
0xa0: {  	[sflag:s6] =	ssyncadd.s32 s4;
	_ =	sdelay $0x1  }
0xa1: {  	s23 =	simm.s32 $0x1B8B  }
0xa2: {  	_ =	swait.ge [sflag:s23], $0x1  }
0xa3: {  	[sflag:s23] =	ssyncset.done $0x0  }
0xa4: {  	[sflag:s23] =	ssyncadd.s32 $0xFFFFFFFF  }
0xa5: {  	s4 =	sld [smem:$0x0]  }
0xa6: {  	s5 =	sand.u32 $0xFFFFFFFE, s1  }
0xa7: {  	p0 =	sne.s32 s1, s5  }
0xa8: {  	s5 =	sshll.u32 @p0 s5, $0xE  }
0xa9: {  	s5 =	sadd.s32 @p0 $0x11B8D, s5;
	s6 =	sshll.u32 @p0 s4, $0x11  }
0xaa: {  	s5 =	sor.u32 @p0 s6, s5  }
0xab: {  	[sflag:s5] =	ssyncadd.remote.s32 @p0 $0x1;
	_ =	sdelay $0x1  }
0xac: {  	s5 =	simm.s32 @p0 $0x1B8D  }
0xad: {  	_ =	swait.eq @p0 [sflag:s5], $0x1  }
0xae: {  	[sflag:s5] =	ssyncadd.s32 @p0 $0xFFFFFFFF  }
0xaf: {  	s6 =	sshll.u32 @!p0 s1, $0xE  }
0xb0: {  	s6 =	sor.u32 @!p0 $0x4000, s6;
	s5 =	simm.s32 @!p0 $0x1B8D  }
0xb1: {  	s4 =	sshll.u32 @!p0 s4, $0x11;
	s6 =	sadd.s32 @!p0 $0x11B8D, s6;
	_ =	swait.eq @!p0 [sflag:s5], $0x1  }
0xb2: {  	s4 =	sor.u32 @!p0 s4, s6;
	[sflag:s5] =	ssyncadd.s32 @!p0 $0xFFFFFFFF  }
0xb3: {  	s25 =	simm.s32 $0x1B8E;
	s24 =	sld [smem:$0x3FFE];
	[sflag:s4] =	ssyncadd.remote.s32 @!p0 $0x1  }
0xb4: {  	s26 =	simm.s32 $execute0_lowered;
	[smem:$0x3FD2] =	sst s25  }
0xb5: {  	s5 =	sshll.u32 s26, $0x1;
	_ =	strace $0x80000049;
	[dreg:$0x1] =	wrdreg $0xFFFFFFFF  }
0xb6: {  	s28 =	simm.s32 $_size_execute0_lowered;
	s3 =	sadd.s32 s3, s5;
	[dreg:$0x0] =	wrdreg $0x0  }
0xb7: {  	s5 =	sshll.u32 s28, $0x1;
	[dreg:$0x2] =	wrdreg s3  }
0xb8: {  	[dreg:$0x3] =	wrdreg s5  }
0xb9: {  	[dreg:$0x4] =	wrdreg $0xC0  }
0xba: {  	_ =	task [dreg:s22], $0x5FFFF  }
0xbb: {  	[dreg:$0x1] =	wrdreg $0xFFFFFFFF  }
0xbc: {  	[dreg:$0x0] =	wrdreg $0x60  }
0xbd: {  	[dreg:$0x2] =	wrdreg s24  }
0xbe: {  	[dreg:$0x3] =	wrdreg $0xA  }
0xbf: {  	_ =	task.clear_ibuf [dreg:s22], $0x4FFFF;
	_ =	strace $0x90000049  }
0xc0: {  	s29 =	simm.s32 $0xA;
	_ =	strace $0x8000004B  }
0xc1: {  	_ =	swait.ge [sflag:s29], $0x1  }
0xc2: {  	[sflag:s29] =	ssyncadd.s32 $0xFFFFFFFF  }
0xc3: {  	_ =	strace $0x9000004B  }
0xc4: {  	_ =	sfence  }
0xc5: {  	s30 =	sld [smem:$0x0];
	_ =	sdelay $0x2  }
0xc6: {  	s31 =	sshll.u32 s1, $0xD;
	s1 =	sshrl.u32 s1, $0x2  }
0xc7: {  	s4 =	sand.u32 $0x4000, s31;
	s1 =	sadd.s32 s1, s30  }
0xc8: {  	s0 =	sor.u32 s4, s0;
	s1 =	sshll.u32 s1, $0x11  }
0xc9: {  	s0 =	sor.u32 s1, s0  }
0xca: {  	s0 =	sadd.s32 $0x8F2B, s0  }
0xcb: {  	[sflag:s0] =	ssyncadd.remote.s32 $0x1  }
0xcc: {  	_ =	sfence.sel $0xFFFF  }
0xcd: {  	[dreg:$0x0] =	wrdreg $0xFFFFFFFF;
	(pc) =	sbr.abs _section_cstart, $3  }
0xce: {  	[dreg:$0x1] =	wrdreg $0xFFFFFFFF  }
0xcf: {  	_ =	task.clear_ibuf [dreg:s22], $0x2FFFF;
	_ =	strace $0x9FFFFFFF  }
0xd0: {  	(tm) =	ssettm $0x7FFFFFFF  }
0xd1: {  	_ =	shalt  }
tec
execute0_lowered:
.L_overlay_start_1:
0x0: {  	(tag) =	ssettag $0x1  }
0x1: {  	s5 =	rddreg [dreg:$0x0]  }
0x2: {  	s0 =	rddreg [dreg:$0x1];
	s3 =	srdreg.scid  }
0x3: {  	s1 =	stileid.u32;
	s2 =	simm.s32 $0x0;
	s16 =	simm.s32 $0x380  }
0x4: {  	s17 =	simm.s32 $0xE380;
	s18 =	simm.s32 $0x1;
	s19 =	simm.s32 $0x2  }
0x5: {  	s20 =	simm.s32 $0x0;
	s9 =	sand.u32 $0x1, s3;
	s25 =	smul.u32 $0x62000, s1  }
0x6: {  	s22 =	sshll.u32 s1, $0x1;
	[smem:$0x7FF] =	sst s2;
	s14 =	smul.u32 $0x6200, s1  }
0x7: {  	s3 =	sadd.s32 $0xD7E00, s5;
	s4 =	sadd.s32 $0x7000, s5;
	s28 =	smul.u32 $0x3100, s9  }
0x8: {  	s6 =	sor.u32 s9, s22;
	s23 =	ssub.s32 $0x2, s9;
	s15 =	smul.u32 $0x31000, s9  }
0x9: {  	s12 =	sadd.s32 $0x87EA00, s5;
	s7 =	smul.u32 $0x3100, s6;
	s8 =	sshrl.u32 s23, $0x1  }
0xa: {  	_ =	strace $0x8000004A;
	s11 =	smul.u32 $0x31000, s6;
	s24 =	ssub.s32 s23, s8  }
0xb: {  	s10 =	sshrl.u32 s7, $0x3;
	s6 =	smax.u32 s24, $0x1;
	s13 =	sadd.s32 $0x2F40, s7  }
0xc: {  	s26 =	sadd.s32 s12, s11;
	s11 =	sadd.s32 s28, s14;
	s14 =	simm.s32 $0x3  }
0xd: {  	s5 =	sadd.s32 s4, s10;
	s7 =	sshrl.u32 s13, $0x3;
	s8 =	sadd.s32 $0x2D800, s26  }
0xe: {  	s29 =	sshll.u32 s13, $0x4;
	s10 =	sadd.s32 s25, s12;
	s30 =	sadd.s32 $0x1C0, s11  }
0xf: {  	s11 =	sadd.s32 $0x380, s11;
	s7 =	sadd.s32 s4, s7;
	s9 =	sadd.s32 s12, s29  }
0x10: {  	s10 =	sadd.s32 s15, s10;
	s31 =	sshll.u32 s30, $0x4;
	s13 =	sshrl.u32 s30, $0x3  }
0x11: {  	s15 =	simm.s32 $0x1C0;
	s12 =	sadd.s32 s31, s12;
	s13 =	sadd.s32 s13, s4  }
.LBB2_1:
0x12: {  	[tilespmem:s2], [sflag:$0x3] =	stream.linear.gather [hbm4b:s5+s2], $0x1C0, $0x38;
	[tilespmem:$0x1C380] =	vst v63  }
0x13: {  	_ =	swait.ge [sflag:s14], $0x1C0  }
0x14: {  	[sflag:s14] =	ssyncset.done $0x0  }
0x15: {  	[sflag:s14] =	ssyncadd.s32 $0xFFFFFE40  }
0x16: {  	[tilespmem:s16], [sflag:$0x1] =	stream.indirect.gather [hbm4b:s3+s15], $0x80, s2, s15, $0xb8;
	[tilespmem:$0x1C380] =	vst v63  }
0x17: {  	_ = 	snop  }
0x18: {  	[tilespmem:s15], [sflag:$0x3] =	stream.linear.gather [hbm4b:s13+s2], $0x1C0, $0x38;
	[tilespmem:$0x1C380] =	vst v63  }
0x19: {  	_ =	swait.ge [sflag:s14], $0x1C0  }
0x1a: {  	[sflag:s14] =	ssyncset.done $0x0  }
0x1b: {  	[sflag:s14] =	ssyncadd.s32 $0xFFFFFE40  }
0x1c: {  	[tilespmem:s17], [sflag:$0x2] =	stream.indirect.gather [hbm4b:s3+s15], $0x80, s15, s15, $0xb8;
	[tilespmem:$0x1C380] =	vst v63  }
0x1d: {  	_ =	swait.ge [sflag:s18], $0xE000  }
0x1e: {  	[sflag:s18] =	ssyncset.done $0x0  }
0x1f: {  	s21 =	sadd.s32 $0x0, s10;
	[sflag:s18] =	ssyncadd.s32 $0xFFFF2000  }
0x20: {  	[hbm4b:s21+s2] =	stream.linear.scatter [tilespmem:s16], [sflag:$0x3], $0xE000, $0x38;
	[tilespmem:$0x1C380] =	vst v63  }
0x21: {  	_ =	swait.ge [sflag:s14], $0xE000  }
0x22: {  	s30 =	sshrl.u32 s11, $0x3;
	[sflag:s14] =	ssyncset.done $0x0  }
0x23: {  	s21 =	sadd.s32 s4, s30;
	[sflag:s14] =	ssyncadd.s32 $0xFFFF2000  }
0x24: {  	[tilespmem:s2], [sflag:$0x3] =	stream.linear.gather [hbm4b:s21+s2], $0x1C0, $0x38;
	[tilespmem:$0x1C380] =	vst v63  }
0x25: {  	_ =	swait.ge [sflag:s14], $0x1C0  }
0x26: {  	[sflag:s14] =	ssyncset.done $0x0  }
0x27: {  	[sflag:s14] =	ssyncadd.s32 $0xFFFFFE40  }
0x28: {  	[tilespmem:s16], [sflag:$0x1] =	stream.indirect.gather [hbm4b:s3+s15], $0x80, s2, s15, $0xb8;
	[tilespmem:$0x1C380] =	vst v63  }
0x29: {  	_ =	swait.ge [sflag:s19], $0xE000  }
0x2a: {  	[sflag:s19] =	ssyncset.done $0x0  }
0x2b: {  	s31 =	sadd.s32 $0x0, s12;
	[sflag:s19] =	ssyncadd.s32 $0xFFFF2000  }
0x2c: {  	[hbm4b:s31+s2] =	stream.linear.scatter [tilespmem:s17], [sflag:$0x3], $0xE000, $0x38;
	[tilespmem:$0x1C380] =	vst v63  }
0x2d: {  	s22 =	smov.u32 s11;
	_ =	swait.ge [sflag:s14], $0xE000  }
0x2e: {  	s23 =	smov.u32 s13;
	s21 =	simm.s32 $0x3800;
	[sflag:s14] =	ssyncset.done $0x0  }
.LBB2_2:
0x2f: {  	[sflag:s14] =	ssyncadd.s32 $0xFFFF2000  }
0x30: {  	s22 =	sadd.s32 $0x380, s22;
	s23 =	sadd.s32 $0x70, s23;
	s24 =	smov.u32 s21  }
0x31: {  	[tilespmem:s15], [sflag:$0x3] =	stream.linear.gather [hbm4b:s23+s2], $0x1C0, $0x38;
	[tilespmem:$0x1C380] =	vst v63  }
0x32: {  	p0 =	sne.s32 s21, $0x2A000;
	s21 =	sadd.s32 $0x3800, s21;
	_ =	swait.ge [sflag:s14], $0x1C0  }
0x33: {  	[sflag:s14] =	ssyncset.done $0x0  }
0x34: {  	[sflag:s14] =	ssyncadd.s32 $0xFFFFFE40  }
0x35: {  	[tilespmem:s17], [sflag:$0x2] =	stream.indirect.gather [hbm4b:s3+s15], $0x80, s15, s15, $0xb8;
	[tilespmem:$0x1C380] =	vst v63  }
0x36: {  	_ =	swait.ge [sflag:s18], $0xE000  }
0x37: {  	[sflag:s18] =	ssyncset.done $0x0  }
0x38: {  	s25 =	sadd.s32 s24, s10;
	[sflag:s18] =	ssyncadd.s32 $0xFFFF2000  }
0x39: {  	[hbm4b:s25+s2] =	stream.linear.scatter [tilespmem:s16], [sflag:$0x3], $0xE000, $0x38;
	[tilespmem:$0x1C380] =	vst v63  }
0x3a: {  	_ =	swait.ge [sflag:s14], $0xE000  }
0x3b: {  	s25 =	sshrl.u32 s22, $0x3;
	[sflag:s14] =	ssyncset.done $0x0  }
0x3c: {  	s25 =	sadd.s32 s4, s25;
	[sflag:s14] =	ssyncadd.s32 $0xFFFF2000  }
0x3d: {  	[tilespmem:s2], [sflag:$0x3] =	stream.linear.gather [hbm4b:s25+s2], $0x1C0, $0x38;
	[tilespmem:$0x1C380] =	vst v63  }
0x3e: {  	_ =	swait.ge [sflag:s14], $0x1C0  }
0x3f: {  	[sflag:s14] =	ssyncset.done $0x0  }
0x40: {  	[sflag:s14] =	ssyncadd.s32 $0xFFFFFE40  }
0x41: {  	[tilespmem:s16], [sflag:$0x1] =	stream.indirect.gather [hbm4b:s3+s15], $0x80, s2, s15, $0xb8;
	[tilespmem:$0x1C380] =	vst v63  }
0x42: {  	_ =	swait.ge [sflag:s19], $0xE000  }
.Ltmp0:
0x43: {  	[sflag:s19] =	ssyncset.done $0x0;
	(pc) =	sbr.rel @p0 .LBB2_2-.Ltmp0, $4  }
0x44: {  	s24 =	sadd.s32 s24, s12;
	[sflag:s19] =	ssyncadd.s32 $0xFFFF2000  }
0x45: {  	[hbm4b:s24+s2] =	stream.linear.scatter [tilespmem:s17], [sflag:$0x3], $0xE000, $0x38;
	[tilespmem:$0x1C380] =	vst v63  }
0x46: {  	_ =	swait.ge [sflag:s14], $0xE000  }
0x47: {  	[sflag:s14] =	ssyncset.done $0x0  }
0x48: {  	[sflag:s14] =	ssyncadd.s32 $0xFFFF2000  }
0x49: {  	[tilespmem:s15], [sflag:$0x3] =	stream.linear.gather [hbm4b:s7+s2], $0x1C0, $0x38;
	[tilespmem:$0x1C380] =	vst v63  }
0x4a: {  	_ =	swait.ge [sflag:s14], $0x1C0  }
0x4b: {  	[sflag:s14] =	ssyncset.done $0x0  }
0x4c: {  	[sflag:s14] =	ssyncadd.s32 $0xFFFFFE40  }
0x4d: {  	[tilespmem:s17], [sflag:$0x2] =	stream.indirect.gather [hbm4b:s3+s15], $0x80, s15, s15, $0xb8;
	[tilespmem:$0x1C380] =	vst v63  }
0x4e: {  	_ =	swait.ge [sflag:s18], $0xE000  }
0x4f: {  	[sflag:s18] =	ssyncset.done $0x0  }
0x50: {  	[sflag:s18] =	ssyncadd.s32 $0xFFFF2000  }
0x51: {  	[hbm4b:s8+s2] =	stream.linear.scatter [tilespmem:s16], [sflag:$0x3], $0xE000, $0x38;
	[tilespmem:$0x1C380] =	vst v63  }
0x52: {  	_ =	swait.ge [sflag:s14], $0xE000  }
0x53: {  	[sflag:s14] =	ssyncset.done $0x0  }
0x54: {  	[sflag:s14] =	ssyncadd.s32 $0xFFFF2000  }
0x55: {  	s20 =	sadd.s32 $0x1, s20;
	_ =	swait.ge [sflag:s19], $0xE000  }
0x56: {  	p0 =	sne.s32 s20, s6;
	[sflag:s19] =	ssyncset.done $0x0  }
.Ltmp1:
0x57: {  	[sflag:s19] =	ssyncadd.s32 $0xFFFF2000;
	(pc) =	sbr.rel @p0 .LBB2_1-.Ltmp1, $4  }
0x58: {  	[hbm4b:s9+s2] =	stream.linear.scatter [tilespmem:s17], [sflag:$0x3], $0xE000, $0x38;
	[tilespmem:$0x1C380] =	vst v63  }
0x59: {  	_ =	swait.ge [sflag:s14], $0xE000  }
0x5a: {  	[sflag:s14] =	ssyncset.done $0x0  }
0x5b: {  	[sflag:s14] =	ssyncadd.s32 $0xFFFF2000  }
0x5c: {  	_ =	sfence.sel $0x180000  }
0x5d: {  	[bflag:$0x0] =	sbarrier.arrive $0xFFFF  }
0x5e: {  	p0 =	sne.s32 s1, $0x0;
	_ =	strace $0x9000004A  }
0x5f: {  	s0 =	sadd.s32 @!p0 $0x100000, s0;
	[bflag:$0x2] =	sbarrier.arrive $0xFFFF  }
0x60: {  	[sflag:s0] =	ssyncadd.tile.s32 @!p0 $0x1;
	_ =	shalt  }
.Lfunc_end2:
_tile_overlayer_lowered:
.L_overlay_start_2:
0x61: {  	(tag) =	ssettag $0x2  }
0x62: {  	s0 =	rddreg [dreg:$0x0];
	s2 =	stileid.u32  }
0x63: {  	s1 =	rddreg [dreg:$0x1];
	p0 =	sne.s32 s2, $0x0  }
0x64: {  	s3 =	rddreg [dreg:$0x2];
	[bflag:$0x3] =	sbarrier.arrive $0xFFFF;
	s2 =	simm.s32 @!p0 $0x1C03  }
0x65: {  	[timem:s3], [sflag:s2] =	dma.local @!p0 [hbm:s0], s1  }
0x66: {  	s0 =	simm.s32 @!p0 $0x3  }
0x67: {  	_ =	swait.ge @!p0 [sflag:s0], s1  }
0x68: {  	s1 =	ssub.s32 @!p0 $0x0, s1;
	[sflag:s0] =	ssyncset.done @!p0 $0x0  }
0x69: {  	[sflag:s0] =	ssyncadd.s32 @!p0 s1  }
0x6a: {  	[bflag:$0x3] =	sbarrier.arrive $0xFFFF  }
0x6b: {  	_ =	shalt  }

// kernel: kernel.32.cloned.1.call-start
scs
__scs_entry_jumppad:
0x0: {  	(pc) =	sbr.rel $0x88, $3  }
0x1: {  	(tag) =	ssettag $0x0;
	lr =	simm.s32 $0x1  }
0x2: {  	[smem:$0x3F91] =	sst lr;
	_ =	strace $0xD0000000  }
0x3: {  	_ = 	snop  }
0x4: {  	_ = 	snop  }
0x5: {  	_ = 	snop  }
0x6: {  	_ = 	snop  }
0x7: {  	_ = 	snop  }
__scs_overlays_trampoline_lowered:
0x8: {  	[smem:$0x3FA0] =	sst s0  }
0x9: {  	[smem:$0x3FA1] =	sst s1  }
0xa: {  	[smem:$0x3FA2] =	sst s2  }
0xb: {  	[smem:$0x3FA3] =	sst s3  }
0xc: {  	[smem:$0x3FA4] =	sst s4  }
0xd: {  	[smem:$0x3FA5] =	sst s5  }
0xe: {  	[smem:$0x3FA6] =	sst s6  }
0xf: {  	[smem:$0x3FA7] =	sst s7  }
0x10: {  	[smem:$0x3FA8] =	sst s8  }
0x11: {  	[smem:$0x3FA9] =	sst s9;
	s0 =	simm.s32 @!p0 $0x0  }
0x12: {  	s1 =	sld [smem:$0x3F8F];
	s0 =	simm.s32 @p0 $0x1  }
0x13: {  	[smem:$0x3FAA] =	sst s0;
	s0 =	simm.s32 @!p1 $0x0  }
0x14: {  	s2 =	sld [smem:$0x3F8E];
	s0 =	simm.s32 @p1 $0x1  }
0x15: {  	[smem:$0x3FAB] =	sst s0;
	s0 =	simm.s32 @!p2 $0x0  }
0x16: {  	s3 =	sld [smem:$0x3FDB];
	s0 =	simm.s32 @p2 $0x1  }
0x17: {  	s4 =	simm.s32 $0x1BF5;
	[smem:$0x3FAD] =	sst s0  }
0x18: {  	s0 =	sld [smem:$0x3F90];
	_ =	swait.ge [sflag:s4], $0x0  }
0x19: {  	s7 =	sld [smem:$0x3F91]  }
0x1a: {  	s8 =	sadd.s32 $0xFFFFE003, lr  }
0x1b: {  	s9 =	sadd.s32 $0xFFFFFEF7, lr;
	s5 =	simm.s32 $0xFFFFFFFF;
	p2 =	slt.u32 s8, $0xFFFFF086  }
0x1c: {  	p1 =	slt.u32 s9, $0xF7A;
	s5 =	simm.s32 @!p2 $0x0  }
0x1d: {  	s5 =	simm.s32 @p1 $0x1;
	p0 =	seq.s32 s7, s2  }
0x1e: {  	s7 =	smul.u32 @!p0 $0xF7A, s2;
	p2 =	seq.s32 @!p0 s5, $0x0  }
0x1f: {  	s9 =	smul.u32 $0xF7A, s1;
	s8 =	simm.s32 @!p0 $0x1BF5;
	p2 =	por !p2, p0  }
0x20: {  	[sflag:s8] =	ssyncset.s32 @!p0 $0xFFFFF086;
	s6 =	sadd.s32 @!p0 s3, s7;
	s7 =	simm.s32 @!p0 $0x108  }
0x21: {  	s3 =	sadd.s32 s3, s9;
	s6 =	sadd.s32 @!p0 $0x88, s6;
	s7 =	simm.s32 @p2 $0x1082  }
0x22: {  	[simem:s7], [sflag:s8] =	dma.local @!p0 [hbm:s6], $0xF7A  }
0x23: {  	s9 =	sor.u32 $0xD0000000, s2;
	s6 =	simm.s32 $0x108;
	_ =	swait.ge @!p0 [sflag:s8], $0x0  }
0x24: {  	s3 =	sadd.s32 $0x88, s3;
	s6 =	simm.s32 @!p1 $0x1082;
	[sflag:s4] =	ssyncset.s32 $0xFFFFF086  }
0x25: {  	[simem:s6], [sflag:s4] =	dma.local [hbm:s3], $0xF7A  }
0x26: {  	[smem:$0x3F91] =	sst s1;
	(tag) =	ssettag s2;
	_ =	strace s9  }
0x27: {  	s1 =	sld [smem:$0x3FA1]  }
0x28: {  	s2 =	sld [smem:$0x3FA2]  }
0x29: {  	s4 =	sld [smem:$0x3FA4]  }
0x2a: {  	p0 =	seq.s32 s5, $0x0;
	s5 =	sld [smem:$0x3FA5]  }
0x2b: {  	s6 =	sld [smem:$0x3FA6]  }
0x2c: {  	s7 =	sld [smem:$0x3FA7]  }
0x2d: {  	s3 =	simm.s32 $0x108;
	s8 =	sld [smem:$0x3FA8]  }
0x2e: {  	s3 =	simm.s32 @!p0 $0x1082;
	s9 =	sld [smem:$0x3FA9]  }
0x2f: {  	lr =	sadd.s32 s0, s3;
	s0 =	sld [smem:$0x3FA0]  }
0x30: {  	s3 =	sld [smem:$0x3FA3]  }
0x31: {  	[smem:$0x3FAC] =	sst s10  }
0x32: {  	s10 =	sld [smem:$0x3FAA];
	_ =	sdelay $0x3  }
0x33: {  	p0 =	seq.s32 s10, $0x1;
	s10 =	sld [smem:$0x3FAC];
	_ =	sdelay $0x3  }
0x34: {  	[smem:$0x3FAC] =	sst s10  }
0x35: {  	s10 =	sld [smem:$0x3FAB];
	_ =	sdelay $0x3  }
0x36: {  	p1 =	seq.s32 s10, $0x1;
	s10 =	sld [smem:$0x3FAC];
	_ =	sdelay $0x3  }
0x37: {  	[smem:$0x3FAC] =	sst s10  }
0x38: {  	s10 =	sld [smem:$0x3FAD]  }
0x39: {  	_ = 	snop;
	(pc) =	sbr.ind lr, $3  }
0x3a: {  	_ = 	snop  }
0x3b: {  	_ = 	snop  }
0x3c: {  	p2 =	seq.s32 s10, $0x1;
	s10 =	sld [smem:$0x3FAC]  }
0x3d: {  	_ =	shalt  }
0x3e: {  	_ =	shalt  }
0x3f: {  	_ =	shalt  }
0x40: {  	_ =	shalt  }
0x41: {  	_ =	shalt  }
0x42: {  	_ =	shalt  }
0x43: {  	_ =	shalt  }
0x44: {  	_ =	shalt  }
0x45: {  	_ =	shalt  }
0x46: {  	_ =	shalt  }
0x47: {  	_ =	shalt  }
0x48: {  	_ =	shalt  }
0x49: {  	_ =	shalt  }
0x4a: {  	_ =	shalt  }
0x4b: {  	_ =	shalt  }
0x4c: {  	_ =	shalt  }
0x4d: {  	_ =	shalt  }
0x4e: {  	_ =	shalt  }
0x4f: {  	_ =	shalt  }
0x50: {  	_ =	shalt  }
0x51: {  	_ =	shalt  }
0x52: {  	_ =	shalt  }
0x53: {  	_ =	shalt  }
0x54: {  	_ =	shalt  }
0x55: {  	_ =	shalt  }
0x56: {  	_ =	shalt  }
0x57: {  	_ =	shalt  }
0x58: {  	_ =	shalt  }
0x59: {  	_ =	shalt  }
0x5a: {  	_ =	shalt  }
0x5b: {  	_ =	shalt  }
0x5c: {  	_ =	shalt  }
0x5d: {  	_ =	shalt  }
0x5e: {  	_ =	shalt  }
0x5f: {  	_ =	shalt  }
0x60: {  	_ =	shalt  }
0x61: {  	_ =	shalt  }
0x62: {  	_ =	shalt  }
0x63: {  	_ =	shalt  }
0x64: {  	_ =	shalt  }
0x65: {  	_ =	shalt  }
0x66: {  	_ =	shalt  }
0x67: {  	_ =	shalt  }
0x68: {  	_ =	shalt  }
0x69: {  	_ =	shalt  }
0x6a: {  	_ =	shalt  }
0x6b: {  	_ =	shalt  }
0x6c: {  	_ =	shalt  }
0x6d: {  	_ =	shalt  }
0x6e: {  	_ =	shalt  }
0x6f: {  	_ =	shalt  }
0x70: {  	_ =	shalt  }
0x71: {  	_ =	shalt  }
0x72: {  	_ =	shalt  }
0x73: {  	_ =	shalt  }
0x74: {  	_ =	shalt  }
0x75: {  	_ =	shalt  }
0x76: {  	_ =	shalt  }
0x77: {  	_ =	shalt  }
0x78: {  	_ =	shalt  }
0x79: {  	_ =	shalt  }
0x7a: {  	_ =	shalt  }
0x7b: {  	_ =	shalt  }
0x7c: {  	_ =	shalt  }
0x7d: {  	_ =	shalt  }
0x7e: {  	_ =	shalt  }
0x7f: {  	_ =	shalt  }
0x80: {  	_ =	shalt  }
0x81: {  	_ =	shalt  }
0x82: {  	_ =	shalt  }
0x83: {  	_ =	shalt  }
0x84: {  	_ =	shalt  }
0x85: {  	_ =	shalt  }
0x86: {  	_ =	shalt  }
0x87: {  	_ =	shalt  }
.Lfunc_end0:
.L_simem_size_0:
called_computation.2_lowered:
.L_overlay_start_0:
0x88: {  	s2 =	sld [smem:$0x3FD9]  }
0x89: {  	s3 =	sld [smem:$0x3FFE];
	_ =	sdelay $0x1  }
0x8a: {  	s1 =	srdreg.scid  }
0x8b: {  	s0 =	sand.u32 $0x1, s1  }
0x8c: {  	s16 =	sshll.u32 s0, $0xA;
	s2 =	sadd.s32 s3, s2  }
0x8d: {  	s2 =	sadd.s32 s2, s16  }
0x8e: {  	[smem:$0x3FB8] =	sst s2  }
0x8f: {  	_ = 	snop  }
0x90: {  	(tm) =	ssettm $0x1  }
0x91: {  	s17 =	sld [smem:$0x3FFB];
	_ =	sdelay $0x3  }
0x92: {  	_ =	strace s17  }
0x93: {  	s2 =	sld [smem:$0x3FFC];
	_ =	sdelay $0x3  }
0x94: {  	_ =	strace s2  }
0x95: {  	s2 =	sld [smem:$0x3FFD];
	_ =	sdelay $0x3  }
0x96: {  	_ =	strace s2  }
0x97: {  	_ =	strace $0x8FFFFFFF  }
0x98: {  	s18 =	sld [smem:$0x3FDB];
	_ =	sdelay $0x1  }
0x99: {  	s19 =	simm.s32 $_scs_section_size  }
0x9a: {  	s4 =	simm.s32 $_size__tile_overlayer_lowered;
	s5 =	simm.s32 $_tile_overlayer_lowered  }
0x9b: {  	s22 =	simm.s32 $0x1BFF;
	s21 =	sshll.u32 s5, $0x1;
	s2 =	sadd.s32 s19, s18  }
0x9c: {  	s6 =	simm.s32 $0x0;
	s20 =	sshll.u32 s4, $0x1;
	s4 =	sadd.s32 s21, s2  }
0x9d: {  	[timem:s6], [sflag:s22] =	dma.local [hbm:s4], s20  }
0x9e: {  	_ =	swait.ge [sflag:s22], s20  }
0x9f: {  	s3 =	ssub.s32 $0x0, s20;
	[sflag:s22] =	ssyncset.done $0x0  }
0xa0: {  	[sflag:s22] =	ssyncadd.s32 s3;
	_ =	sdelay $0x1  }
0xa1: {  	s23 =	simm.s32 $0x1B8B  }
0xa2: {  	_ =	swait.ge [sflag:s23], $0x1  }
0xa3: {  	[sflag:s23] =	ssyncset.done $0x0  }
0xa4: {  	s25 =	simm.s32 $0x1B8E;
	s24 =	sld [smem:$0x3FFE];
	[sflag:s23] =	ssyncadd.s32 $0xFFFFFFFF  }
0xa5: {  	s26 =	simm.s32 $execute0_lowered;
	[smem:$0x3FD2] =	sst s25  }
0xa6: {  	s4 =	sshll.u32 s26, $0x1;
	_ =	strace $0x8000004C;
	[dreg:$0x1] =	wrdreg $0xFFFFFFFF  }
0xa7: {  	s28 =	simm.s32 $_size_execute0_lowered;
	s2 =	sadd.s32 s2, s4;
	[dreg:$0x0] =	wrdreg $0x0  }
0xa8: {  	s4 =	sshll.u32 s28, $0x1;
	[dreg:$0x2] =	wrdreg s2  }
0xa9: {  	[dreg:$0x3] =	wrdreg s4  }
0xaa: {  	[dreg:$0x4] =	wrdreg $0xC0  }
0xab: {  	_ =	task [dreg:s6], $0x5FFFF  }
0xac: {  	[dreg:$0x1] =	wrdreg $0xFFFFFFFF  }
0xad: {  	[dreg:$0x0] =	wrdreg $0x60  }
0xae: {  	[dreg:$0x2] =	wrdreg s24  }
0xaf: {  	[dreg:$0x3] =	wrdreg $0x9  }
0xb0: {  	_ =	task.clear_ibuf [dreg:s6], $0x4FFFF;
	_ =	strace $0x9000004C  }
0xb1: {  	s29 =	simm.s32 $0x9;
	_ =	strace $0x8000004E  }
0xb2: {  	_ =	swait.ge [sflag:s29], $0x1  }
0xb3: {  	[sflag:s29] =	ssyncadd.s32 $0xFFFFFFFF  }
0xb4: {  	_ =	strace $0x9000004E  }
0xb5: {  	_ =	sfence  }
0xb6: {  	s30 =	sld [smem:$0x0];
	_ =	sdelay $0x2  }
0xb7: {  	s31 =	sshll.u32 s1, $0xD;
	s1 =	sshrl.u32 s1, $0x2  }
0xb8: {  	s3 =	sand.u32 $0x4000, s31;
	s1 =	sadd.s32 s1, s30  }
0xb9: {  	s0 =	sor.u32 s3, s0;
	s1 =	sshll.u32 s1, $0x11  }
0xba: {  	s0 =	sor.u32 s1, s0  }
0xbb: {  	s0 =	sadd.s32 $0x8F2B, s0  }
0xbc: {  	[sflag:s0] =	ssyncadd.remote.s32 $0x1  }
0xbd: {  	_ =	sfence.sel $0xFFFF  }
0xbe: {  	[dreg:$0x0] =	wrdreg $0xFFFFFFFF;
	(pc) =	sbr.abs _section_cstart, $3  }
0xbf: {  	[dreg:$0x1] =	wrdreg $0xFFFFFFFF  }
0xc0: {  	_ =	task.clear_ibuf [dreg:s6], $0x2FFFF;
	_ =	strace $0x9FFFFFFF  }
0xc1: {  	(tm) =	ssettm $0x7FFFFFFF  }
tec
execute0_lowered:
.L_overlay_start_1:
0x0: {  	(tag) =	ssettag $0x1  }
0x1: {  	s5 =	rddreg [dreg:$0x0]  }
0x2: {  	s0 =	rddreg [dreg:$0x1];
	s2 =	simm.s32 $0x0  }
0x3: {  	s3 =	srdreg.scid;
	s1 =	stileid.u32;
	s16 =	simm.s32 $0x380  }
0x4: {  	s17 =	simm.s32 $0xE380;
	s18 =	simm.s32 $0x1;
	s19 =	simm.s32 $0x2  }
0x5: {  	s20 =	simm.s32 $0x0;
	[smem:$0x7FF] =	sst s2;
	s25 =	smul.u32 $0x62000, s1  }
0x6: {  	s9 =	sand.u32 $0x1, s3;
	s22 =	sshll.u32 s1, $0x1;
	s14 =	smul.u32 $0x6200, s1  }
0x7: {  	s3 =	sadd.s32 $0x25EA00, s5;
	s4 =	sadd.s32 $0xCBA00, s5;
	s28 =	smul.u32 $0x3100, s9  }
0x8: {  	s6 =	sor.u32 s9, s22;
	s23 =	ssub.s32 $0x2, s9;
	s15 =	smul.u32 $0x31000, s9  }
0x9: {  	s12 =	sadd.s32 $0x3E5600, s5;
	s7 =	smul.u32 $0x3100, s6;
	s8 =	sshrl.u32 s23, $0x1  }
0xa: {  	_ =	strace $0x8000004D;
	s11 =	smul.u32 $0x31000, s6;
	s24 =	ssub.s32 s23, s8  }
0xb: {  	s10 =	sshrl.u32 s7, $0x3;
	s6 =	smax.u32 s24, $0x1;
	s13 =	sadd.s32 $0x2F40, s7  }
0xc: {  	s26 =	sadd.s32 s12, s11;
	s11 =	sadd.s32 s28, s14;
	s14 =	simm.s32 $0x3  }
0xd: {  	s5 =	sadd.s32 s4, s10;
	s7 =	sshrl.u32 s13, $0x3;
	s8 =	sadd.s32 $0x2D800, s26  }
0xe: {  	s29 =	sshll.u32 s13, $0x4;
	s10 =	sadd.s32 s25, s12;
	s30 =	sadd.s32 $0x1C0, s11  }
0xf: {  	s11 =	sadd.s32 $0x380, s11;
	s7 =	sadd.s32 s4, s7;
	s9 =	sadd.s32 s12, s29  }
0x10: {  	s10 =	sadd.s32 s15, s10;
	s31 =	sshll.u32 s30, $0x4;
	s13 =	sshrl.u32 s30, $0x3  }
0x11: {  	s15 =	simm.s32 $0x1C0;
	s12 =	sadd.s32 s31, s12;
	s13 =	sadd.s32 s13, s4  }
.LBB2_1:
0x12: {  	[tilespmem:s2], [sflag:$0x3] =	stream.linear.gather [hbm4b:s5+s2], $0x1C0, $0x38;
	[tilespmem:$0x1C380] =	vst v63  }
0x13: {  	_ =	swait.ge [sflag:s14], $0x1C0  }
0x14: {  	[sflag:s14] =	ssyncset.done $0x0  }
0x15: {  	[sflag:s14] =	ssyncadd.s32 $0xFFFFFE40  }
0x16: {  	[tilespmem:s16], [sflag:$0x1] =	stream.indirect.gather [hbm4b:s3+s15], $0x80, s2, s15, $0xb8;
	[tilespmem:$0x1C380] =	vst v63  }
0x17: {  	_ = 	snop  }
0x18: {  	[tilespmem:s15], [sflag:$0x3] =	stream.linear.gather [hbm4b:s13+s2], $0x1C0, $0x38;
	[tilespmem:$0x1C380] =	vst v63  }
0x19: {  	_ =	swait.ge [sflag:s14], $0x1C0  }
0x1a: {  	[sflag:s14] =	ssyncset.done $0x0  }
0x1b: {  	[sflag:s14] =	ssyncadd.s32 $0xFFFFFE40  }
0x1c: {  	[tilespmem:s17], [sflag:$0x2] =	stream.indirect.gather [hbm4b:s3+s15], $0x80, s15, s15, $0xb8;
	[tilespmem:$0x1C380] =	vst v63  }
0x1d: {  	_ =	swait.ge [sflag:s18], $0xE000  }
0x1e: {  	[sflag:s18] =	ssyncset.done $0x0  }
0x1f: {  	s21 =	sadd.s32 $0x0, s10;
	[sflag:s18] =	ssyncadd.s32 $0xFFFF2000  }
0x20: {  	[hbm4b:s21+s2] =	stream.linear.scatter [tilespmem:s16], [sflag:$0x3], $0xE000, $0x38;
	[tilespmem:$0x1C380] =	vst v63  }
0x21: {  	_ =	swait.ge [sflag:s14], $0xE000  }
0x22: {  	s30 =	sshrl.u32 s11, $0x3;
	[sflag:s14] =	ssyncset.done $0x0  }
0x23: {  	s21 =	sadd.s32 s4, s30;
	[sflag:s14] =	ssyncadd.s32 $0xFFFF2000  }
0x24: {  	[tilespmem:s2], [sflag:$0x3] =	stream.linear.gather [hbm4b:s21+s2], $0x1C0, $0x38;
	[tilespmem:$0x1C380] =	vst v63  }
0x25: {  	_ =	swait.ge [sflag:s14], $0x1C0  }
0x26: {  	[sflag:s14] =	ssyncset.done $0x0  }
0x27: {  	[sflag:s14] =	ssyncadd.s32 $0xFFFFFE40  }
0x28: {  	[tilespmem:s16], [sflag:$0x1] =	stream.indirect.gather [hbm4b:s3+s15], $0x80, s2, s15, $0xb8;
	[tilespmem:$0x1C380] =	vst v63  }
0x29: {  	_ =	swait.ge [sflag:s19], $0xE000  }
0x2a: {  	[sflag:s19] =	ssyncset.done $0x0  }
0x2b: {  	s31 =	sadd.s32 $0x0, s12;
	[sflag:s19] =	ssyncadd.s32 $0xFFFF2000  }
0x2c: {  	[hbm4b:s31+s2] =	stream.linear.scatter [tilespmem:s17], [sflag:$0x3], $0xE000, $0x38;
	[tilespmem:$0x1C380] =	vst v63  }
0x2d: {  	s22 =	smov.u32 s11;
	_ =	swait.ge [sflag:s14], $0xE000  }
0x2e: {  	s23 =	smov.u32 s13;
	s21 =	simm.s32 $0x3800;
	[sflag:s14] =	ssyncset.done $0x0  }
.LBB2_2:
0x2f: {  	[sflag:s14] =	ssyncadd.s32 $0xFFFF2000  }
0x30: {  	s22 =	sadd.s32 $0x380, s22;
	s23 =	sadd.s32 $0x70, s23;
	s24 =	smov.u32 s21  }
0x31: {  	[tilespmem:s15], [sflag:$0x3] =	stream.linear.gather [hbm4b:s23+s2], $0x1C0, $0x38;
	[tilespmem:$0x1C380] =	vst v63  }
0x32: {  	p0 =	sne.s32 s21, $0x2A000;
	s21 =	sadd.s32 $0x3800, s21;
	_ =	swait.ge [sflag:s14], $0x1C0  }
0x33: {  	[sflag:s14] =	ssyncset.done $0x0  }
0x34: {  	[sflag:s14] =	ssyncadd.s32 $0xFFFFFE40  }
0x35: {  	[tilespmem:s17], [sflag:$0x2] =	stream.indirect.gather [hbm4b:s3+s15], $0x80, s15, s15, $0xb8;
	[tilespmem:$0x1C380] =	vst v63  }
0x36: {  	_ =	swait.ge [sflag:s18], $0xE000  }
0x37: {  	[sflag:s18] =	ssyncset.done $0x0  }
0x38: {  	s25 =	sadd.s32 s24, s10;
	[sflag:s18] =	ssyncadd.s32 $0xFFFF2000  }
0x39: {  	[hbm4b:s25+s2] =	stream.linear.scatter [tilespmem:s16], [sflag:$0x3], $0xE000, $0x38;
	[tilespmem:$0x1C380] =	vst v63  }
0x3a: {  	_ =	swait.ge [sflag:s14], $0xE000  }
0x3b: {  	s25 =	sshrl.u32 s22, $0x3;
	[sflag:s14] =	ssyncset.done $0x0  }
0x3c: {  	s25 =	sadd.s32 s4, s25;
	[sflag:s14] =	ssyncadd.s32 $0xFFFF2000  }
0x3d: {  	[tilespmem:s2], [sflag:$0x3] =	stream.linear.gather [hbm4b:s25+s2], $0x1C0, $0x38;
	[tilespmem:$0x1C380] =	vst v63  }
0x3e: {  	_ =	swait.ge [sflag:s14], $0x1C0  }
0x3f: {  	[sflag:s14] =	ssyncset.done $0x0  }
0x40: {  	[sflag:s14] =	ssyncadd.s32 $0xFFFFFE40  }
0x41: {  	[tilespmem:s16], [sflag:$0x1] =	stream.indirect.gather [hbm4b:s3+s15], $0x80, s2, s15, $0xb8;
	[tilespmem:$0x1C380] =	vst v63  }
0x42: {  	_ =	swait.ge [sflag:s19], $0xE000  }
.Ltmp0:
0x43: {  	[sflag:s19] =	ssyncset.done $0x0;
	(pc) =	sbr.rel @p0 .LBB2_2-.Ltmp0, $4  }
0x44: {  	s24 =	sadd.s32 s24, s12;
	[sflag:s19] =	ssyncadd.s32 $0xFFFF2000  }
0x45: {  	[hbm4b:s24+s2] =	stream.linear.scatter [tilespmem:s17], [sflag:$0x3], $0xE000, $0x38;
	[tilespmem:$0x1C380] =	vst v63  }
0x46: {  	_ =	swait.ge [sflag:s14], $0xE000  }
0x47: {  	[sflag:s14] =	ssyncset.done $0x0  }
0x48: {  	[sflag:s14] =	ssyncadd.s32 $0xFFFF2000  }
0x49: {  	[tilespmem:s15], [sflag:$0x3] =	stream.linear.gather [hbm4b:s7+s2], $0x1C0, $0x38;
	[tilespmem:$0x1C380] =	vst v63  }
0x4a: {  	_ =	swait.ge [sflag:s14], $0x1C0  }
0x4b: {  	[sflag:s14] =	ssyncset.done $0x0  }
0x4c: {  	[sflag:s14] =	ssyncadd.s32 $0xFFFFFE40  }
0x4d: {  	[tilespmem:s17], [sflag:$0x2] =	stream.indirect.gather [hbm4b:s3+s15], $0x80, s15, s15, $0xb8;
	[tilespmem:$0x1C380] =	vst v63  }
0x4e: {  	_ =	swait.ge [sflag:s18], $0xE000  }
0x4f: {  	[sflag:s18] =	ssyncset.done $0x0  }
0x50: {  	[sflag:s18] =	ssyncadd.s32 $0xFFFF2000  }
0x51: {  	[hbm4b:s8+s2] =	stream.linear.scatter [tilespmem:s16], [sflag:$0x3], $0xE000, $0x38;
	[tilespmem:$0x1C380] =	vst v63  }
0x52: {  	_ =	swait.ge [sflag:s14], $0xE000  }
0x53: {  	[sflag:s14] =	ssyncset.done $0x0  }
0x54: {  	[sflag:s14] =	ssyncadd.s32 $0xFFFF2000  }
0x55: {  	s20 =	sadd.s32 $0x1, s20;
	_ =	swait.ge [sflag:s19], $0xE000  }
0x56: {  	p0 =	sne.s32 s20, s6;
	[sflag:s19] =	ssyncset.done $0x0  }
.Ltmp1:
0x57: {  	[sflag:s19] =	ssyncadd.s32 $0xFFFF2000;
	(pc) =	sbr.rel @p0 .LBB2_1-.Ltmp1, $4  }
0x58: {  	[hbm4b:s9+s2] =	stream.linear.scatter [tilespmem:s17], [sflag:$0x3], $0xE000, $0x38;
	[tilespmem:$0x1C380] =	vst v63  }
0x59: {  	_ =	swait.ge [sflag:s14], $0xE000  }
0x5a: {  	[sflag:s14] =	ssyncset.done $0x0  }
0x5b: {  	[sflag:s14] =	ssyncadd.s32 $0xFFFF2000  }
0x5c: {  	_ =	sfence.sel $0x180000  }
0x5d: {  	[bflag:$0x0] =	sbarrier.arrive $0xFFFF  }
0x5e: {  	p0 =	sne.s32 s1, $0x0;
	_ =	strace $0x9000004D  }
0x5f: {  	s0 =	sadd.s32 @!p0 $0x100000, s0;
	[bflag:$0x2] =	sbarrier.arrive $0xFFFF  }
0x60: {  	[sflag:s0] =	ssyncadd.tile.s32 @!p0 $0x1;
	_ =	shalt  }
.Lfunc_end2:
_tile_overlayer_lowered:
.L_overlay_start_2:
0x61: {  	(tag) =	ssettag $0x2  }
0x62: {  	s0 =	rddreg [dreg:$0x0];
	s2 =	stileid.u32  }
0x63: {  	s1 =	rddreg [dreg:$0x1];
	p0 =	sne.s32 s2, $0x0  }
0x64: {  	s3 =	rddreg [dreg:$0x2];
	[bflag:$0x3] =	sbarrier.arrive $0xFFFF;
	s2 =	simm.s32 @!p0 $0x1C03  }
0x65: {  	[timem:s3], [sflag:s2] =	dma.local @!p0 [hbm:s0], s1  }
0x66: {  	s0 =	simm.s32 @!p0 $0x3  }
0x67: {  	_ =	swait.ge @!p0 [sflag:s0], s1  }
0x68: {  	s1 =	ssub.s32 @!p0 $0x0, s1;
	[sflag:s0] =	ssyncset.done @!p0 $0x0  }
0x69: {  	[sflag:s0] =	ssyncadd.s32 @!p0 s1  }
0x6a: {  	[bflag:$0x3] =	sbarrier.arrive $0xFFFF  }
0x6b: {  	_ =	shalt  }

// kernel: kernel.35.cloned.1.call-start
scs
__scs_entry_jumppad:
0x0: {  	(pc) =	sbr.rel $0x88, $3  }
0x1: {  	(tag) =	ssettag $0x0;
	lr =	simm.s32 $0x1  }
0x2: {  	[smem:$0x3F91] =	sst lr;
	_ =	strace $0xD0000000  }
0x3: {  	_ = 	snop  }
0x4: {  	_ = 	snop  }
0x5: {  	_ = 	snop  }
0x6: {  	_ = 	snop  }
0x7: {  	_ = 	snop  }
__scs_overlays_trampoline_lowered:
0x8: {  	[smem:$0x3FA0] =	sst s0  }
0x9: {  	[smem:$0x3FA1] =	sst s1  }
0xa: {  	[smem:$0x3FA2] =	sst s2  }
0xb: {  	[smem:$0x3FA3] =	sst s3  }
0xc: {  	[smem:$0x3FA4] =	sst s4  }
0xd: {  	[smem:$0x3FA5] =	sst s5  }
0xe: {  	[smem:$0x3FA6] =	sst s6  }
0xf: {  	[smem:$0x3FA7] =	sst s7  }
0x10: {  	[smem:$0x3FA8] =	sst s8  }
0x11: {  	[smem:$0x3FA9] =	sst s9;
	s0 =	simm.s32 @!p0 $0x0  }
0x12: {  	s1 =	sld [smem:$0x3F8F];
	s0 =	simm.s32 @p0 $0x1  }
0x13: {  	[smem:$0x3FAA] =	sst s0;
	s0 =	simm.s32 @!p1 $0x0  }
0x14: {  	s2 =	sld [smem:$0x3F8E];
	s0 =	simm.s32 @p1 $0x1  }
0x15: {  	[smem:$0x3FAB] =	sst s0;
	s0 =	simm.s32 @!p2 $0x0  }
0x16: {  	s3 =	sld [smem:$0x3FDB];
	s0 =	simm.s32 @p2 $0x1  }
0x17: {  	s4 =	simm.s32 $0x1BF5;
	[smem:$0x3FAD] =	sst s0  }
0x18: {  	s0 =	sld [smem:$0x3F90];
	_ =	swait.ge [sflag:s4], $0x0  }
0x19: {  	s7 =	sld [smem:$0x3F91]  }
0x1a: {  	s8 =	sadd.s32 $0xFFFFE003, lr  }
0x1b: {  	s9 =	sadd.s32 $0xFFFFFEF7, lr;
	s5 =	simm.s32 $0xFFFFFFFF;
	p2 =	slt.u32 s8, $0xFFFFF086  }
0x1c: {  	p1 =	slt.u32 s9, $0xF7A;
	s5 =	simm.s32 @!p2 $0x0  }
0x1d: {  	s5 =	simm.s32 @p1 $0x1;
	p0 =	seq.s32 s7, s2  }
0x1e: {  	s7 =	smul.u32 @!p0 $0xF7A, s2;
	p2 =	seq.s32 @!p0 s5, $0x0  }
0x1f: {  	s9 =	smul.u32 $0xF7A, s1;
	s8 =	simm.s32 @!p0 $0x1BF5;
	p2 =	por !p2, p0  }
0x20: {  	[sflag:s8] =	ssyncset.s32 @!p0 $0xFFFFF086;
	s6 =	sadd.s32 @!p0 s3, s7;
	s7 =	simm.s32 @!p0 $0x108  }
0x21: {  	s3 =	sadd.s32 s3, s9;
	s6 =	sadd.s32 @!p0 $0x88, s6;
	s7 =	simm.s32 @p2 $0x1082  }
0x22: {  	[simem:s7], [sflag:s8] =	dma.local @!p0 [hbm:s6], $0xF7A  }
0x23: {  	s9 =	sor.u32 $0xD0000000, s2;
	s6 =	simm.s32 $0x108;
	_ =	swait.ge @!p0 [sflag:s8], $0x0  }
0x24: {  	s3 =	sadd.s32 $0x88, s3;
	s6 =	simm.s32 @!p1 $0x1082;
	[sflag:s4] =	ssyncset.s32 $0xFFFFF086  }
0x25: {  	[simem:s6], [sflag:s4] =	dma.local [hbm:s3], $0xF7A  }
0x26: {  	[smem:$0x3F91] =	sst s1;
	(tag) =	ssettag s2;
	_ =	strace s9  }
0x27: {  	s1 =	sld [smem:$0x3FA1]  }
0x28: {  	s2 =	sld [smem:$0x3FA2]  }
0x29: {  	s4 =	sld [smem:$0x3FA4]  }
0x2a: {  	p0 =	seq.s32 s5, $0x0;
	s5 =	sld [smem:$0x3FA5]  }
0x2b: {  	s6 =	sld [smem:$0x3FA6]  }
0x2c: {  	s7 =	sld [smem:$0x3FA7]  }
0x2d: {  	s3 =	simm.s32 $0x108;
	s8 =	sld [smem:$0x3FA8]  }
0x2e: {  	s3 =	simm.s32 @!p0 $0x1082;
	s9 =	sld [smem:$0x3FA9]  }
0x2f: {  	lr =	sadd.s32 s0, s3;
	s0 =	sld [smem:$0x3FA0]  }
0x30: {  	s3 =	sld [smem:$0x3FA3]  }
0x31: {  	[smem:$0x3FAC] =	sst s10  }
0x32: {  	s10 =	sld [smem:$0x3FAA];
	_ =	sdelay $0x3  }
0x33: {  	p0 =	seq.s32 s10, $0x1;
	s10 =	sld [smem:$0x3FAC];
	_ =	sdelay $0x3  }
0x34: {  	[smem:$0x3FAC] =	sst s10  }
0x35: {  	s10 =	sld [smem:$0x3FAB];
	_ =	sdelay $0x3  }
0x36: {  	p1 =	seq.s32 s10, $0x1;
	s10 =	sld [smem:$0x3FAC];
	_ =	sdelay $0x3  }
0x37: {  	[smem:$0x3FAC] =	sst s10  }
0x38: {  	s10 =	sld [smem:$0x3FAD]  }
0x39: {  	_ = 	snop;
	(pc) =	sbr.ind lr, $3  }
0x3a: {  	_ = 	snop  }
0x3b: {  	_ = 	snop  }
0x3c: {  	p2 =	seq.s32 s10, $0x1;
	s10 =	sld [smem:$0x3FAC]  }
0x3d: {  	_ =	shalt  }
0x3e: {  	_ =	shalt  }
0x3f: {  	_ =	shalt  }
0x40: {  	_ =	shalt  }
0x41: {  	_ =	shalt  }
0x42: {  	_ =	shalt  }
0x43: {  	_ =	shalt  }
0x44: {  	_ =	shalt  }
0x45: {  	_ =	shalt  }
0x46: {  	_ =	shalt  }
0x47: {  	_ =	shalt  }
0x48: {  	_ =	shalt  }
0x49: {  	_ =	shalt  }
0x4a: {  	_ =	shalt  }
0x4b: {  	_ =	shalt  }
0x4c: {  	_ =	shalt  }
0x4d: {  	_ =	shalt  }
0x4e: {  	_ =	shalt  }
0x4f: {  	_ =	shalt  }
0x50: {  	_ =	shalt  }
0x51: {  	_ =	shalt  }
0x52: {  	_ =	shalt  }
0x53: {  	_ =	shalt  }
0x54: {  	_ =	shalt  }
0x55: {  	_ =	shalt  }
0x56: {  	_ =	shalt  }
0x57: {  	_ =	shalt  }
0x58: {  	_ =	shalt  }
0x59: {  	_ =	shalt  }
0x5a: {  	_ =	shalt  }
0x5b: {  	_ =	shalt  }
0x5c: {  	_ =	shalt  }
0x5d: {  	_ =	shalt  }
0x5e: {  	_ =	shalt  }
0x5f: {  	_ =	shalt  }
0x60: {  	_ =	shalt  }
0x61: {  	_ =	shalt  }
0x62: {  	_ =	shalt  }
0x63: {  	_ =	shalt  }
0x64: {  	_ =	shalt  }
0x65: {  	_ =	shalt  }
0x66: {  	_ =	shalt  }
0x67: {  	_ =	shalt  }
0x68: {  	_ =	shalt  }
0x69: {  	_ =	shalt  }
0x6a: {  	_ =	shalt  }
0x6b: {  	_ =	shalt  }
0x6c: {  	_ =	shalt  }
0x6d: {  	_ =	shalt  }
0x6e: {  	_ =	shalt  }
0x6f: {  	_ =	shalt  }
0x70: {  	_ =	shalt  }
0x71: {  	_ =	shalt  }
0x72: {  	_ =	shalt  }
0x73: {  	_ =	shalt  }
0x74: {  	_ =	shalt  }
0x75: {  	_ =	shalt  }
0x76: {  	_ =	shalt  }
0x77: {  	_ =	shalt  }
0x78: {  	_ =	shalt  }
0x79: {  	_ =	shalt  }
0x7a: {  	_ =	shalt  }
0x7b: {  	_ =	shalt  }
0x7c: {  	_ =	shalt  }
0x7d: {  	_ =	shalt  }
0x7e: {  	_ =	shalt  }
0x7f: {  	_ =	shalt  }
0x80: {  	_ =	shalt  }
0x81: {  	_ =	shalt  }
0x82: {  	_ =	shalt  }
0x83: {  	_ =	shalt  }
0x84: {  	_ =	shalt  }
0x85: {  	_ =	shalt  }
0x86: {  	_ =	shalt  }
0x87: {  	_ =	shalt  }
.Lfunc_end0:
.L_simem_size_0:
called_computation.3_lowered:
.L_overlay_start_0:
0x88: {  	s2 =	sld [smem:$0x3FD9]  }
0x89: {  	s3 =	sld [smem:$0x3FFE];
	_ =	sdelay $0x1  }
0x8a: {  	s1 =	srdreg.scid  }
0x8b: {  	s0 =	sand.u32 $0x1, s1  }
0x8c: {  	s17 =	sshll.u32 s0, $0xA;
	s2 =	sadd.s32 s3, s2  }
0x8d: {  	s2 =	sadd.s32 s2, s17  }
0x8e: {  	[smem:$0x3FB8] =	sst s2  }
0x8f: {  	_ = 	snop  }
0x90: {  	(tm) =	ssettm $0x1  }
0x91: {  	s18 =	sld [smem:$0x3FFB];
	_ =	sdelay $0x3  }
0x92: {  	_ =	strace s18  }
0x93: {  	s2 =	sld [smem:$0x3FFC];
	_ =	sdelay $0x3  }
0x94: {  	_ =	strace s2  }
0x95: {  	s2 =	sld [smem:$0x3FFD];
	_ =	sdelay $0x3  }
0x96: {  	_ =	strace s2  }
0x97: {  	_ =	strace $0x8FFFFFFF  }
0x98: {  	s19 =	sld [smem:$0x3FDB];
	_ =	sdelay $0x1  }
0x99: {  	s20 =	simm.s32 $_scs_section_size  }
0x9a: {  	s4 =	simm.s32 $_size__tile_overlayer_lowered;
	s5 =	simm.s32 $_tile_overlayer_lowered  }
0x9b: {  	s6 =	simm.s32 $0x1BFF;
	s21 =	sshll.u32 s5, $0x1;
	s3 =	sadd.s32 s20, s19  }
0x9c: {  	s22 =	simm.s32 $0x0;
	s4 =	sshll.u32 s4, $0x1;
	s5 =	sadd.s32 s21, s3  }
0x9d: {  	[timem:s22], [sflag:s6] =	dma.local [hbm:s5], s4  }
0x9e: {  	_ =	swait.ge [sflag:s6], s4  }
0x9f: {  	s4 =	ssub.s32 $0x0, s4;
	[sflag:s6] =	ssyncset.done $0x0  }
0xa0: {  	[sflag:s6] =	ssyncadd.s32 s4;
	_ =	sdelay $0x1  }
0xa1: {  	s23 =	simm.s32 $0x1B8B  }
0xa2: {  	_ =	swait.ge [sflag:s23], $0x1  }
0xa3: {  	[sflag:s23] =	ssyncset.done $0x0  }
0xa4: {  	[sflag:s23] =	ssyncadd.s32 $0xFFFFFFFF  }
0xa5: {  	s4 =	sld [smem:$0x0]  }
0xa6: {  	s5 =	sand.u32 $0xFFFFFFFE, s1  }
0xa7: {  	p0 =	sne.s32 s1, s5  }
0xa8: {  	s5 =	sshll.u32 @p0 s5, $0xE  }
0xa9: {  	s5 =	sadd.s32 @p0 $0x11B8D, s5;
	s6 =	sshll.u32 @p0 s4, $0x11  }
0xaa: {  	s5 =	sor.u32 @p0 s6, s5  }
0xab: {  	[sflag:s5] =	ssyncadd.remote.s32 @p0 $0x1;
	_ =	sdelay $0x1  }
0xac: {  	s5 =	simm.s32 @p0 $0x1B8D  }
0xad: {  	_ =	swait.eq @p0 [sflag:s5], $0x1  }
0xae: {  	[sflag:s5] =	ssyncadd.s32 @p0 $0xFFFFFFFF  }
0xaf: {  	s6 =	sshll.u32 @!p0 s1, $0xE  }
0xb0: {  	s6 =	sor.u32 @!p0 $0x4000, s6;
	s5 =	simm.s32 @!p0 $0x1B8D  }
0xb1: {  	s4 =	sshll.u32 @!p0 s4, $0x11;
	s6 =	sadd.s32 @!p0 $0x11B8D, s6;
	_ =	swait.eq @!p0 [sflag:s5], $0x1  }
0xb2: {  	s4 =	sor.u32 @!p0 s4, s6;
	[sflag:s5] =	ssyncadd.s32 @!p0 $0xFFFFFFFF  }
0xb3: {  	s25 =	simm.s32 $0x1B8E;
	s24 =	sld [smem:$0x3FFE];
	[sflag:s4] =	ssyncadd.remote.s32 @!p0 $0x1  }
0xb4: {  	s26 =	simm.s32 $execute0_lowered;
	[smem:$0x3FD2] =	sst s25  }
0xb5: {  	s5 =	sshll.u32 s26, $0x1;
	_ =	strace $0x8000004F;
	[dreg:$0x1] =	wrdreg $0xFFFFFFFF  }
0xb6: {  	s28 =	simm.s32 $_size_execute0_lowered;
	s3 =	sadd.s32 s3, s5;
	[dreg:$0x0] =	wrdreg $0x0  }
0xb7: {  	s5 =	sshll.u32 s28, $0x1;
	[dreg:$0x2] =	wrdreg s3  }
0xb8: {  	[dreg:$0x3] =	wrdreg s5  }
0xb9: {  	[dreg:$0x4] =	wrdreg $0xC0  }
0xba: {  	_ =	task [dreg:s22], $0x5FFFF  }
0xbb: {  	[dreg:$0x1] =	wrdreg $0xFFFFFFFF  }
0xbc: {  	[dreg:$0x0] =	wrdreg $0x60  }
0xbd: {  	[dreg:$0x2] =	wrdreg s24  }
0xbe: {  	[dreg:$0x3] =	wrdreg $0xA  }
0xbf: {  	_ =	task.clear_ibuf [dreg:s22], $0x4FFFF;
	_ =	strace $0x9000004F  }
0xc0: {  	s29 =	simm.s32 $0xA;
	_ =	strace $0x80000051  }
0xc1: {  	_ =	swait.ge [sflag:s29], $0x1  }
0xc2: {  	[sflag:s29] =	ssyncadd.s32 $0xFFFFFFFF  }
0xc3: {  	_ =	strace $0x90000051  }
0xc4: {  	_ =	sfence  }
0xc5: {  	s30 =	sld [smem:$0x0];
	_ =	sdelay $0x2  }
0xc6: {  	s31 =	sshll.u32 s1, $0xD;
	s1 =	sshrl.u32 s1, $0x2  }
0xc7: {  	s4 =	sand.u32 $0x4000, s31;
	s1 =	sadd.s32 s1, s30  }
0xc8: {  	s0 =	sor.u32 s4, s0;
	s1 =	sshll.u32 s1, $0x11  }
0xc9: {  	s0 =	sor.u32 s1, s0  }
0xca: {  	s0 =	sadd.s32 $0x8F2B, s0  }
0xcb: {  	[sflag:s0] =	ssyncadd.remote.s32 $0x1  }
0xcc: {  	_ =	sfence.sel $0xFFFF  }
0xcd: {  	[dreg:$0x0] =	wrdreg $0xFFFFFFFF;
	(pc) =	sbr.abs _section_cstart, $3  }
0xce: {  	[dreg:$0x1] =	wrdreg $0xFFFFFFFF  }
0xcf: {  	_ =	task.clear_ibuf [dreg:s22], $0x2FFFF;
	_ =	strace $0x9FFFFFFF  }
0xd0: {  	(tm) =	ssettm $0x7FFFFFFF  }
0xd1: {  	_ =	shalt  }
tec
execute0_lowered:
.L_overlay_start_1:
0x0: {  	(tag) =	ssettag $0x1  }
0x1: {  	s5 =	rddreg [dreg:$0x0]  }
0x2: {  	s0 =	rddreg [dreg:$0x1];
	s2 =	simm.s32 $0x0  }
0x3: {  	s3 =	srdreg.scid;
	s1 =	stileid.u32;
	s16 =	simm.s32 $0x380  }
0x4: {  	s17 =	simm.s32 $0xE380;
	s18 =	simm.s32 $0x1;
	s19 =	simm.s32 $0x2  }
0x5: {  	s20 =	simm.s32 $0x0;
	[smem:$0x7FF] =	sst s2;
	s25 =	smul.u32 $0x62000, s1  }
0x6: {  	s9 =	sand.u32 $0x1, s3;
	s22 =	sshll.u32 s1, $0x1;
	s14 =	smul.u32 $0x6200, s1  }
0x7: {  	s3 =	sadd.s32 $0x25EA00, s5;
	s4 =	sadd.s32 $0x7000, s5;
	s28 =	smul.u32 $0x3100, s9  }
0x8: {  	s6 =	sor.u32 s9, s22;
	s23 =	ssub.s32 $0x2, s9;
	s15 =	smul.u32 $0x31000, s9  }
0x9: {  	s12 =	sadd.s32 $0x1AD3A00, s5;
	s7 =	smul.u32 $0x3100, s6;
	s8 =	sshrl.u32 s23, $0x1  }
0xa: {  	_ =	strace $0x80000050;
	s11 =	smul.u32 $0x31000, s6;
	s24 =	ssub.s32 s23, s8  }
0xb: {  	s10 =	sshrl.u32 s7, $0x3;
	s6 =	smax.u32 s24, $0x1;
	s13 =	sadd.s32 $0x2F40, s7  }
0xc: {  	s26 =	sadd.s32 s12, s11;
	s11 =	sadd.s32 s28, s14;
	s14 =	simm.s32 $0x3  }
0xd: {  	s5 =	sadd.s32 s4, s10;
	s7 =	sshrl.u32 s13, $0x3;
	s8 =	sadd.s32 $0x2D800, s26  }
0xe: {  	s29 =	sshll.u32 s13, $0x4;
	s10 =	sadd.s32 s25, s12;
	s30 =	sadd.s32 $0x1C0, s11  }
0xf: {  	s11 =	sadd.s32 $0x380, s11;
	s7 =	sadd.s32 s4, s7;
	s9 =	sadd.s32 s12, s29  }
0x10: {  	s10 =	sadd.s32 s15, s10;
	s31 =	sshll.u32 s30, $0x4;
	s13 =	sshrl.u32 s30, $0x3  }
0x11: {  	s15 =	simm.s32 $0x1C0;
	s12 =	sadd.s32 s31, s12;
	s13 =	sadd.s32 s13, s4  }
.LBB2_1:
0x12: {  	[tilespmem:s2], [sflag:$0x3] =	stream.linear.gather [hbm4b:s5+s2], $0x1C0, $0x38;
	[tilespmem:$0x1C380] =	vst v63  }
0x13: {  	_ =	swait.ge [sflag:s14], $0x1C0  }
0x14: {  	[sflag:s14] =	ssyncset.done $0x0  }
0x15: {  	[sflag:s14] =	ssyncadd.s32 $0xFFFFFE40  }
0x16: {  	[tilespmem:s16], [sflag:$0x1] =	stream.indirect.gather [hbm4b:s3+s15], $0x80, s2, s15, $0xb8;
	[tilespmem:$0x1C380] =	vst v63  }
0x17: {  	_ = 	snop  }
0x18: {  	[tilespmem:s15], [sflag:$0x3] =	stream.linear.gather [hbm4b:s13+s2], $0x1C0, $0x38;
	[tilespmem:$0x1C380] =	vst v63  }
0x19: {  	_ =	swait.ge [sflag:s14], $0x1C0  }
0x1a: {  	[sflag:s14] =	ssyncset.done $0x0  }
0x1b: {  	[sflag:s14] =	ssyncadd.s32 $0xFFFFFE40  }
0x1c: {  	[tilespmem:s17], [sflag:$0x2] =	stream.indirect.gather [hbm4b:s3+s15], $0x80, s15, s15, $0xb8;
	[tilespmem:$0x1C380] =	vst v63  }
0x1d: {  	_ =	swait.ge [sflag:s18], $0xE000  }
0x1e: {  	[sflag:s18] =	ssyncset.done $0x0  }
0x1f: {  	s21 =	sadd.s32 $0x0, s10;
	[sflag:s18] =	ssyncadd.s32 $0xFFFF2000  }
0x20: {  	[hbm4b:s21+s2] =	stream.linear.scatter [tilespmem:s16], [sflag:$0x3], $0xE000, $0x38;
	[tilespmem:$0x1C380] =	vst v63  }
0x21: {  	_ =	swait.ge [sflag:s14], $0xE000  }
0x22: {  	s30 =	sshrl.u32 s11, $0x3;
	[sflag:s14] =	ssyncset.done $0x0  }
0x23: {  	s21 =	sadd.s32 s4, s30;
	[sflag:s14] =	ssyncadd.s32 $0xFFFF2000  }
0x24: {  	[tilespmem:s2], [sflag:$0x3] =	stream.linear.gather [hbm4b:s21+s2], $0x1C0, $0x38;
	[tilespmem:$0x1C380] =	vst v63  }
0x25: {  	_ =	swait.ge [sflag:s14], $0x1C0  }
0x26: {  	[sflag:s14] =	ssyncset.done $0x0  }
0x27: {  	[sflag:s14] =	ssyncadd.s32 $0xFFFFFE40  }
0x28: {  	[tilespmem:s16], [sflag:$0x1] =	stream.indirect.gather [hbm4b:s3+s15], $0x80, s2, s15, $0xb8;
	[tilespmem:$0x1C380] =	vst v63  }
0x29: {  	_ =	swait.ge [sflag:s19], $0xE000  }
0x2a: {  	[sflag:s19] =	ssyncset.done $0x0  }
0x2b: {  	s31 =	sadd.s32 $0x0, s12;
	[sflag:s19] =	ssyncadd.s32 $0xFFFF2000  }
0x2c: {  	[hbm4b:s31+s2] =	stream.linear.scatter [tilespmem:s17], [sflag:$0x3], $0xE000, $0x38;
	[tilespmem:$0x1C380] =	vst v63  }
0x2d: {  	s22 =	smov.u32 s11;
	_ =	swait.ge [sflag:s14], $0xE000  }
0x2e: {  	s23 =	smov.u32 s13;
	s21 =	simm.s32 $0x3800;
	[sflag:s14] =	ssyncset.done $0x0  }
.LBB2_2:
0x2f: {  	[sflag:s14] =	ssyncadd.s32 $0xFFFF2000  }
0x30: {  	s22 =	sadd.s32 $0x380, s22;
	s23 =	sadd.s32 $0x70, s23;
	s24 =	smov.u32 s21  }
0x31: {  	[tilespmem:s15], [sflag:$0x3] =	stream.linear.gather [hbm4b:s23+s2], $0x1C0, $0x38;
	[tilespmem:$0x1C380] =	vst v63  }
0x32: {  	p0 =	sne.s32 s21, $0x2A000;
	s21 =	sadd.s32 $0x3800, s21;
	_ =	swait.ge [sflag:s14], $0x1C0  }
0x33: {  	[sflag:s14] =	ssyncset.done $0x0  }
0x34: {  	[sflag:s14] =	ssyncadd.s32 $0xFFFFFE40  }
0x35: {  	[tilespmem:s17], [sflag:$0x2] =	stream.indirect.gather [hbm4b:s3+s15], $0x80, s15, s15, $0xb8;
	[tilespmem:$0x1C380] =	vst v63  }
0x36: {  	_ =	swait.ge [sflag:s18], $0xE000  }
0x37: {  	[sflag:s18] =	ssyncset.done $0x0  }
0x38: {  	s25 =	sadd.s32 s24, s10;
	[sflag:s18] =	ssyncadd.s32 $0xFFFF2000  }
0x39: {  	[hbm4b:s25+s2] =	stream.linear.scatter [tilespmem:s16], [sflag:$0x3], $0xE000, $0x38;
	[tilespmem:$0x1C380] =	vst v63  }
0x3a: {  	_ =	swait.ge [sflag:s14], $0xE000  }
0x3b: {  	s25 =	sshrl.u32 s22, $0x3;
	[sflag:s14] =	ssyncset.done $0x0  }
0x3c: {  	s25 =	sadd.s32 s4, s25;
	[sflag:s14] =	ssyncadd.s32 $0xFFFF2000  }
0x3d: {  	[tilespmem:s2], [sflag:$0x3] =	stream.linear.gather [hbm4b:s25+s2], $0x1C0, $0x38;
	[tilespmem:$0x1C380] =	vst v63  }
0x3e: {  	_ =	swait.ge [sflag:s14], $0x1C0  }
0x3f: {  	[sflag:s14] =	ssyncset.done $0x0  }
0x40: {  	[sflag:s14] =	ssyncadd.s32 $0xFFFFFE40  }
0x41: {  	[tilespmem:s16], [sflag:$0x1] =	stream.indirect.gather [hbm4b:s3+s15], $0x80, s2, s15, $0xb8;
	[tilespmem:$0x1C380] =	vst v63  }
0x42: {  	_ =	swait.ge [sflag:s19], $0xE000  }
.Ltmp0:
0x43: {  	[sflag:s19] =	ssyncset.done $0x0;
	(pc) =	sbr.rel @p0 .LBB2_2-.Ltmp0, $4  }
0x44: {  	s24 =	sadd.s32 s24, s12;
	[sflag:s19] =	ssyncadd.s32 $0xFFFF2000  }
0x45: {  	[hbm4b:s24+s2] =	stream.linear.scatter [tilespmem:s17], [sflag:$0x3], $0xE000, $0x38;
	[tilespmem:$0x1C380] =	vst v63  }
0x46: {  	_ =	swait.ge [sflag:s14], $0xE000  }
0x47: {  	[sflag:s14] =	ssyncset.done $0x0  }
0x48: {  	[sflag:s14] =	ssyncadd.s32 $0xFFFF2000  }
0x49: {  	[tilespmem:s15], [sflag:$0x3] =	stream.linear.gather [hbm4b:s7+s2], $0x1C0, $0x38;
	[tilespmem:$0x1C380] =	vst v63  }
0x4a: {  	_ =	swait.ge [sflag:s14], $0x1C0  }
0x4b: {  	[sflag:s14] =	ssyncset.done $0x0  }
0x4c: {  	[sflag:s14] =	ssyncadd.s32 $0xFFFFFE40  }
0x4d: {  	[tilespmem:s17], [sflag:$0x2] =	stream.indirect.gather [hbm4b:s3+s15], $0x80, s15, s15, $0xb8;
	[tilespmem:$0x1C380] =	vst v63  }
0x4e: {  	_ =	swait.ge [sflag:s18], $0xE000  }
0x4f: {  	[sflag:s18] =	ssyncset.done $0x0  }
0x50: {  	[sflag:s18] =	ssyncadd.s32 $0xFFFF2000  }
0x51: {  	[hbm4b:s8+s2] =	stream.linear.scatter [tilespmem:s16], [sflag:$0x3], $0xE000, $0x38;
	[tilespmem:$0x1C380] =	vst v63  }
0x52: {  	_ =	swait.ge [sflag:s14], $0xE000  }
0x53: {  	[sflag:s14] =	ssyncset.done $0x0  }
0x54: {  	[sflag:s14] =	ssyncadd.s32 $0xFFFF2000  }
0x55: {  	s20 =	sadd.s32 $0x1, s20;
	_ =	swait.ge [sflag:s19], $0xE000  }
0x56: {  	p0 =	sne.s32 s20, s6;
	[sflag:s19] =	ssyncset.done $0x0  }
.Ltmp1:
0x57: {  	[sflag:s19] =	ssyncadd.s32 $0xFFFF2000;
	(pc) =	sbr.rel @p0 .LBB2_1-.Ltmp1, $4  }
0x58: {  	[hbm4b:s9+s2] =	stream.linear.scatter [tilespmem:s17], [sflag:$0x3], $0xE000, $0x38;
	[tilespmem:$0x1C380] =	vst v63  }
0x59: {  	_ =	swait.ge [sflag:s14], $0xE000  }
0x5a: {  	[sflag:s14] =	ssyncset.done $0x0  }
0x5b: {  	[sflag:s14] =	ssyncadd.s32 $0xFFFF2000  }
0x5c: {  	_ =	sfence.sel $0x180000  }
0x5d: {  	[bflag:$0x0] =	sbarrier.arrive $0xFFFF  }
0x5e: {  	p0 =	sne.s32 s1, $0x0;
	_ =	strace $0x90000050  }
0x5f: {  	s0 =	sadd.s32 @!p0 $0x100000, s0;
	[bflag:$0x2] =	sbarrier.arrive $0xFFFF  }
0x60: {  	[sflag:s0] =	ssyncadd.tile.s32 @!p0 $0x1;
	_ =	shalt  }
.Lfunc_end2:
_tile_overlayer_lowered:
.L_overlay_start_2:
0x61: {  	(tag) =	ssettag $0x2  }
0x62: {  	s0 =	rddreg [dreg:$0x0];
	s2 =	stileid.u32  }
0x63: {  	s1 =	rddreg [dreg:$0x1];
	p0 =	sne.s32 s2, $0x0  }
0x64: {  	s3 =	rddreg [dreg:$0x2];
	[bflag:$0x3] =	sbarrier.arrive $0xFFFF;
	s2 =	simm.s32 @!p0 $0x1C03  }
0x65: {  	[timem:s3], [sflag:s2] =	dma.local @!p0 [hbm:s0], s1  }
0x66: {  	s0 =	simm.s32 @!p0 $0x3  }
0x67: {  	_ =	swait.ge @!p0 [sflag:s0], s1  }
0x68: {  	s1 =	ssub.s32 @!p0 $0x0, s1;
	[sflag:s0] =	ssyncset.done @!p0 $0x0  }
0x69: {  	[sflag:s0] =	ssyncadd.s32 @!p0 s1  }
0x6a: {  	[bflag:$0x3] =	sbarrier.arrive $0xFFFF  }
0x6b: {  	_ =	shalt  }

// kernel: kernel.38.cloned.1.call-start
scs
__scs_entry_jumppad:
0x0: {  	(pc) =	sbr.rel $0x88, $3  }
0x1: {  	(tag) =	ssettag $0x0;
	lr =	simm.s32 $0x1  }
0x2: {  	[smem:$0x3F91] =	sst lr;
	_ =	strace $0xD0000000  }
0x3: {  	_ = 	snop  }
0x4: {  	_ = 	snop  }
0x5: {  	_ = 	snop  }
0x6: {  	_ = 	snop  }
0x7: {  	_ = 	snop  }
__scs_overlays_trampoline_lowered:
0x8: {  	[smem:$0x3FA0] =	sst s0  }
0x9: {  	[smem:$0x3FA1] =	sst s1  }
0xa: {  	[smem:$0x3FA2] =	sst s2  }
0xb: {  	[smem:$0x3FA3] =	sst s3  }
0xc: {  	[smem:$0x3FA4] =	sst s4  }
0xd: {  	[smem:$0x3FA5] =	sst s5  }
0xe: {  	[smem:$0x3FA6] =	sst s6  }
0xf: {  	[smem:$0x3FA7] =	sst s7  }
0x10: {  	[smem:$0x3FA8] =	sst s8  }
0x11: {  	[smem:$0x3FA9] =	sst s9;
	s0 =	simm.s32 @!p0 $0x0  }
0x12: {  	s1 =	sld [smem:$0x3F8F];
	s0 =	simm.s32 @p0 $0x1  }
0x13: {  	[smem:$0x3FAA] =	sst s0;
	s0 =	simm.s32 @!p1 $0x0  }
0x14: {  	s2 =	sld [smem:$0x3F8E];
	s0 =	simm.s32 @p1 $0x1  }
0x15: {  	[smem:$0x3FAB] =	sst s0;
	s0 =	simm.s32 @!p2 $0x0  }
0x16: {  	s3 =	sld [smem:$0x3FDB];
	s0 =	simm.s32 @p2 $0x1  }
0x17: {  	s4 =	simm.s32 $0x1BF5;
	[smem:$0x3FAD] =	sst s0  }
0x18: {  	s0 =	sld [smem:$0x3F90];
	_ =	swait.ge [sflag:s4], $0x0  }
0x19: {  	s7 =	sld [smem:$0x3F91]  }
0x1a: {  	s8 =	sadd.s32 $0xFFFFE003, lr  }
0x1b: {  	s9 =	sadd.s32 $0xFFFFFEF7, lr;
	s5 =	simm.s32 $0xFFFFFFFF;
	p2 =	slt.u32 s8, $0xFFFFF086  }
0x1c: {  	p1 =	slt.u32 s9, $0xF7A;
	s5 =	simm.s32 @!p2 $0x0  }
0x1d: {  	s5 =	simm.s32 @p1 $0x1;
	p0 =	seq.s32 s7, s2  }
0x1e: {  	s7 =	smul.u32 @!p0 $0xF7A, s2;
	p2 =	seq.s32 @!p0 s5, $0x0  }
0x1f: {  	s9 =	smul.u32 $0xF7A, s1;
	s8 =	simm.s32 @!p0 $0x1BF5;
	p2 =	por !p2, p0  }
0x20: {  	[sflag:s8] =	ssyncset.s32 @!p0 $0xFFFFF086;
	s6 =	sadd.s32 @!p0 s3, s7;
	s7 =	simm.s32 @!p0 $0x108  }
0x21: {  	s3 =	sadd.s32 s3, s9;
	s6 =	sadd.s32 @!p0 $0x88, s6;
	s7 =	simm.s32 @p2 $0x1082  }
0x22: {  	[simem:s7], [sflag:s8] =	dma.local @!p0 [hbm:s6], $0xF7A  }
0x23: {  	s9 =	sor.u32 $0xD0000000, s2;
	s6 =	simm.s32 $0x108;
	_ =	swait.ge @!p0 [sflag:s8], $0x0  }
0x24: {  	s3 =	sadd.s32 $0x88, s3;
	s6 =	simm.s32 @!p1 $0x1082;
	[sflag:s4] =	ssyncset.s32 $0xFFFFF086  }
0x25: {  	[simem:s6], [sflag:s4] =	dma.local [hbm:s3], $0xF7A  }
0x26: {  	[smem:$0x3F91] =	sst s1;
	(tag) =	ssettag s2;
	_ =	strace s9  }
0x27: {  	s1 =	sld [smem:$0x3FA1]  }
0x28: {  	s2 =	sld [smem:$0x3FA2]  }
0x29: {  	s4 =	sld [smem:$0x3FA4]  }
0x2a: {  	p0 =	seq.s32 s5, $0x0;
	s5 =	sld [smem:$0x3FA5]  }
0x2b: {  	s6 =	sld [smem:$0x3FA6]  }
0x2c: {  	s7 =	sld [smem:$0x3FA7]  }
0x2d: {  	s3 =	simm.s32 $0x108;
	s8 =	sld [smem:$0x3FA8]  }
0x2e: {  	s3 =	simm.s32 @!p0 $0x1082;
	s9 =	sld [smem:$0x3FA9]  }
0x2f: {  	lr =	sadd.s32 s0, s3;
	s0 =	sld [smem:$0x3FA0]  }
0x30: {  	s3 =	sld [smem:$0x3FA3]  }
0x31: {  	[smem:$0x3FAC] =	sst s10  }
0x32: {  	s10 =	sld [smem:$0x3FAA];
	_ =	sdelay $0x3  }
0x33: {  	p0 =	seq.s32 s10, $0x1;
	s10 =	sld [smem:$0x3FAC];
	_ =	sdelay $0x3  }
0x34: {  	[smem:$0x3FAC] =	sst s10  }
0x35: {  	s10 =	sld [smem:$0x3FAB];
	_ =	sdelay $0x3  }
0x36: {  	p1 =	seq.s32 s10, $0x1;
	s10 =	sld [smem:$0x3FAC];
	_ =	sdelay $0x3  }
0x37: {  	[smem:$0x3FAC] =	sst s10  }
0x38: {  	s10 =	sld [smem:$0x3FAD]  }
0x39: {  	_ = 	snop;
	(pc) =	sbr.ind lr, $3  }
0x3a: {  	_ = 	snop  }
0x3b: {  	_ = 	snop  }
0x3c: {  	p2 =	seq.s32 s10, $0x1;
	s10 =	sld [smem:$0x3FAC]  }
0x3d: {  	_ =	shalt  }
0x3e: {  	_ =	shalt  }
0x3f: {  	_ =	shalt  }
0x40: {  	_ =	shalt  }
0x41: {  	_ =	shalt  }
0x42: {  	_ =	shalt  }
0x43: {  	_ =	shalt  }
0x44: {  	_ =	shalt  }
0x45: {  	_ =	shalt  }
0x46: {  	_ =	shalt  }
0x47: {  	_ =	shalt  }
0x48: {  	_ =	shalt  }
0x49: {  	_ =	shalt  }
0x4a: {  	_ =	shalt  }
0x4b: {  	_ =	shalt  }
0x4c: {  	_ =	shalt  }
0x4d: {  	_ =	shalt  }
0x4e: {  	_ =	shalt  }
0x4f: {  	_ =	shalt  }
0x50: {  	_ =	shalt  }
0x51: {  	_ =	shalt  }
0x52: {  	_ =	shalt  }
0x53: {  	_ =	shalt  }
0x54: {  	_ =	shalt  }
0x55: {  	_ =	shalt  }
0x56: {  	_ =	shalt  }
0x57: {  	_ =	shalt  }
0x58: {  	_ =	shalt  }
0x59: {  	_ =	shalt  }
0x5a: {  	_ =	shalt  }
0x5b: {  	_ =	shalt  }
0x5c: {  	_ =	shalt  }
0x5d: {  	_ =	shalt  }
0x5e: {  	_ =	shalt  }
0x5f: {  	_ =	shalt  }
0x60: {  	_ =	shalt  }
0x61: {  	_ =	shalt  }
0x62: {  	_ =	shalt  }
0x63: {  	_ =	shalt  }
0x64: {  	_ =	shalt  }
0x65: {  	_ =	shalt  }
0x66: {  	_ =	shalt  }
0x67: {  	_ =	shalt  }
0x68: {  	_ =	shalt  }
0x69: {  	_ =	shalt  }
0x6a: {  	_ =	shalt  }
0x6b: {  	_ =	shalt  }
0x6c: {  	_ =	shalt  }
0x6d: {  	_ =	shalt  }
0x6e: {  	_ =	shalt  }
0x6f: {  	_ =	shalt  }
0x70: {  	_ =	shalt  }
0x71: {  	_ =	shalt  }
0x72: {  	_ =	shalt  }
0x73: {  	_ =	shalt  }
0x74: {  	_ =	shalt  }
0x75: {  	_ =	shalt  }
0x76: {  	_ =	shalt  }
0x77: {  	_ =	shalt  }
0x78: {  	_ =	shalt  }
0x79: {  	_ =	shalt  }
0x7a: {  	_ =	shalt  }
0x7b: {  	_ =	shalt  }
0x7c: {  	_ =	shalt  }
0x7d: {  	_ =	shalt  }
0x7e: {  	_ =	shalt  }
0x7f: {  	_ =	shalt  }
0x80: {  	_ =	shalt  }
0x81: {  	_ =	shalt  }
0x82: {  	_ =	shalt  }
0x83: {  	_ =	shalt  }
0x84: {  	_ =	shalt  }
0x85: {  	_ =	shalt  }
0x86: {  	_ =	shalt  }
0x87: {  	_ =	shalt  }
.Lfunc_end0:
.L_simem_size_0:
called_computation.4_lowered:
.L_overlay_start_0:
0x88: {  	s2 =	sld [smem:$0x3FD9]  }
0x89: {  	s3 =	sld [smem:$0x3FFE];
	_ =	sdelay $0x1  }
0x8a: {  	s1 =	srdreg.scid  }
0x8b: {  	s0 =	sand.u32 $0x1, s1  }
0x8c: {  	s16 =	sshll.u32 s0, $0xA;
	s2 =	sadd.s32 s3, s2  }
0x8d: {  	s2 =	sadd.s32 s2, s16  }
0x8e: {  	[smem:$0x3FB8] =	sst s2  }
0x8f: {  	_ = 	snop  }
0x90: {  	(tm) =	ssettm $0x1  }
0x91: {  	s17 =	sld [smem:$0x3FFB];
	_ =	sdelay $0x3  }
0x92: {  	_ =	strace s17  }
0x93: {  	s2 =	sld [smem:$0x3FFC];
	_ =	sdelay $0x3  }
0x94: {  	_ =	strace s2  }
0x95: {  	s2 =	sld [smem:$0x3FFD];
	_ =	sdelay $0x3  }
0x96: {  	_ =	strace s2  }
0x97: {  	_ =	strace $0x8FFFFFFF  }
0x98: {  	s18 =	sld [smem:$0x3FDB];
	_ =	sdelay $0x1  }
0x99: {  	s19 =	simm.s32 $_scs_section_size  }
0x9a: {  	s4 =	simm.s32 $_size__tile_overlayer_lowered;
	s5 =	simm.s32 $_tile_overlayer_lowered  }
0x9b: {  	s22 =	simm.s32 $0x1BFF;
	s21 =	sshll.u32 s5, $0x1;
	s2 =	sadd.s32 s19, s18  }
0x9c: {  	s6 =	simm.s32 $0x0;
	s20 =	sshll.u32 s4, $0x1;
	s4 =	sadd.s32 s21, s2  }
0x9d: {  	[timem:s6], [sflag:s22] =	dma.local [hbm:s4], s20  }
0x9e: {  	_ =	swait.ge [sflag:s22], s20  }
0x9f: {  	s3 =	ssub.s32 $0x0, s20;
	[sflag:s22] =	ssyncset.done $0x0  }
0xa0: {  	[sflag:s22] =	ssyncadd.s32 s3;
	_ =	sdelay $0x1  }
0xa1: {  	s23 =	simm.s32 $0x1B8B  }
0xa2: {  	_ =	swait.ge [sflag:s23], $0x1  }
0xa3: {  	[sflag:s23] =	ssyncset.done $0x0  }
0xa4: {  	s25 =	simm.s32 $0x1B8E;
	s24 =	sld [smem:$0x3FFE];
	[sflag:s23] =	ssyncadd.s32 $0xFFFFFFFF  }
0xa5: {  	s26 =	simm.s32 $execute0_lowered;
	[smem:$0x3FD2] =	sst s25  }
0xa6: {  	s4 =	sshll.u32 s26, $0x1;
	_ =	strace $0x80000052;
	[dreg:$0x1] =	wrdreg $0xFFFFFFFF  }
0xa7: {  	s28 =	simm.s32 $_size_execute0_lowered;
	s2 =	sadd.s32 s2, s4;
	[dreg:$0x0] =	wrdreg $0x0  }
0xa8: {  	s4 =	sshll.u32 s28, $0x1;
	[dreg:$0x2] =	wrdreg s2  }
0xa9: {  	[dreg:$0x3] =	wrdreg s4  }
0xaa: {  	[dreg:$0x4] =	wrdreg $0xC0  }
0xab: {  	_ =	task [dreg:s6], $0x5FFFF  }
0xac: {  	[dreg:$0x1] =	wrdreg $0xFFFFFFFF  }
0xad: {  	[dreg:$0x0] =	wrdreg $0x60  }
0xae: {  	[dreg:$0x2] =	wrdreg s24  }
0xaf: {  	[dreg:$0x3] =	wrdreg $0x9  }
0xb0: {  	_ =	task.clear_ibuf [dreg:s6], $0x4FFFF;
	_ =	strace $0x90000052  }
0xb1: {  	s29 =	simm.s32 $0x9;
	_ =	strace $0x80000054  }
0xb2: {  	_ =	swait.ge [sflag:s29], $0x1  }
0xb3: {  	[sflag:s29] =	ssyncadd.s32 $0xFFFFFFFF  }
0xb4: {  	_ =	strace $0x90000054  }
0xb5: {  	_ =	sfence  }
0xb6: {  	s30 =	sld [smem:$0x0];
	_ =	sdelay $0x2  }
0xb7: {  	s31 =	sshll.u32 s1, $0xD;
	s1 =	sshrl.u32 s1, $0x2  }
0xb8: {  	s3 =	sand.u32 $0x4000, s31;
	s1 =	sadd.s32 s1, s30  }
0xb9: {  	s0 =	sor.u32 s3, s0;
	s1 =	sshll.u32 s1, $0x11  }
0xba: {  	s0 =	sor.u32 s1, s0  }
0xbb: {  	s0 =	sadd.s32 $0x8F2B, s0  }
0xbc: {  	[sflag:s0] =	ssyncadd.remote.s32 $0x1  }
0xbd: {  	_ =	sfence.sel $0xFFFF  }
0xbe: {  	[dreg:$0x0] =	wrdreg $0xFFFFFFFF;
	(pc) =	sbr.abs _section_cstart, $3  }
0xbf: {  	[dreg:$0x1] =	wrdreg $0xFFFFFFFF  }
0xc0: {  	_ =	task.clear_ibuf [dreg:s6], $0x2FFFF;
	_ =	strace $0x9FFFFFFF  }
0xc1: {  	(tm) =	ssettm $0x7FFFFFFF  }
tec
execute0_lowered:
.L_overlay_start_1:
0x0: {  	(tag) =	ssettag $0x1  }
0x1: {  	s5 =	rddreg [dreg:$0x0]  }
0x2: {  	s0 =	rddreg [dreg:$0x1];
	s2 =	simm.s32 $0x0  }
0x3: {  	s3 =	srdreg.scid;
	s1 =	stileid.u32;
	s16 =	simm.s32 $0x380  }
0x4: {  	s17 =	simm.s32 $0xE380;
	s18 =	simm.s32 $0x1;
	s19 =	simm.s32 $0x2  }
0x5: {  	s20 =	simm.s32 $0x0;
	[smem:$0x7FF] =	sst s2;
	s25 =	smul.u32 $0x62000, s1  }
0x6: {  	s9 =	sand.u32 $0x1, s3;
	s22 =	sshll.u32 s1, $0x1;
	s14 =	smul.u32 $0x6200, s1  }
0x7: {  	s3 =	sadd.s32 $0x19B400, s5;
	s4 =	sadd.s32 $0xCBA00, s5;
	s28 =	smul.u32 $0x3100, s9  }
0x8: {  	s6 =	sor.u32 s9, s22;
	s23 =	ssub.s32 $0x2, s9;
	s15 =	smul.u32 $0x31000, s9  }
0x9: {  	s12 =	sadd.s32 $0x322000, s5;
	s7 =	smul.u32 $0x3100, s6;
	s8 =	sshrl.u32 s23, $0x1  }
0xa: {  	_ =	strace $0x80000053;
	s11 =	smul.u32 $0x31000, s6;
	s24 =	ssub.s32 s23, s8  }
0xb: {  	s10 =	sshrl.u32 s7, $0x3;
	s6 =	smax.u32 s24, $0x1;
	s13 =	sadd.s32 $0x2F40, s7  }
0xc: {  	s26 =	sadd.s32 s12, s11;
	s11 =	sadd.s32 s28, s14;
	s14 =	simm.s32 $0x3  }
0xd: {  	s5 =	sadd.s32 s4, s10;
	s7 =	sshrl.u32 s13, $0x3;
	s8 =	sadd.s32 $0x2D800, s26  }
0xe: {  	s29 =	sshll.u32 s13, $0x4;
	s10 =	sadd.s32 s25, s12;
	s30 =	sadd.s32 $0x1C0, s11  }
0xf: {  	s11 =	sadd.s32 $0x380, s11;
	s7 =	sadd.s32 s4, s7;
	s9 =	sadd.s32 s12, s29  }
0x10: {  	s10 =	sadd.s32 s15, s10;
	s31 =	sshll.u32 s30, $0x4;
	s13 =	sshrl.u32 s30, $0x3  }
0x11: {  	s15 =	simm.s32 $0x1C0;
	s12 =	sadd.s32 s31, s12;
	s13 =	sadd.s32 s13, s4  }
.LBB2_1:
0x12: {  	[tilespmem:s2], [sflag:$0x3] =	stream.linear.gather [hbm4b:s5+s2], $0x1C0, $0x38;
	[tilespmem:$0x1C380] =	vst v63  }
0x13: {  	_ =	swait.ge [sflag:s14], $0x1C0  }
0x14: {  	[sflag:s14] =	ssyncset.done $0x0  }
0x15: {  	[sflag:s14] =	ssyncadd.s32 $0xFFFFFE40  }
0x16: {  	[tilespmem:s16], [sflag:$0x1] =	stream.indirect.gather [hbm4b:s3+s15], $0x80, s2, s15, $0xb8;
	[tilespmem:$0x1C380] =	vst v63  }
0x17: {  	_ = 	snop  }
0x18: {  	[tilespmem:s15], [sflag:$0x3] =	stream.linear.gather [hbm4b:s13+s2], $0x1C0, $0x38;
	[tilespmem:$0x1C380] =	vst v63  }
0x19: {  	_ =	swait.ge [sflag:s14], $0x1C0  }
0x1a: {  	[sflag:s14] =	ssyncset.done $0x0  }
0x1b: {  	[sflag:s14] =	ssyncadd.s32 $0xFFFFFE40  }
0x1c: {  	[tilespmem:s17], [sflag:$0x2] =	stream.indirect.gather [hbm4b:s3+s15], $0x80, s15, s15, $0xb8;
	[tilespmem:$0x1C380] =	vst v63  }
0x1d: {  	_ =	swait.ge [sflag:s18], $0xE000  }
0x1e: {  	[sflag:s18] =	ssyncset.done $0x0  }
0x1f: {  	s21 =	sadd.s32 $0x0, s10;
	[sflag:s18] =	ssyncadd.s32 $0xFFFF2000  }
0x20: {  	[hbm4b:s21+s2] =	stream.linear.scatter [tilespmem:s16], [sflag:$0x3], $0xE000, $0x38;
	[tilespmem:$0x1C380] =	vst v63  }
0x21: {  	_ =	swait.ge [sflag:s14], $0xE000  }
0x22: {  	s30 =	sshrl.u32 s11, $0x3;
	[sflag:s14] =	ssyncset.done $0x0  }
0x23: {  	s21 =	sadd.s32 s4, s30;
	[sflag:s14] =	ssyncadd.s32 $0xFFFF2000  }
0x24: {  	[tilespmem:s2], [sflag:$0x3] =	stream.linear.gather [hbm4b:s21+s2], $0x1C0, $0x38;
	[tilespmem:$0x1C380] =	vst v63  }
0x25: {  	_ =	swait.ge [sflag:s14], $0x1C0  }
0x26: {  	[sflag:s14] =	ssyncset.done $0x0  }
0x27: {  	[sflag:s14] =	ssyncadd.s32 $0xFFFFFE40  }
0x28: {  	[tilespmem:s16], [sflag:$0x1] =	stream.indirect.gather [hbm4b:s3+s15], $0x80, s2, s15, $0xb8;
	[tilespmem:$0x1C380] =	vst v63  }
0x29: {  	_ =	swait.ge [sflag:s19], $0xE000  }
0x2a: {  	[sflag:s19] =	ssyncset.done $0x0  }
0x2b: {  	s31 =	sadd.s32 $0x0, s12;
	[sflag:s19] =	ssyncadd.s32 $0xFFFF2000  }
0x2c: {  	[hbm4b:s31+s2] =	stream.linear.scatter [tilespmem:s17], [sflag:$0x3], $0xE000, $0x38;
	[tilespmem:$0x1C380] =	vst v63  }
0x2d: {  	s22 =	smov.u32 s11;
	_ =	swait.ge [sflag:s14], $0xE000  }
0x2e: {  	s23 =	smov.u32 s13;
	s21 =	simm.s32 $0x3800;
	[sflag:s14] =	ssyncset.done $0x0  }
.LBB2_2:
0x2f: {  	[sflag:s14] =	ssyncadd.s32 $0xFFFF2000  }
0x30: {  	s22 =	sadd.s32 $0x380, s22;
	s23 =	sadd.s32 $0x70, s23;
	s24 =	smov.u32 s21  }
0x31: {  	[tilespmem:s15], [sflag:$0x3] =	stream.linear.gather [hbm4b:s23+s2], $0x1C0, $0x38;
	[tilespmem:$0x1C380] =	vst v63  }
0x32: {  	p0 =	sne.s32 s21, $0x2A000;
	s21 =	sadd.s32 $0x3800, s21;
	_ =	swait.ge [sflag:s14], $0x1C0  }
0x33: {  	[sflag:s14] =	ssyncset.done $0x0  }
0x34: {  	[sflag:s14] =	ssyncadd.s32 $0xFFFFFE40  }
0x35: {  	[tilespmem:s17], [sflag:$0x2] =	stream.indirect.gather [hbm4b:s3+s15], $0x80, s15, s15, $0xb8;
	[tilespmem:$0x1C380] =	vst v63  }
0x36: {  	_ =	swait.ge [sflag:s18], $0xE000  }
0x37: {  	[sflag:s18] =	ssyncset.done $0x0  }
0x38: {  	s25 =	sadd.s32 s24, s10;
	[sflag:s18] =	ssyncadd.s32 $0xFFFF2000  }
0x39: {  	[hbm4b:s25+s2] =	stream.linear.scatter [tilespmem:s16], [sflag:$0x3], $0xE000, $0x38;
	[tilespmem:$0x1C380] =	vst v63  }
0x3a: {  	_ =	swait.ge [sflag:s14], $0xE000  }
0x3b: {  	s25 =	sshrl.u32 s22, $0x3;
	[sflag:s14] =	ssyncset.done $0x0  }
0x3c: {  	s25 =	sadd.s32 s4, s25;
	[sflag:s14] =	ssyncadd.s32 $0xFFFF2000  }
0x3d: {  	[tilespmem:s2], [sflag:$0x3] =	stream.linear.gather [hbm4b:s25+s2], $0x1C0, $0x38;
	[tilespmem:$0x1C380] =	vst v63  }
0x3e: {  	_ =	swait.ge [sflag:s14], $0x1C0  }
0x3f: {  	[sflag:s14] =	ssyncset.done $0x0  }
0x40: {  	[sflag:s14] =	ssyncadd.s32 $0xFFFFFE40  }
0x41: {  	[tilespmem:s16], [sflag:$0x1] =	stream.indirect.gather [hbm4b:s3+s15], $0x80, s2, s15, $0xb8;
	[tilespmem:$0x1C380] =	vst v63  }
0x42: {  	_ =	swait.ge [sflag:s19], $0xE000  }
.Ltmp0:
0x43: {  	[sflag:s19] =	ssyncset.done $0x0;
	(pc) =	sbr.rel @p0 .LBB2_2-.Ltmp0, $4  }
0x44: {  	s24 =	sadd.s32 s24, s12;
	[sflag:s19] =	ssyncadd.s32 $0xFFFF2000  }
0x45: {  	[hbm4b:s24+s2] =	stream.linear.scatter [tilespmem:s17], [sflag:$0x3], $0xE000, $0x38;
	[tilespmem:$0x1C380] =	vst v63  }
0x46: {  	_ =	swait.ge [sflag:s14], $0xE000  }
0x47: {  	[sflag:s14] =	ssyncset.done $0x0  }
0x48: {  	[sflag:s14] =	ssyncadd.s32 $0xFFFF2000  }
0x49: {  	[tilespmem:s15], [sflag:$0x3] =	stream.linear.gather [hbm4b:s7+s2], $0x1C0, $0x38;
	[tilespmem:$0x1C380] =	vst v63  }
0x4a: {  	_ =	swait.ge [sflag:s14], $0x1C0  }
0x4b: {  	[sflag:s14] =	ssyncset.done $0x0  }
0x4c: {  	[sflag:s14] =	ssyncadd.s32 $0xFFFFFE40  }
0x4d: {  	[tilespmem:s17], [sflag:$0x2] =	stream.indirect.gather [hbm4b:s3+s15], $0x80, s15, s15, $0xb8;
	[tilespmem:$0x1C380] =	vst v63  }
0x4e: {  	_ =	swait.ge [sflag:s18], $0xE000  }
0x4f: {  	[sflag:s18] =	ssyncset.done $0x0  }
0x50: {  	[sflag:s18] =	ssyncadd.s32 $0xFFFF2000  }
0x51: {  	[hbm4b:s8+s2] =	stream.linear.scatter [tilespmem:s16], [sflag:$0x3], $0xE000, $0x38;
	[tilespmem:$0x1C380] =	vst v63  }
0x52: {  	_ =	swait.ge [sflag:s14], $0xE000  }
0x53: {  	[sflag:s14] =	ssyncset.done $0x0  }
0x54: {  	[sflag:s14] =	ssyncadd.s32 $0xFFFF2000  }
0x55: {  	s20 =	sadd.s32 $0x1, s20;
	_ =	swait.ge [sflag:s19], $0xE000  }
0x56: {  	p0 =	sne.s32 s20, s6;
	[sflag:s19] =	ssyncset.done $0x0  }
.Ltmp1:
0x57: {  	[sflag:s19] =	ssyncadd.s32 $0xFFFF2000;
	(pc) =	sbr.rel @p0 .LBB2_1-.Ltmp1, $4  }
0x58: {  	[hbm4b:s9+s2] =	stream.linear.scatter [tilespmem:s17], [sflag:$0x3], $0xE000, $0x38;
	[tilespmem:$0x1C380] =	vst v63  }
0x59: {  	_ =	swait.ge [sflag:s14], $0xE000  }
0x5a: {  	[sflag:s14] =	ssyncset.done $0x0  }
0x5b: {  	[sflag:s14] =	ssyncadd.s32 $0xFFFF2000  }
0x5c: {  	_ =	sfence.sel $0x180000  }
0x5d: {  	[bflag:$0x0] =	sbarrier.arrive $0xFFFF  }
0x5e: {  	p0 =	sne.s32 s1, $0x0;
	_ =	strace $0x90000053  }
0x5f: {  	s0 =	sadd.s32 @!p0 $0x100000, s0;
	[bflag:$0x2] =	sbarrier.arrive $0xFFFF  }
0x60: {  	[sflag:s0] =	ssyncadd.tile.s32 @!p0 $0x1;
	_ =	shalt  }
.Lfunc_end2:
_tile_overlayer_lowered:
.L_overlay_start_2:
0x61: {  	(tag) =	ssettag $0x2  }
0x62: {  	s0 =	rddreg [dreg:$0x0];
	s2 =	stileid.u32  }
0x63: {  	s1 =	rddreg [dreg:$0x1];
	p0 =	sne.s32 s2, $0x0  }
0x64: {  	s3 =	rddreg [dreg:$0x2];
	[bflag:$0x3] =	sbarrier.arrive $0xFFFF;
	s2 =	simm.s32 @!p0 $0x1C03  }
0x65: {  	[timem:s3], [sflag:s2] =	dma.local @!p0 [hbm:s0], s1  }
0x66: {  	s0 =	simm.s32 @!p0 $0x3  }
0x67: {  	_ =	swait.ge @!p0 [sflag:s0], s1  }
0x68: {  	s1 =	ssub.s32 @!p0 $0x0, s1;
	[sflag:s0] =	ssyncset.done @!p0 $0x0  }
0x69: {  	[sflag:s0] =	ssyncadd.s32 @!p0 s1  }
0x6a: {  	[bflag:$0x3] =	sbarrier.arrive $0xFFFF  }
0x6b: {  	_ =	shalt  }

// kernel: kernel.41.cloned.1.call-start
scs
__scs_entry_jumppad:
0x0: {  	(pc) =	sbr.rel $0x88, $3  }
0x1: {  	(tag) =	ssettag $0x0;
	lr =	simm.s32 $0x1  }
0x2: {  	[smem:$0x3F91] =	sst lr;
	_ =	strace $0xD0000000  }
0x3: {  	_ = 	snop  }
0x4: {  	_ = 	snop  }
0x5: {  	_ = 	snop  }
0x6: {  	_ = 	snop  }
0x7: {  	_ = 	snop  }
__scs_overlays_trampoline_lowered:
0x8: {  	[smem:$0x3FA0] =	sst s0  }
0x9: {  	[smem:$0x3FA1] =	sst s1  }
0xa: {  	[smem:$0x3FA2] =	sst s2  }
0xb: {  	[smem:$0x3FA3] =	sst s3  }
0xc: {  	[smem:$0x3FA4] =	sst s4  }
0xd: {  	[smem:$0x3FA5] =	sst s5  }
0xe: {  	[smem:$0x3FA6] =	sst s6  }
0xf: {  	[smem:$0x3FA7] =	sst s7  }
0x10: {  	[smem:$0x3FA8] =	sst s8  }
0x11: {  	[smem:$0x3FA9] =	sst s9;
	s0 =	simm.s32 @!p0 $0x0  }
0x12: {  	s1 =	sld [smem:$0x3F8F];
	s0 =	simm.s32 @p0 $0x1  }
0x13: {  	[smem:$0x3FAA] =	sst s0;
	s0 =	simm.s32 @!p1 $0x0  }
0x14: {  	s2 =	sld [smem:$0x3F8E];
	s0 =	simm.s32 @p1 $0x1  }
0x15: {  	[smem:$0x3FAB] =	sst s0;
	s0 =	simm.s32 @!p2 $0x0  }
0x16: {  	s3 =	sld [smem:$0x3FDB];
	s0 =	simm.s32 @p2 $0x1  }
0x17: {  	s4 =	simm.s32 $0x1BF5;
	[smem:$0x3FAD] =	sst s0  }
0x18: {  	s0 =	sld [smem:$0x3F90];
	_ =	swait.ge [sflag:s4], $0x0  }
0x19: {  	s7 =	sld [smem:$0x3F91]  }
0x1a: {  	s8 =	sadd.s32 $0xFFFFE003, lr  }
0x1b: {  	s9 =	sadd.s32 $0xFFFFFEF7, lr;
	s5 =	simm.s32 $0xFFFFFFFF;
	p2 =	slt.u32 s8, $0xFFFFF086  }
0x1c: {  	p1 =	slt.u32 s9, $0xF7A;
	s5 =	simm.s32 @!p2 $0x0  }
0x1d: {  	s5 =	simm.s32 @p1 $0x1;
	p0 =	seq.s32 s7, s2  }
0x1e: {  	s7 =	smul.u32 @!p0 $0xF7A, s2;
	p2 =	seq.s32 @!p0 s5, $0x0  }
0x1f: {  	s9 =	smul.u32 $0xF7A, s1;
	s8 =	simm.s32 @!p0 $0x1BF5;
	p2 =	por !p2, p0  }
0x20: {  	[sflag:s8] =	ssyncset.s32 @!p0 $0xFFFFF086;
	s6 =	sadd.s32 @!p0 s3, s7;
	s7 =	simm.s32 @!p0 $0x108  }
0x21: {  	s3 =	sadd.s32 s3, s9;
	s6 =	sadd.s32 @!p0 $0x88, s6;
	s7 =	simm.s32 @p2 $0x1082  }
0x22: {  	[simem:s7], [sflag:s8] =	dma.local @!p0 [hbm:s6], $0xF7A  }
0x23: {  	s9 =	sor.u32 $0xD0000000, s2;
	s6 =	simm.s32 $0x108;
	_ =	swait.ge @!p0 [sflag:s8], $0x0  }
0x24: {  	s3 =	sadd.s32 $0x88, s3;
	s6 =	simm.s32 @!p1 $0x1082;
	[sflag:s4] =	ssyncset.s32 $0xFFFFF086  }
0x25: {  	[simem:s6], [sflag:s4] =	dma.local [hbm:s3], $0xF7A  }
0x26: {  	[smem:$0x3F91] =	sst s1;
	(tag) =	ssettag s2;
	_ =	strace s9  }
0x27: {  	s1 =	sld [smem:$0x3FA1]  }
0x28: {  	s2 =	sld [smem:$0x3FA2]  }
0x29: {  	s4 =	sld [smem:$0x3FA4]  }
0x2a: {  	p0 =	seq.s32 s5, $0x0;
	s5 =	sld [smem:$0x3FA5]  }
0x2b: {  	s6 =	sld [smem:$0x3FA6]  }
0x2c: {  	s7 =	sld [smem:$0x3FA7]  }
0x2d: {  	s3 =	simm.s32 $0x108;
	s8 =	sld [smem:$0x3FA8]  }
0x2e: {  	s3 =	simm.s32 @!p0 $0x1082;
	s9 =	sld [smem:$0x3FA9]  }
0x2f: {  	lr =	sadd.s32 s0, s3;
	s0 =	sld [smem:$0x3FA0]  }
0x30: {  	s3 =	sld [smem:$0x3FA3]  }
0x31: {  	[smem:$0x3FAC] =	sst s10  }
0x32: {  	s10 =	sld [smem:$0x3FAA];
	_ =	sdelay $0x3  }
0x33: {  	p0 =	seq.s32 s10, $0x1;
	s10 =	sld [smem:$0x3FAC];
	_ =	sdelay $0x3  }
0x34: {  	[smem:$0x3FAC] =	sst s10  }
0x35: {  	s10 =	sld [smem:$0x3FAB];
	_ =	sdelay $0x3  }
0x36: {  	p1 =	seq.s32 s10, $0x1;
	s10 =	sld [smem:$0x3FAC];
	_ =	sdelay $0x3  }
0x37: {  	[smem:$0x3FAC] =	sst s10  }
0x38: {  	s10 =	sld [smem:$0x3FAD]  }
0x39: {  	_ = 	snop;
	(pc) =	sbr.ind lr, $3  }
0x3a: {  	_ = 	snop  }
0x3b: {  	_ = 	snop  }
0x3c: {  	p2 =	seq.s32 s10, $0x1;
	s10 =	sld [smem:$0x3FAC]  }
0x3d: {  	_ =	shalt  }
0x3e: {  	_ =	shalt  }
0x3f: {  	_ =	shalt  }
0x40: {  	_ =	shalt  }
0x41: {  	_ =	shalt  }
0x42: {  	_ =	shalt  }
0x43: {  	_ =	shalt  }
0x44: {  	_ =	shalt  }
0x45: {  	_ =	shalt  }
0x46: {  	_ =	shalt  }
0x47: {  	_ =	shalt  }
0x48: {  	_ =	shalt  }
0x49: {  	_ =	shalt  }
0x4a: {  	_ =	shalt  }
0x4b: {  	_ =	shalt  }
0x4c: {  	_ =	shalt  }
0x4d: {  	_ =	shalt  }
0x4e: {  	_ =	shalt  }
0x4f: {  	_ =	shalt  }
0x50: {  	_ =	shalt  }
0x51: {  	_ =	shalt  }
0x52: {  	_ =	shalt  }
0x53: {  	_ =	shalt  }
0x54: {  	_ =	shalt  }
0x55: {  	_ =	shalt  }
0x56: {  	_ =	shalt  }
0x57: {  	_ =	shalt  }
0x58: {  	_ =	shalt  }
0x59: {  	_ =	shalt  }
0x5a: {  	_ =	shalt  }
0x5b: {  	_ =	shalt  }
0x5c: {  	_ =	shalt  }
0x5d: {  	_ =	shalt  }
0x5e: {  	_ =	shalt  }
0x5f: {  	_ =	shalt  }
0x60: {  	_ =	shalt  }
0x61: {  	_ =	shalt  }
0x62: {  	_ =	shalt  }
0x63: {  	_ =	shalt  }
0x64: {  	_ =	shalt  }
0x65: {  	_ =	shalt  }
0x66: {  	_ =	shalt  }
0x67: {  	_ =	shalt  }
0x68: {  	_ =	shalt  }
0x69: {  	_ =	shalt  }
0x6a: {  	_ =	shalt  }
0x6b: {  	_ =	shalt  }
0x6c: {  	_ =	shalt  }
0x6d: {  	_ =	shalt  }
0x6e: {  	_ =	shalt  }
0x6f: {  	_ =	shalt  }
0x70: {  	_ =	shalt  }
0x71: {  	_ =	shalt  }
0x72: {  	_ =	shalt  }
0x73: {  	_ =	shalt  }
0x74: {  	_ =	shalt  }
0x75: {  	_ =	shalt  }
0x76: {  	_ =	shalt  }
0x77: {  	_ =	shalt  }
0x78: {  	_ =	shalt  }
0x79: {  	_ =	shalt  }
0x7a: {  	_ =	shalt  }
0x7b: {  	_ =	shalt  }
0x7c: {  	_ =	shalt  }
0x7d: {  	_ =	shalt  }
0x7e: {  	_ =	shalt  }
0x7f: {  	_ =	shalt  }
0x80: {  	_ =	shalt  }
0x81: {  	_ =	shalt  }
0x82: {  	_ =	shalt  }
0x83: {  	_ =	shalt  }
0x84: {  	_ =	shalt  }
0x85: {  	_ =	shalt  }
0x86: {  	_ =	shalt  }
0x87: {  	_ =	shalt  }
.Lfunc_end0:
.L_simem_size_0:
called_computation.5_lowered:
.L_overlay_start_0:
0x88: {  	s2 =	sld [smem:$0x3FD9]  }
0x89: {  	s3 =	sld [smem:$0x3FFE];
	_ =	sdelay $0x1  }
0x8a: {  	s1 =	srdreg.scid  }
0x8b: {  	s0 =	sand.u32 $0x1, s1  }
0x8c: {  	s17 =	sshll.u32 s0, $0xA;
	s2 =	sadd.s32 s3, s2  }
0x8d: {  	s2 =	sadd.s32 s2, s17  }
0x8e: {  	[smem:$0x3FB8] =	sst s2  }
0x8f: {  	_ = 	snop  }
0x90: {  	(tm) =	ssettm $0x1  }
0x91: {  	s18 =	sld [smem:$0x3FFB];
	_ =	sdelay $0x3  }
0x92: {  	_ =	strace s18  }
0x93: {  	s2 =	sld [smem:$0x3FFC];
	_ =	sdelay $0x3  }
0x94: {  	_ =	strace s2  }
0x95: {  	s2 =	sld [smem:$0x3FFD];
	_ =	sdelay $0x3  }
0x96: {  	_ =	strace s2  }
0x97: {  	_ =	strace $0x8FFFFFFF  }
0x98: {  	s19 =	sld [smem:$0x3FDB];
	_ =	sdelay $0x1  }
0x99: {  	s20 =	simm.s32 $_scs_section_size  }
0x9a: {  	s4 =	simm.s32 $_size__tile_overlayer_lowered;
	s5 =	simm.s32 $_tile_overlayer_lowered  }
0x9b: {  	s6 =	simm.s32 $0x1BFF;
	s21 =	sshll.u32 s5, $0x1;
	s3 =	sadd.s32 s20, s19  }
0x9c: {  	s22 =	simm.s32 $0x0;
	s4 =	sshll.u32 s4, $0x1;
	s5 =	sadd.s32 s21, s3  }
0x9d: {  	[timem:s22], [sflag:s6] =	dma.local [hbm:s5], s4  }
0x9e: {  	_ =	swait.ge [sflag:s6], s4  }
0x9f: {  	s4 =	ssub.s32 $0x0, s4;
	[sflag:s6] =	ssyncset.done $0x0  }
0xa0: {  	[sflag:s6] =	ssyncadd.s32 s4;
	_ =	sdelay $0x1  }
0xa1: {  	s23 =	simm.s32 $0x1B8B  }
0xa2: {  	_ =	swait.ge [sflag:s23], $0x1  }
0xa3: {  	[sflag:s23] =	ssyncset.done $0x0  }
0xa4: {  	[sflag:s23] =	ssyncadd.s32 $0xFFFFFFFF  }
0xa5: {  	s4 =	sld [smem:$0x0]  }
0xa6: {  	s5 =	sand.u32 $0xFFFFFFFE, s1  }
0xa7: {  	p0 =	sne.s32 s1, s5  }
0xa8: {  	s5 =	sshll.u32 @p0 s5, $0xE  }
0xa9: {  	s5 =	sadd.s32 @p0 $0x11B8D, s5;
	s6 =	sshll.u32 @p0 s4, $0x11  }
0xaa: {  	s5 =	sor.u32 @p0 s6, s5  }
0xab: {  	[sflag:s5] =	ssyncadd.remote.s32 @p0 $0x1;
	_ =	sdelay $0x1  }
0xac: {  	s5 =	simm.s32 @p0 $0x1B8D  }
0xad: {  	_ =	swait.eq @p0 [sflag:s5], $0x1  }
0xae: {  	[sflag:s5] =	ssyncadd.s32 @p0 $0xFFFFFFFF  }
0xaf: {  	s6 =	sshll.u32 @!p0 s1, $0xE  }
0xb0: {  	s6 =	sor.u32 @!p0 $0x4000, s6;
	s5 =	simm.s32 @!p0 $0x1B8D  }
0xb1: {  	s4 =	sshll.u32 @!p0 s4, $0x11;
	s6 =	sadd.s32 @!p0 $0x11B8D, s6;
	_ =	swait.eq @!p0 [sflag:s5], $0x1  }
0xb2: {  	s4 =	sor.u32 @!p0 s4, s6;
	[sflag:s5] =	ssyncadd.s32 @!p0 $0xFFFFFFFF  }
0xb3: {  	s25 =	simm.s32 $0x1B8E;
	s24 =	sld [smem:$0x3FFE];
	[sflag:s4] =	ssyncadd.remote.s32 @!p0 $0x1  }
0xb4: {  	s26 =	simm.s32 $execute0_lowered;
	[smem:$0x3FD2] =	sst s25  }
0xb5: {  	s5 =	sshll.u32 s26, $0x1;
	_ =	strace $0x80000055;
	[dreg:$0x1] =	wrdreg $0xFFFFFFFF  }
0xb6: {  	s28 =	simm.s32 $_size_execute0_lowered;
	s3 =	sadd.s32 s3, s5;
	[dreg:$0x0] =	wrdreg $0x0  }
0xb7: {  	s5 =	sshll.u32 s28, $0x1;
	[dreg:$0x2] =	wrdreg s3  }
0xb8: {  	[dreg:$0x3] =	wrdreg s5  }
0xb9: {  	[dreg:$0x4] =	wrdreg $0xC0  }
0xba: {  	_ =	task [dreg:s22], $0x5FFFF  }
0xbb: {  	[dreg:$0x1] =	wrdreg $0xFFFFFFFF  }
0xbc: {  	[dreg:$0x0] =	wrdreg $0x60  }
0xbd: {  	[dreg:$0x2] =	wrdreg s24  }
0xbe: {  	[dreg:$0x3] =	wrdreg $0xA  }
0xbf: {  	_ =	task.clear_ibuf [dreg:s22], $0x4FFFF;
	_ =	strace $0x90000055  }
0xc0: {  	s29 =	simm.s32 $0xA;
	_ =	strace $0x80000057  }
0xc1: {  	_ =	swait.ge [sflag:s29], $0x1  }
0xc2: {  	[sflag:s29] =	ssyncadd.s32 $0xFFFFFFFF  }
0xc3: {  	_ =	strace $0x90000057  }
0xc4: {  	_ =	sfence  }
0xc5: {  	s30 =	sld [smem:$0x0];
	_ =	sdelay $0x2  }
0xc6: {  	s31 =	sshll.u32 s1, $0xD;
	s1 =	sshrl.u32 s1, $0x2  }
0xc7: {  	s4 =	sand.u32 $0x4000, s31;
	s1 =	sadd.s32 s1, s30  }
0xc8: {  	s0 =	sor.u32 s4, s0;
	s1 =	sshll.u32 s1, $0x11  }
0xc9: {  	s0 =	sor.u32 s1, s0  }
0xca: {  	s0 =	sadd.s32 $0x8F2B, s0  }
0xcb: {  	[sflag:s0] =	ssyncadd.remote.s32 $0x1  }
0xcc: {  	_ =	sfence.sel $0xFFFF  }
0xcd: {  	[dreg:$0x0] =	wrdreg $0xFFFFFFFF;
	(pc) =	sbr.abs _section_cstart, $3  }
0xce: {  	[dreg:$0x1] =	wrdreg $0xFFFFFFFF  }
0xcf: {  	_ =	task.clear_ibuf [dreg:s22], $0x2FFFF;
	_ =	strace $0x9FFFFFFF  }
0xd0: {  	(tm) =	ssettm $0x7FFFFFFF  }
0xd1: {  	_ =	shalt  }
tec
execute0_lowered:
.L_overlay_start_1:
0x0: {  	(tag) =	ssettag $0x1  }
0x1: {  	s5 =	rddreg [dreg:$0x0]  }
0x2: {  	s0 =	rddreg [dreg:$0x1];
	s2 =	simm.s32 $0x0  }
0x3: {  	s3 =	srdreg.scid;
	s1 =	stileid.u32;
	s16 =	simm.s32 $0x380  }
0x4: {  	s17 =	simm.s32 $0xE380;
	s18 =	simm.s32 $0x1;
	s19 =	simm.s32 $0x2  }
0x5: {  	s20 =	simm.s32 $0x0;
	[smem:$0x7FF] =	sst s2;
	s25 =	smul.u32 $0x62000, s1  }
0x6: {  	s9 =	sand.u32 $0x1, s3;
	s22 =	sshll.u32 s1, $0x1;
	s14 =	smul.u32 $0x6200, s1  }
0x7: {  	s3 =	sadd.s32 $0x19B400, s5;
	s4 =	sadd.s32 $0x7000, s5;
	s28 =	smul.u32 $0x3100, s9  }
0x8: {  	s6 =	sor.u32 s9, s22;
	s23 =	ssub.s32 $0x2, s9;
	s15 =	smul.u32 $0x31000, s9  }
0x9: {  	s12 =	sadd.s32 $0x1AD3A00, s5;
	s7 =	smul.u32 $0x3100, s6;
	s8 =	sshrl.u32 s23, $0x1  }
0xa: {  	_ =	strace $0x80000056;
	s11 =	smul.u32 $0x31000, s6;
	s24 =	ssub.s32 s23, s8  }
0xb: {  	s10 =	sshrl.u32 s7, $0x3;
	s6 =	smax.u32 s24, $0x1;
	s13 =	sadd.s32 $0x2F40, s7  }
0xc: {  	s26 =	sadd.s32 s12, s11;
	s11 =	sadd.s32 s28, s14;
	s14 =	simm.s32 $0x3  }
0xd: {  	s5 =	sadd.s32 s4, s10;
	s7 =	sshrl.u32 s13, $0x3;
	s8 =	sadd.s32 $0x2D800, s26  }
0xe: {  	s29 =	sshll.u32 s13, $0x4;
	s10 =	sadd.s32 s25, s12;
	s30 =	sadd.s32 $0x1C0, s11  }
0xf: {  	s11 =	sadd.s32 $0x380, s11;
	s7 =	sadd.s32 s4, s7;
	s9 =	sadd.s32 s12, s29  }
0x10: {  	s10 =	sadd.s32 s15, s10;
	s31 =	sshll.u32 s30, $0x4;
	s13 =	sshrl.u32 s30, $0x3  }
0x11: {  	s15 =	simm.s32 $0x1C0;
	s12 =	sadd.s32 s31, s12;
	s13 =	sadd.s32 s13, s4  }
.LBB2_1:
0x12: {  	[tilespmem:s2], [sflag:$0x3] =	stream.linear.gather [hbm4b:s5+s2], $0x1C0, $0x38;
	[tilespmem:$0x1C380] =	vst v63  }
0x13: {  	_ =	swait.ge [sflag:s14], $0x1C0  }
0x14: {  	[sflag:s14] =	ssyncset.done $0x0  }
0x15: {  	[sflag:s14] =	ssyncadd.s32 $0xFFFFFE40  }
0x16: {  	[tilespmem:s16], [sflag:$0x1] =	stream.indirect.gather [hbm4b:s3+s15], $0x80, s2, s15, $0xb8;
	[tilespmem:$0x1C380] =	vst v63  }
0x17: {  	_ = 	snop  }
0x18: {  	[tilespmem:s15], [sflag:$0x3] =	stream.linear.gather [hbm4b:s13+s2], $0x1C0, $0x38;
	[tilespmem:$0x1C380] =	vst v63  }
0x19: {  	_ =	swait.ge [sflag:s14], $0x1C0  }
0x1a: {  	[sflag:s14] =	ssyncset.done $0x0  }
0x1b: {  	[sflag:s14] =	ssyncadd.s32 $0xFFFFFE40  }
0x1c: {  	[tilespmem:s17], [sflag:$0x2] =	stream.indirect.gather [hbm4b:s3+s15], $0x80, s15, s15, $0xb8;
	[tilespmem:$0x1C380] =	vst v63  }
0x1d: {  	_ =	swait.ge [sflag:s18], $0xE000  }
0x1e: {  	[sflag:s18] =	ssyncset.done $0x0  }
0x1f: {  	s21 =	sadd.s32 $0x0, s10;
	[sflag:s18] =	ssyncadd.s32 $0xFFFF2000  }
0x20: {  	[hbm4b:s21+s2] =	stream.linear.scatter [tilespmem:s16], [sflag:$0x3], $0xE000, $0x38;
	[tilespmem:$0x1C380] =	vst v63  }
0x21: {  	_ =	swait.ge [sflag:s14], $0xE000  }
0x22: {  	s30 =	sshrl.u32 s11, $0x3;
	[sflag:s14] =	ssyncset.done $0x0  }
0x23: {  	s21 =	sadd.s32 s4, s30;
	[sflag:s14] =	ssyncadd.s32 $0xFFFF2000  }
0x24: {  	[tilespmem:s2], [sflag:$0x3] =	stream.linear.gather [hbm4b:s21+s2], $0x1C0, $0x38;
	[tilespmem:$0x1C380] =	vst v63  }
0x25: {  	_ =	swait.ge [sflag:s14], $0x1C0  }
0x26: {  	[sflag:s14] =	ssyncset.done $0x0  }
0x27: {  	[sflag:s14] =	ssyncadd.s32 $0xFFFFFE40  }
0x28: {  	[tilespmem:s16], [sflag:$0x1] =	stream.indirect.gather [hbm4b:s3+s15], $0x80, s2, s15, $0xb8;
	[tilespmem:$0x1C380] =	vst v63  }
0x29: {  	_ =	swait.ge [sflag:s19], $0xE000  }
0x2a: {  	[sflag:s19] =	ssyncset.done $0x0  }
0x2b: {  	s31 =	sadd.s32 $0x0, s12;
	[sflag:s19] =	ssyncadd.s32 $0xFFFF2000  }
0x2c: {  	[hbm4b:s31+s2] =	stream.linear.scatter [tilespmem:s17], [sflag:$0x3], $0xE000, $0x38;
	[tilespmem:$0x1C380] =	vst v63  }
0x2d: {  	s22 =	smov.u32 s11;
	_ =	swait.ge [sflag:s14], $0xE000  }
0x2e: {  	s23 =	smov.u32 s13;
	s21 =	simm.s32 $0x3800;
	[sflag:s14] =	ssyncset.done $0x0  }
.LBB2_2:
0x2f: {  	[sflag:s14] =	ssyncadd.s32 $0xFFFF2000  }
0x30: {  	s22 =	sadd.s32 $0x380, s22;
	s23 =	sadd.s32 $0x70, s23;
	s24 =	smov.u32 s21  }
0x31: {  	[tilespmem:s15], [sflag:$0x3] =	stream.linear.gather [hbm4b:s23+s2], $0x1C0, $0x38;
	[tilespmem:$0x1C380] =	vst v63  }
0x32: {  	p0 =	sne.s32 s21, $0x2A000;
	s21 =	sadd.s32 $0x3800, s21;
	_ =	swait.ge [sflag:s14], $0x1C0  }
0x33: {  	[sflag:s14] =	ssyncset.done $0x0  }
0x34: {  	[sflag:s14] =	ssyncadd.s32 $0xFFFFFE40  }
0x35: {  	[tilespmem:s17], [sflag:$0x2] =	stream.indirect.gather [hbm4b:s3+s15], $0x80, s15, s15, $0xb8;
	[tilespmem:$0x1C380] =	vst v63  }
0x36: {  	_ =	swait.ge [sflag:s18], $0xE000  }
0x37: {  	[sflag:s18] =	ssyncset.done $0x0  }
0x38: {  	s25 =	sadd.s32 s24, s10;
	[sflag:s18] =	ssyncadd.s32 $0xFFFF2000  }
0x39: {  	[hbm4b:s25+s2] =	stream.linear.scatter [tilespmem:s16], [sflag:$0x3], $0xE000, $0x38;
	[tilespmem:$0x1C380] =	vst v63  }
0x3a: {  	_ =	swait.ge [sflag:s14], $0xE000  }
0x3b: {  	s25 =	sshrl.u32 s22, $0x3;
	[sflag:s14] =	ssyncset.done $0x0  }
0x3c: {  	s25 =	sadd.s32 s4, s25;
	[sflag:s14] =	ssyncadd.s32 $0xFFFF2000  }
0x3d: {  	[tilespmem:s2], [sflag:$0x3] =	stream.linear.gather [hbm4b:s25+s2], $0x1C0, $0x38;
	[tilespmem:$0x1C380] =	vst v63  }
0x3e: {  	_ =	swait.ge [sflag:s14], $0x1C0  }
0x3f: {  	[sflag:s14] =	ssyncset.done $0x0  }
0x40: {  	[sflag:s14] =	ssyncadd.s32 $0xFFFFFE40  }
0x41: {  	[tilespmem:s16], [sflag:$0x1] =	stream.indirect.gather [hbm4b:s3+s15], $0x80, s2, s15, $0xb8;
	[tilespmem:$0x1C380] =	vst v63  }
0x42: {  	_ =	swait.ge [sflag:s19], $0xE000  }
.Ltmp0:
0x43: {  	[sflag:s19] =	ssyncset.done $0x0;
	(pc) =	sbr.rel @p0 .LBB2_2-.Ltmp0, $4  }
0x44: {  	s24 =	sadd.s32 s24, s12;
	[sflag:s19] =	ssyncadd.s32 $0xFFFF2000  }
0x45: {  	[hbm4b:s24+s2] =	stream.linear.scatter [tilespmem:s17], [sflag:$0x3], $0xE000, $0x38;
	[tilespmem:$0x1C380] =	vst v63  }
0x46: {  	_ =	swait.ge [sflag:s14], $0xE000  }
0x47: {  	[sflag:s14] =	ssyncset.done $0x0  }
0x48: {  	[sflag:s14] =	ssyncadd.s32 $0xFFFF2000  }
0x49: {  	[tilespmem:s15], [sflag:$0x3] =	stream.linear.gather [hbm4b:s7+s2], $0x1C0, $0x38;
	[tilespmem:$0x1C380] =	vst v63  }
0x4a: {  	_ =	swait.ge [sflag:s14], $0x1C0  }
0x4b: {  	[sflag:s14] =	ssyncset.done $0x0  }
0x4c: {  	[sflag:s14] =	ssyncadd.s32 $0xFFFFFE40  }
0x4d: {  	[tilespmem:s17], [sflag:$0x2] =	stream.indirect.gather [hbm4b:s3+s15], $0x80, s15, s15, $0xb8;
	[tilespmem:$0x1C380] =	vst v63  }
0x4e: {  	_ =	swait.ge [sflag:s18], $0xE000  }
0x4f: {  	[sflag:s18] =	ssyncset.done $0x0  }
0x50: {  	[sflag:s18] =	ssyncadd.s32 $0xFFFF2000  }
0x51: {  	[hbm4b:s8+s2] =	stream.linear.scatter [tilespmem:s16], [sflag:$0x3], $0xE000, $0x38;
	[tilespmem:$0x1C380] =	vst v63  }
0x52: {  	_ =	swait.ge [sflag:s14], $0xE000  }
0x53: {  	[sflag:s14] =	ssyncset.done $0x0  }
0x54: {  	[sflag:s14] =	ssyncadd.s32 $0xFFFF2000  }
0x55: {  	s20 =	sadd.s32 $0x1, s20;
	_ =	swait.ge [sflag:s19], $0xE000  }
0x56: {  	p0 =	sne.s32 s20, s6;
	[sflag:s19] =	ssyncset.done $0x0  }
.Ltmp1:
0x57: {  	[sflag:s19] =	ssyncadd.s32 $0xFFFF2000;
	(pc) =	sbr.rel @p0 .LBB2_1-.Ltmp1, $4  }
0x58: {  	[hbm4b:s9+s2] =	stream.linear.scatter [tilespmem:s17], [sflag:$0x3], $0xE000, $0x38;
	[tilespmem:$0x1C380] =	vst v63  }
0x59: {  	_ =	swait.ge [sflag:s14], $0xE000  }
0x5a: {  	[sflag:s14] =	ssyncset.done $0x0  }
0x5b: {  	[sflag:s14] =	ssyncadd.s32 $0xFFFF2000  }
0x5c: {  	_ =	sfence.sel $0x180000  }
0x5d: {  	[bflag:$0x0] =	sbarrier.arrive $0xFFFF  }
0x5e: {  	p0 =	sne.s32 s1, $0x0;
	_ =	strace $0x90000056  }
0x5f: {  	s0 =	sadd.s32 @!p0 $0x100000, s0;
	[bflag:$0x2] =	sbarrier.arrive $0xFFFF  }
0x60: {  	[sflag:s0] =	ssyncadd.tile.s32 @!p0 $0x1;
	_ =	shalt  }
.Lfunc_end2:
_tile_overlayer_lowered:
.L_overlay_start_2:
0x61: {  	(tag) =	ssettag $0x2  }
0x62: {  	s0 =	rddreg [dreg:$0x0];
	s2 =	stileid.u32  }
0x63: {  	s1 =	rddreg [dreg:$0x1];
	p0 =	sne.s32 s2, $0x0  }
0x64: {  	s3 =	rddreg [dreg:$0x2];
	[bflag:$0x3] =	sbarrier.arrive $0xFFFF;
	s2 =	simm.s32 @!p0 $0x1C03  }
0x65: {  	[timem:s3], [sflag:s2] =	dma.local @!p0 [hbm:s0], s1  }
0x66: {  	s0 =	simm.s32 @!p0 $0x3  }
0x67: {  	_ =	swait.ge @!p0 [sflag:s0], s1  }
0x68: {  	s1 =	ssub.s32 @!p0 $0x0, s1;
	[sflag:s0] =	ssyncset.done @!p0 $0x0  }
0x69: {  	[sflag:s0] =	ssyncadd.s32 @!p0 s1  }
0x6a: {  	[bflag:$0x3] =	sbarrier.arrive $0xFFFF  }
0x6b: {  	_ =	shalt  }

</sc_bundles>
